<compile_context>
chip_gen: v7x
topology: tpu7x:2x2x1
jax: 0.10.2.dev20260603
libtpu: 0.0.44.dev20260713+nightly
codegen_flags: <defaults>
</compile_context>

<pallas_src>
import jax
import jax.numpy as jnp
from jax import lax
from jax.experimental import pallas as pl
from jax.experimental.pallas import tpu as pltpu
from jax.experimental.pallas import tpu_sc as plsc

B, S, D = 4, 8192, 768
NC, NS, L = 2, 16, 16
T = 5120
TCB = 2560
SEG = (S - T) // 8
K = 32
NBUF = 4
NJ = D // L
IDX_CAP = SEG + K



def _sc_body(feat_hbm, mask_hbm, out_hbm,
             mask_v, idx_v, gbuf, gbuf2, gbuf3, gbuf4, acc_v, r0row_v,
             part_v, shared_part, sem, sem2, sem3, sem4):
    c = lax.axis_index("c")
    s = lax.axis_index("s")
    b = c * 2 + s // 8
    base = b * S + T + (s % 8) * SEG

    pltpu.sync_copy(mask_hbm.at[pl.ds(base, SEG)], mask_v)

    r0v = jnp.full((L,), 0, dtype=jnp.int32) + base

    def fbody(t, _):
        idx_v[pl.ds(t * L, L)] = r0v
        return 0

    lax.fori_loop(0, IDX_CAP // L, fbody, 0)

    lane = lax.broadcasted_iota(jnp.int32, (L,), 0)

    def mbody(i, off):
        mv = mask_v[pl.ds(i * L, L)]
        mb = mv != 0.0
        mi = mb.astype(jnp.int32)
        pos = off + plsc.cumsum(mi) - 1
        plsc.store_scatter(idx_v, [pos], base + i * L + lane, mask=mb)
        return off + jnp.sum(mi)

    n = lax.fori_loop(0, SEG // L, mbody, jnp.int32(0))

    zero = jnp.zeros((L,), jnp.float32)

    def zbody(j, _):
        acc_v[pl.ds(j * L, L)] = zero
        return 0

    lax.fori_loop(0, NJ, zbody, 0)
    pltpu.sync_copy(feat_hbm.at[base], r0row_v)

    nrounds = (n + (K - 1)) // K

    bufs = (gbuf, gbuf2, gbuf3, gbuf4)
    sems = (sem, sem2, sem3, sem4)

    def start(r, buf, sm):
        @pl.when(r < nrounds)
        def _():
            pltpu.async_copy(feat_hbm.at[idx_v.at[pl.ds(r * K, K)]], buf, sm)

    def finish(r, buf, sm):
        @pl.when(r < nrounds)
        def _():
            pltpu.make_async_copy(feat_hbm.at[idx_v.at[pl.ds(r * K, K)]],
                                  buf, sm).wait()

            def jbody(j, _):
                dj = pl.ds(j * L, L)
                p0 = buf[0, dj]
                p1 = buf[1, dj]
                p2 = buf[2, dj]
                p3 = buf[3, dj]
                for k in range(4, K, 4):
                    p0 = p0 + buf[k, dj]
                    p1 = p1 + buf[k + 1, dj]
                    p2 = p2 + buf[k + 2, dj]
                    p3 = p3 + buf[k + 3, dj]
                plsc.addupdate(acc_v.at[dj], (p0 + p1) + (p2 + p3))
                return 0

            lax.fori_loop(0, NJ, jbody, 0)

    for t in range(NBUF):
        start(jnp.int32(t), bufs[t], sems[t])

    def pbody(r2, _):
        ra = NBUF * r2
        for t in range(NBUF):
            finish(ra + t, bufs[t], sems[t])
            start(ra + t + NBUF, bufs[t], sems[t])
        return 0

    lax.fori_loop(0, (nrounds + NBUF - 1) // NBUF, pbody, 0)

    pad = (nrounds * K - n).astype(jnp.float32)

    def cbody(j, _):
        dj = pl.ds(j * L, L)
        acc_v[dj] = acc_v[dj] - pad * r0row_v[dj]
        return 0

    lax.fori_loop(0, NJ, cbody, 0)

    pltpu.sync_copy(acc_v, shared_part.at[pl.ds(s * D, D)])
    plsc.subcore_barrier()

    @pl.when(s % 8 == 0)
    def _leader():
        pltpu.sync_copy(shared_part.at[pl.ds(s * D, 8 * D)], part_v)

        def lbody(j, _):
            tv = part_v[pl.ds(j * L, L)]
            for w in range(1, 8):
                tv = tv + part_v[pl.ds(w * D + j * L, L)]
            acc_v[pl.ds(j * L, L)] = tv
            return 0

        lax.fori_loop(0, NJ, lbody, 0)
        pltpu.sync_copy(acc_v, out_hbm.at[b, 0])


def _sc_sum(feat2d, maskf_flat):
    kern = pl.kernel(
        _sc_body,
        out_type=jax.ShapeDtypeStruct((B, 1, D), jnp.float32),
        mesh=plsc.VectorSubcoreMesh(core_axis_name="c", subcore_axis_name="s"),
        scratch_types=[
            pltpu.VMEM((SEG,), jnp.float32),
            pltpu.VMEM((IDX_CAP,), jnp.int32),
            pltpu.VMEM((K, D), jnp.float32),
            pltpu.VMEM((K, D), jnp.float32),
            pltpu.VMEM((K, D), jnp.float32),
            pltpu.VMEM((K, D), jnp.float32),
            pltpu.VMEM((D,), jnp.float32),
            pltpu.VMEM((D,), jnp.float32),
            pltpu.VMEM((8 * D,), jnp.float32),
            pltpu.VMEM_SHARED((NS * D,), jnp.float32),
            pltpu.SemaphoreType.DMA,
            pltpu.SemaphoreType.DMA,
            pltpu.SemaphoreType.DMA,
            pltpu.SemaphoreType.DMA,
        ],
        compiler_params=pltpu.CompilerParams(needs_layout_passes=False),
    )
    return kern(feat2d, maskf_flat)



def _tc_body(mask_ref, feat_ref, out_ref):
    i = pl.program_id(1)

    @pl.when(i == 0)
    def _():
        out_ref[0] = jnp.zeros((1, D), jnp.float32)

    out_ref[0] += lax.dot(mask_ref[0], feat_ref[0])


def _tc_sum(maskf3, features):
    return pl.pallas_call(
        _tc_body,
        grid=(B, T // TCB),
        in_specs=[
            pl.BlockSpec((1, 1, TCB), lambda b, i: (b * (T // TCB) + i, 0, 0)),
            pl.BlockSpec((1, TCB, D), lambda b, i: (b, i, 0)),
        ],
        out_specs=pl.BlockSpec((1, 1, D), lambda b, i: (b, 0, 0)),
        out_shape=jax.ShapeDtypeStruct((B, 1, D), jnp.float32),
    )(maskf3, features)


def _combine_body(tc_ref, sc_ref, mask_ref, out_ref):
    cnt = jnp.sum(mask_ref[...], axis=2, keepdims=True)
    denom = jnp.maximum(cnt, 1.0)
    out_ref[...] = (tc_ref[...] + sc_ref[...]) / denom


def _combine(tc_sum3d, sc_sum3d, maskf3d):
    return pl.pallas_call(
        _combine_body,
        out_shape=jax.ShapeDtypeStruct((B, 1, D), jnp.float32),
    )(tc_sum3d, sc_sum3d, maskf3d)


@jax.jit
def _pool(features, mask):
    feat2d = features.reshape(B * S, D)
    maskf = mask.astype(jnp.float32)
    maskf3 = maskf[:, :T].reshape(B * (T // TCB), 1, TCB)

    sc = _sc_sum(feat2d, maskf.reshape(-1))
    tc = _tc_sum(maskf3, features)
    return _combine(tc, sc, maskf.reshape(B, 1, S)).reshape(B, D)


def kernel(features, mask):
    return _pool(features, mask)

# --- scband reference (transcript-rebuilt; emitter-appended) ---
"""Pipeline reference for scband-pooler-6837587936138 (READ-ONLY COPY).

The authoritative reference and input builder live on the scoring server;
editing this copy changes nothing except your own understanding.
"""

import jax, jax.numpy as jnp
import numpy as np


def setup_inputs(seed: int = 0) -> dict:
    key = jax.random.key(seed)
    k1, k2 = jax.random.split(key)
    features = jax.random.normal(k1, (4, 8192, 768), dtype=jnp.float32)
    mask = jax.random.randint(k2, (4, 8192), 0, 2).astype(jnp.bool_)
    return {"features": features, "mask": mask}


def reference(features, mask):
    # Pooler with mode='mean', dropout_p=0.0 (identity), tensor-mask path.
    # mask.ndim (2) <= features.ndim - 1 (2) -> unsqueeze last dim
    m = mask[..., None]  # [B, S, 1]
    # features.masked_fill(~mask, 0).sum(-2)
    summed = jnp.where(m, features, 0.0).sum(axis=-2)  # [B, D]
    # mean: divide by mask.float().sum(-2).clamp_min(1.0)
    denom = jnp.clip(m.astype(jnp.float32).sum(axis=-2), 1.0, None)  # [B, 1]
    return summed / denom

if __name__ == "__main__":
    import jax
    _d = setup_inputs()
    print(jax.jit(kernel)(*tuple(_d.values())))

</pallas_src>

<mosaic_0001>
#map = affine_map<(d0, d1) -> (0, 0)>
#map1 = affine_map<(d0, d1) -> (0)>
#map2 = affine_map<(d0, d1) -> (0, 0, 0)>
module attributes {stable_mosaic.version = 14 : i64} {
  func.func @_sc_body(%arg0: i32, %arg1: i32, %arg2: memref<32768x768xf32, #tpu.memory_space<hbm>>, %arg3: memref<32768xf32, #tpu.memory_space<hbm>>, %arg4: memref<4x1x768xf32, #tpu.memory_space<hbm>>, %arg5: memref<384xf32, #tpu.memory_space<vmem>>, %arg6: memref<416xi32, #tpu.memory_space<vmem>>, %arg7: memref<32x768xf32, #tpu.memory_space<vmem>>, %arg8: memref<32x768xf32, #tpu.memory_space<vmem>>, %arg9: memref<32x768xf32, #tpu.memory_space<vmem>>, %arg10: memref<32x768xf32, #tpu.memory_space<vmem>>, %arg11: memref<768xf32, #tpu.memory_space<vmem>>, %arg12: memref<768xf32, #tpu.memory_space<vmem>>, %arg13: memref<6144xf32, #tpu.memory_space<vmem>>, %arg14: memref<12288xf32, #tpu.memory_space<vmem_shared>>, %arg15: memref<!tpu.dma_semaphore, #tpu.memory_space<semaphore_mem>>, %arg16: memref<!tpu.dma_semaphore, #tpu.memory_space<semaphore_mem>>, %arg17: memref<!tpu.dma_semaphore, #tpu.memory_space<semaphore_mem>>, %arg18: memref<!tpu.dma_semaphore, #tpu.memory_space<semaphore_mem>>) attributes {dimension_semantics = [#tpu.dimension_semantics<core_parallel>, #tpu.dimension_semantics<subcore_parallel>], iteration_bounds = array<i64: 2, 16>, scalar_prefetch = 0 : i64, scratch_operands = 14 : i64, tpu.core_type = #tpu.core_type<sc_vector_subcore>, window_params = [{transform_indices = #map}, {transform_indices = #map1}, {transform_indices = #map2}]} {
    %mul3A = arith.constant 2 : i32
    %mul3A_0 = arith.muli %arg0, %mul3A : i32
    %jit3A = arith.constant 8 : i32
    %div3A = arith.divsi %arg1, %jit3A : i32
    %sign3A = arith.constant 0 : i32
    %sign3A_1 = arith.cmpi sgt, %arg1, %sign3A : i32
    %sign3A_2 = arith.extui %sign3A_1 : i1 to i32
    %sign3A_3 = arith.constant 0 : i32
    %sign3A_4 = arith.cmpi slt, %arg1, %sign3A_3 : i32
    %sign3A_5 = arith.extui %sign3A_4 : i1 to i32
    %sign3A_6 = arith.subi %sign3A_2, %sign3A_5 : i32
    %sign3A_7 = arith.constant 0 : i32
    %sign3A_8 = arith.cmpi sgt, %jit3A, %sign3A_7 : i32
    %sign3A_9 = arith.extui %sign3A_8 : i1 to i32
    %sign3A_10 = arith.constant 0 : i32
    %sign3A_11 = arith.cmpi slt, %jit3A, %sign3A_10 : i32
    %sign3A_12 = arith.extui %sign3A_11 : i1 to i32
    %sign3A_13 = arith.subi %sign3A_9, %sign3A_12 : i32
    %ne3A = arith.cmpi ne, %sign3A_6, %sign3A_13 : i32
    %rem3A = arith.remsi %arg1, %jit3A : i32
    %ne3A_14 = arith.constant 0 : i32
    %ne3A_15 = arith.cmpi ne, %rem3A, %ne3A_14 : i32
    %and3A = arith.andi %ne3A, %ne3A_15 : i1
    %sub3A = arith.constant 1 : i32
    %sub3A_16 = arith.subi %div3A, %sub3A : i32
    %select_n3A = arith.select %and3A, %sub3A_16, %div3A : i32
    %add3A = arith.addi %mul3A_0, %select_n3A : i32
    %mul3A_17 = arith.constant 8192 : i32
    %mul3A_18 = arith.muli %add3A, %mul3A_17 : i32
    %add3A_19 = arith.constant 5120 : i32
    %add3A_20 = arith.addi %mul3A_18, %add3A_19 : i32
    %jit3A_21 = arith.constant 8 : i32
    %eq3A = arith.constant 0 : i32
    %eq3A_22 = arith.cmpi eq, %jit3A_21, %eq3A : i32
    %jit3A_23 = arith.constant 1 : i32
    %select_n3A_24 = arith.select %eq3A_22, %jit3A_23, %jit3A_21 : i32
    %rem3A_25 = arith.remsi %arg1, %select_n3A_24 : i32
    %ne3A_26 = arith.constant 0 : i32
    %ne3A_27 = arith.cmpi ne, %rem3A_25, %ne3A_26 : i32
    %lt3A = arith.constant 0 : i32
    %lt3A_28 = arith.cmpi slt, %rem3A_25, %lt3A : i32
    %lt3A_29 = arith.constant 0 : i32
    %lt3A_30 = arith.cmpi slt, %select_n3A_24, %lt3A_29 : i32
    %ne3A_31 = arith.xori %lt3A_28, %lt3A_30 : i1
    %and3A_32 = arith.andi %ne3A_31, %ne3A_27 : i1
    %add3A_33 = arith.addi %rem3A_25, %select_n3A_24 : i32
    %select_n3A_34 = arith.select %and3A_32, %add3A_33, %rem3A_25 : i32
    %mul3A_35 = arith.constant 384 : i32
    %mul3A_36 = arith.muli %select_n3A_34, %mul3A_35 : i32
    %add3A_37 = arith.addi %add3A_20, %mul3A_36 : i32
    "tpu.region"() ({
      %run_scoped3A = tpu.sem_alloc : memref<!tpu.dma_semaphore, #tpu.memory_space<semaphore_mem>>
      %dma_start3A = tpu.memref_slice %arg3[%add3A_37] : memref<32768xf32, #tpu.memory_space<hbm>> -> memref<384xf32, #tpu.memory_space<hbm>>
      %dma_start3A_184 = tpu.memref_slice %arg3[%add3A_37] : memref<32768xf32, #tpu.memory_space<hbm>> -> memref<384xf32, #tpu.memory_space<hbm>>
      tpu.enqueue_dma source(%dma_start3A_184 : memref<384xf32, #tpu.memory_space<hbm>>) target(%arg5 : memref<384xf32, #tpu.memory_space<vmem>>) target_semaphore(%run_scoped3A : memref<!tpu.dma_semaphore, #tpu.memory_space<semaphore_mem>>)
      %dma_wait3A = tpu.memref_slice %arg3[%add3A_37] : memref<32768xf32, #tpu.memory_space<hbm>> -> memref<384xf32, #tpu.memory_space<hbm>>
      %dma_wait3A_185 = tpu.memref_slice %arg3[%add3A_37] : memref<32768xf32, #tpu.memory_space<hbm>> -> memref<384xf32, #tpu.memory_space<hbm>>
      tpu.wait_dma2 semaphore(%run_scoped3A : memref<!tpu.dma_semaphore, #tpu.memory_space<semaphore_mem>>) src(%dma_wait3A_185 : memref<384xf32, #tpu.memory_space<hbm>>) dst(%arg5 : memref<384xf32, #tpu.memory_space<vmem>>)
      tpu.yield
    }) : () -> ()
    %broadcast_in_dim3A = arith.constant 0 : i32
    %broadcast_in_dim3A_38 = vector.broadcast %broadcast_in_dim3A : i32 to vector<16xi32>
    %add3A_39 = vector.broadcast %add3A_37 : i32 to vector<16xi32>
    %add3A_40 = arith.addi %broadcast_in_dim3A_38, %add3A_39 : vector<16xi32>
    %scan3A = arith.constant 0 : i32
    %scan3A_41 = arith.constant 0 : i32
    %scan3A_42 = arith.constant 26 : i32
    %scan3A_43 = arith.addi %scan3A_41, %scan3A_42 : i32
    %scan3A_44 = arith.constant 1 : i32
    %scan3A_45 = scf.for %scan3A_184 = %scan3A_41 to %scan3A_43 step %scan3A_44 iter_args(%scan3A_185 = %scan3A) -> (i32)  : i32 {
      %mul3A_186 = arith.constant 16 : i32
      %mul3A_187 = arith.muli %scan3A_184, %mul3A_186 : i32
      %swap3A = arith.index_cast %mul3A_187 : i32 to index
      %swap3A_188 = tpu.vector_load %arg6[%swap3A] {strides = array<i32>} : memref<416xi32, #tpu.memory_space<vmem>>, vector<16xi32>,
      tpu.vector_store %arg6[%swap3A], %add3A_40 {strides = array<i32>} : memref<416xi32, #tpu.memory_space<vmem>>, vector<16xi32>,
      %scan3A_189 = arith.constant 0 : i32
      scf.yield %scan3A_189 : i32
    }
    %scan3A_46 = arith.constant 26 : i32
    %iota3A = tpu.iota {dimensions = array<i32: 0>} : vector<16xi32>
    %scan3A_47 = arith.constant 0 : i32
    %scan3A_48 = arith.constant 0 : i32
    %scan3A_49 = arith.constant 24 : i32
    %scan3A_50 = arith.addi %scan3A_48, %scan3A_49 : i32
    %scan3A_51 = arith.constant 1 : i32
    %scan3A_52 = scf.for %scan3A_184 = %scan3A_48 to %scan3A_50 step %scan3A_51 iter_args(%scan3A_185 = %scan3A_47) -> (i32)  : i32 {
      %mul3A_186 = arith.constant 16 : i32
      %mul3A_187 = arith.muli %scan3A_184, %mul3A_186 : i32
      %get3A = arith.index_cast %mul3A_187 : i32 to index
      %get3A_188 = tpu.vector_load %arg5[%get3A] {strides = array<i32>} : memref<384xf32, #tpu.memory_space<vmem>>, vector<16xf32>,
      %ne3A_189 = arith.constant 0.000000e+00 : f32
      %ne3A_190 = vector.broadcast %ne3A_189 : f32 to vector<16xf32>
      %ne3A_191 = arith.cmpf one, %get3A_188, %ne3A_190 : vector<16xf32>
      %convert_element_type3A_192 = arith.extui %ne3A_191 : vector<16xi1> to vector<16xi32>
      %broadcast_in_dim3A_193 = arith.constant true
      %broadcast_in_dim3A_194 = vector.broadcast %broadcast_in_dim3A_193 : i1 to vector<16xi1>
      %masked_cumsum3A = tpu.scan <sum>, %convert_element_type3A_192 masked %broadcast_in_dim3A_194 : vector<16xi32>, vector<16xi1> -> vector<16xi32>
      %add3A_195 = vector.broadcast %scan3A_185 : i32 to vector<16xi32>
      %add3A_196 = arith.addi %add3A_195, %masked_cumsum3A : vector<16xi32>
      %sub3A_197 = arith.constant 1 : i32
      %sub3A_198 = vector.broadcast %sub3A_197 : i32 to vector<16xi32>
      %sub3A_199 = arith.subi %add3A_196, %sub3A_198 : vector<16xi32>
      %mul3A_200 = arith.constant 16 : i32
      %mul3A_201 = arith.muli %scan3A_184, %mul3A_200 : i32
      %add3A_202 = arith.addi %add3A_37, %mul3A_201 : i32
      %add3A_203 = vector.broadcast %add3A_202 : i32 to vector<16xi32>
      %add3A_204 = arith.addi %add3A_203, %iota3A : vector<16xi32>
      tpu.vector_store_idx %arg6[%sub3A_199], %add3A_204 masked %ne3A_191 : memref<416xi32, #tpu.memory_space<vmem>>[vector<16xi32>], vector<16xi32>, vector<16xi1>
      %reduce_sum3A = arith.constant true
      %reduce_sum3A_205 = vector.broadcast %reduce_sum3A : i1 to vector<16xi1>
      %reduce_sum3A_206 = tpu.scan <sum>, %convert_element_type3A_192 masked %reduce_sum3A_205 : vector<16xi32>, vector<16xi1> -> vector<16xi32>
      %reduce_sum3A_207 = vector.extract %reduce_sum3A_206[15] : i32 from vector<16xi32>
      %add3A_208 = arith.addi %scan3A_185, %reduce_sum3A_207 : i32
      scf.yield %add3A_208 : i32
    }
    %scan3A_53 = arith.constant 24 : i32
    %broadcast_in_dim3A_54 = arith.constant 0.000000e+00 : f32
    %broadcast_in_dim3A_55 = vector.broadcast %broadcast_in_dim3A_54 : f32 to vector<16xf32>
    %scan3A_56 = arith.constant 0 : i32
    %scan3A_57 = arith.constant 0 : i32
    %scan3A_58 = arith.constant 48 : i32
    %scan3A_59 = arith.addi %scan3A_57, %scan3A_58 : i32
    %scan3A_60 = arith.constant 1 : i32
    %scan3A_61 = scf.for %scan3A_184 = %scan3A_57 to %scan3A_59 step %scan3A_60 iter_args(%scan3A_185 = %scan3A_56) -> (i32)  : i32 {
      %mul3A_186 = arith.constant 16 : i32
      %mul3A_187 = arith.muli %scan3A_184, %mul3A_186 : i32
      %swap3A = arith.index_cast %mul3A_187 : i32 to index
      %swap3A_188 = tpu.vector_load %arg11[%swap3A] {strides = array<i32>} : memref<768xf32, #tpu.memory_space<vmem>>, vector<16xf32>,
      tpu.vector_store %arg11[%swap3A], %broadcast_in_dim3A_55 {strides = array<i32>} : memref<768xf32, #tpu.memory_space<vmem>>, vector<16xf32>,
      %scan3A_189 = arith.constant 0 : i32
      scf.yield %scan3A_189 : i32
    }
    %scan3A_62 = arith.constant 48 : i32
    "tpu.region"() ({
      %run_scoped3A = tpu.sem_alloc : memref<!tpu.dma_semaphore, #tpu.memory_space<semaphore_mem>>
      %dma_start3A = arith.constant 0 : i32
      %dma_start3A_184 = tpu.memref_slice %arg2[%add3A_37, %dma_start3A] : memref<32768x768xf32, #tpu.memory_space<hbm>> -> memref<1x768xf32, #tpu.memory_space<hbm>>
      %dma_start3A_185 = tpu.memref_squeeze %dma_start3A_184 : memref<1x768xf32, #tpu.memory_space<hbm>> -> memref<768xf32, #tpu.memory_space<hbm>>
      %dma_start3A_186 = arith.constant 0 : i32
      %dma_start3A_187 = tpu.memref_slice %arg2[%add3A_37, %dma_start3A_186] : memref<32768x768xf32, #tpu.memory_space<hbm>> -> memref<1x768xf32, #tpu.memory_space<hbm>>
      %dma_start3A_188 = tpu.memref_squeeze %dma_start3A_187 : memref<1x768xf32, #tpu.memory_space<hbm>> -> memref<768xf32, #tpu.memory_space<hbm>>
      tpu.enqueue_dma source(%dma_start3A_188 : memref<768xf32, #tpu.memory_space<hbm>>) target(%arg12 : memref<768xf32, #tpu.memory_space<vmem>>) target_semaphore(%run_scoped3A : memref<!tpu.dma_semaphore, #tpu.memory_space<semaphore_mem>>)
      %dma_wait3A = arith.constant 0 : i32
      %dma_wait3A_189 = tpu.memref_slice %arg2[%add3A_37, %dma_wait3A] : memref<32768x768xf32, #tpu.memory_space<hbm>> -> memref<1x768xf32, #tpu.memory_space<hbm>>
      %dma_wait3A_190 = tpu.memref_squeeze %dma_wait3A_189 : memref<1x768xf32, #tpu.memory_space<hbm>> -> memref<768xf32, #tpu.memory_space<hbm>>
      %dma_wait3A_191 = arith.constant 0 : i32
      %dma_wait3A_192 = tpu.memref_slice %arg2[%add3A_37, %dma_wait3A_191] : memref<32768x768xf32, #tpu.memory_space<hbm>> -> memref<1x768xf32, #tpu.memory_space<hbm>>
      %dma_wait3A_193 = tpu.memref_squeeze %dma_wait3A_192 : memref<1x768xf32, #tpu.memory_space<hbm>> -> memref<768xf32, #tpu.memory_space<hbm>>
      tpu.wait_dma2 semaphore(%run_scoped3A : memref<!tpu.dma_semaphore, #tpu.memory_space<semaphore_mem>>) src(%dma_wait3A_193 : memref<768xf32, #tpu.memory_space<hbm>>) dst(%arg12 : memref<768xf32, #tpu.memory_space<vmem>>)
      tpu.yield
    }) : () -> ()
    %add3A_63 = arith.constant 31 : i32
    %add3A_64 = arith.addi %scan3A_52, %add3A_63 : i32
    %jit3A_65 = arith.constant 32 : i32
    %div3A_66 = arith.divsi %add3A_64, %jit3A_65 : i32
    %sign3A_67 = arith.constant 0 : i32
    %sign3A_68 = arith.cmpi sgt, %add3A_64, %sign3A_67 : i32
    %sign3A_69 = arith.extui %sign3A_68 : i1 to i32
    %sign3A_70 = arith.constant 0 : i32
    %sign3A_71 = arith.cmpi slt, %add3A_64, %sign3A_70 : i32
    %sign3A_72 = arith.extui %sign3A_71 : i1 to i32
    %sign3A_73 = arith.subi %sign3A_69, %sign3A_72 : i32
    %sign3A_74 = arith.constant 0 : i32
    %sign3A_75 = arith.cmpi sgt, %jit3A_65, %sign3A_74 : i32
    %sign3A_76 = arith.extui %sign3A_75 : i1 to i32
    %sign3A_77 = arith.constant 0 : i32
    %sign3A_78 = arith.cmpi slt, %jit3A_65, %sign3A_77 : i32
    %sign3A_79 = arith.extui %sign3A_78 : i1 to i32
    %sign3A_80 = arith.subi %sign3A_76, %sign3A_79 : i32
    %ne3A_81 = arith.cmpi ne, %sign3A_73, %sign3A_80 : i32
    %rem3A_82 = arith.remsi %add3A_64, %jit3A_65 : i32
    %ne3A_83 = arith.constant 0 : i32
    %ne3A_84 = arith.cmpi ne, %rem3A_82, %ne3A_83 : i32
    %and3A_85 = arith.andi %ne3A_81, %ne3A_84 : i1
    %sub3A_86 = arith.constant 1 : i32
    %sub3A_87 = arith.subi %div3A_66, %sub3A_86 : i32
    %select_n3A_88 = arith.select %and3A_85, %sub3A_87, %div3A_66 : i32
    %lt3A_89 = arith.constant 0 : i32
    %lt3A_90 = arith.cmpi slt, %lt3A_89, %select_n3A_88 : i32
    %convert_element_type3A = arith.extui %lt3A_90 : i1 to i32
    %cond3A = arith.constant 0 : i32
    %cond3A_91 = arith.constant 0 : i32
    %cond3A_92 = arith.cmpi ne, %convert_element_type3A, %cond3A_91 : i32
    scf.if %cond3A_92 {
      %mul3A_184 = arith.constant 32 : i32
      %mul3A_185 = arith.muli %cond3A, %mul3A_184 : i32
      %dma_start3A = tpu.memref_slice %arg6[%mul3A_185] : memref<416xi32, #tpu.memory_space<vmem>> -> memref<32xi32, #tpu.memory_space<vmem>>
      %dma_start3A_186 = arith.constant 0 : i32
      %dma_start3A_187 = arith.constant 0 : i32
      %dma_start3A_188 = tpu.memref_slice %arg2[%dma_start3A_186, %dma_start3A_187] : memref<32768x768xf32, #tpu.memory_space<hbm>> -> memref<32768x768xf32, #tpu.memory_space<hbm>>
      tpu.enqueue_indirect_dma source(%dma_start3A_188 : memref<32768x768xf32, #tpu.memory_space<hbm>>) target(%arg7 : memref<32x768xf32, #tpu.memory_space<vmem>>) offsets(%dma_start3A : memref<32xi32, #tpu.memory_space<vmem>>) semaphore(%arg15 : memref<!tpu.dma_semaphore, #tpu.memory_space<semaphore_mem>>)
    } else {
    }
    %lt3A_93 = arith.constant 1 : i32
    %lt3A_94 = arith.cmpi slt, %lt3A_93, %select_n3A_88 : i32
    %convert_element_type3A_95 = arith.extui %lt3A_94 : i1 to i32
    %cond3A_96 = arith.constant 1 : i32
    %cond3A_97 = arith.constant 0 : i32
    %cond3A_98 = arith.cmpi ne, %convert_element_type3A_95, %cond3A_97 : i32
    scf.if %cond3A_98 {
      %mul3A_184 = arith.constant 32 : i32
      %mul3A_185 = arith.muli %cond3A_96, %mul3A_184 : i32
      %dma_start3A = tpu.memref_slice %arg6[%mul3A_185] : memref<416xi32, #tpu.memory_space<vmem>> -> memref<32xi32, #tpu.memory_space<vmem>>
      %dma_start3A_186 = arith.constant 0 : i32
      %dma_start3A_187 = arith.constant 0 : i32
      %dma_start3A_188 = tpu.memref_slice %arg2[%dma_start3A_186, %dma_start3A_187] : memref<32768x768xf32, #tpu.memory_space<hbm>> -> memref<32768x768xf32, #tpu.memory_space<hbm>>
      tpu.enqueue_indirect_dma source(%dma_start3A_188 : memref<32768x768xf32, #tpu.memory_space<hbm>>) target(%arg8 : memref<32x768xf32, #tpu.memory_space<vmem>>) offsets(%dma_start3A : memref<32xi32, #tpu.memory_space<vmem>>) semaphore(%arg16 : memref<!tpu.dma_semaphore, #tpu.memory_space<semaphore_mem>>)
    } else {
    }
    %lt3A_99 = arith.constant 2 : i32
    %lt3A_100 = arith.cmpi slt, %lt3A_99, %select_n3A_88 : i32
    %convert_element_type3A_101 = arith.extui %lt3A_100 : i1 to i32
    %cond3A_102 = arith.constant 2 : i32
    %cond3A_103 = arith.constant 0 : i32
    %cond3A_104 = arith.cmpi ne, %convert_element_type3A_101, %cond3A_103 : i32
    scf.if %cond3A_104 {
      %mul3A_184 = arith.constant 32 : i32
      %mul3A_185 = arith.muli %cond3A_102, %mul3A_184 : i32
      %dma_start3A = tpu.memref_slice %arg6[%mul3A_185] : memref<416xi32, #tpu.memory_space<vmem>> -> memref<32xi32, #tpu.memory_space<vmem>>
      %dma_start3A_186 = arith.constant 0 : i32
      %dma_start3A_187 = arith.constant 0 : i32
      %dma_start3A_188 = tpu.memref_slice %arg2[%dma_start3A_186, %dma_start3A_187] : memref<32768x768xf32, #tpu.memory_space<hbm>> -> memref<32768x768xf32, #tpu.memory_space<hbm>>
      tpu.enqueue_indirect_dma source(%dma_start3A_188 : memref<32768x768xf32, #tpu.memory_space<hbm>>) target(%arg9 : memref<32x768xf32, #tpu.memory_space<vmem>>) offsets(%dma_start3A : memref<32xi32, #tpu.memory_space<vmem>>) semaphore(%arg17 : memref<!tpu.dma_semaphore, #tpu.memory_space<semaphore_mem>>)
    } else {
    }
    %lt3A_105 = arith.constant 3 : i32
    %lt3A_106 = arith.cmpi slt, %lt3A_105, %select_n3A_88 : i32
    %convert_element_type3A_107 = arith.extui %lt3A_106 : i1 to i32
    %cond3A_108 = arith.constant 3 : i32
    %cond3A_109 = arith.constant 0 : i32
    %cond3A_110 = arith.cmpi ne, %convert_element_type3A_107, %cond3A_109 : i32
    scf.if %cond3A_110 {
      %mul3A_184 = arith.constant 32 : i32
      %mul3A_185 = arith.muli %cond3A_108, %mul3A_184 : i32
      %dma_start3A = tpu.memref_slice %arg6[%mul3A_185] : memref<416xi32, #tpu.memory_space<vmem>> -> memref<32xi32, #tpu.memory_space<vmem>>
      %dma_start3A_186 = arith.constant 0 : i32
      %dma_start3A_187 = arith.constant 0 : i32
      %dma_start3A_188 = tpu.memref_slice %arg2[%dma_start3A_186, %dma_start3A_187] : memref<32768x768xf32, #tpu.memory_space<hbm>> -> memref<32768x768xf32, #tpu.memory_space<hbm>>
      tpu.enqueue_indirect_dma source(%dma_start3A_188 : memref<32768x768xf32, #tpu.memory_space<hbm>>) target(%arg10 : memref<32x768xf32, #tpu.memory_space<vmem>>) offsets(%dma_start3A : memref<32xi32, #tpu.memory_space<vmem>>) semaphore(%arg18 : memref<!tpu.dma_semaphore, #tpu.memory_space<semaphore_mem>>)
    } else {
    }
    %add3A_111 = arith.constant 4 : i32
    %add3A_112 = arith.addi %select_n3A_88, %add3A_111 : i32
    %sub3A_113 = arith.constant 1 : i32
    %sub3A_114 = arith.subi %add3A_112, %sub3A_113 : i32
    %jit3A_115 = arith.constant 4 : i32
    %div3A_116 = arith.divsi %sub3A_114, %jit3A_115 : i32
    %sign3A_117 = arith.constant 0 : i32
    %sign3A_118 = arith.cmpi sgt, %sub3A_114, %sign3A_117 : i32
    %sign3A_119 = arith.extui %sign3A_118 : i1 to i32
    %sign3A_120 = arith.constant 0 : i32
    %sign3A_121 = arith.cmpi slt, %sub3A_114, %sign3A_120 : i32
    %sign3A_122 = arith.extui %sign3A_121 : i1 to i32
    %sign3A_123 = arith.subi %sign3A_119, %sign3A_122 : i32
    %sign3A_124 = arith.constant 0 : i32
    %sign3A_125 = arith.cmpi sgt, %jit3A_115, %sign3A_124 : i32
    %sign3A_126 = arith.extui %sign3A_125 : i1 to i32
    %sign3A_127 = arith.constant 0 : i32
    %sign3A_128 = arith.cmpi slt, %jit3A_115, %sign3A_127 : i32
    %sign3A_129 = arith.extui %sign3A_128 : i1 to i32
    %sign3A_130 = arith.subi %sign3A_126, %sign3A_129 : i32
    %ne3A_131 = arith.cmpi ne, %sign3A_123, %sign3A_130 : i32
    %rem3A_132 = arith.remsi %sub3A_114, %jit3A_115 : i32
    %ne3A_133 = arith.constant 0 : i32
    %ne3A_134 = arith.cmpi ne, %rem3A_132, %ne3A_133 : i32
    %and3A_135 = arith.andi %ne3A_131, %ne3A_134 : i1
    %sub3A_136 = arith.constant 1 : i32
    %sub3A_137 = arith.subi %div3A_116, %sub3A_136 : i32
    %select_n3A_138 = arith.select %and3A_135, %sub3A_137, %div3A_116 : i32
    %while3A = arith.constant 0 : i32
    %while3A_139 = arith.constant 0 : i32
    %while3A_140 = arith.subi %select_n3A_138, %while3A : i32
    %while3A_141 = arith.addi %while3A, %while3A_140 : i32
    %while3A_142 = arith.constant 1 : i32
    %while3A_143 = arith.divsi %while3A_140, %while3A_142 : i32
    %while3A_144 = arith.muli %while3A_143, %while3A_142 : i32
    %while3A_145 = arith.addi %while3A, %while3A_144 : i32
    %while3A_146 = arith.constant 1 : i32
    %while3A_147 = scf.for %while3A_184 = %while3A to %while3A_145 step %while3A_146 iter_args(%while3A_185 = %while3A_139) -> (i32)  : i32 {
      %mul3A_186 = arith.constant 4 : i32
      %mul3A_187 = arith.muli %mul3A_186, %while3A_184 : i32
      %add3A_188 = arith.constant 0 : i32
      %add3A_189 = arith.addi %mul3A_187, %add3A_188 : i32
      %lt3A_190 = arith.cmpi slt, %add3A_189, %select_n3A_88 : i32
      %convert_element_type3A_191 = arith.extui %lt3A_190 : i1 to i32
      %cond3A_192 = arith.constant 0 : i32
      %cond3A_193 = arith.cmpi ne, %convert_element_type3A_191, %cond3A_192 : i32
      scf.if %cond3A_193 {
        %mul3A_245 = arith.constant 32 : i32
        %mul3A_246 = arith.muli %add3A_189, %mul3A_245 : i32
        %dma_wait3A = tpu.memref_slice %arg6[%mul3A_246] : memref<416xi32, #tpu.memory_space<vmem>> -> memref<32xi32, #tpu.memory_space<vmem>>
        %dma_wait3A_247 = arith.constant 0 : i32
        %dma_wait3A_248 = arith.constant 0 : i32
        %dma_wait3A_249 = tpu.memref_slice %arg2[%dma_wait3A_247, %dma_wait3A_248] : memref<32768x768xf32, #tpu.memory_space<hbm>> -> memref<32768x768xf32, #tpu.memory_space<hbm>>
        tpu.wait_indirect_dma semaphore(%arg15 : memref<!tpu.dma_semaphore, #tpu.memory_space<semaphore_mem>>) src(%dma_wait3A_249 : memref<32768x768xf32, #tpu.memory_space<hbm>>) dst(%arg7 : memref<32x768xf32, #tpu.memory_space<vmem>>)
        %scan3A_250 = arith.constant 0 : i32
        %scan3A_251 = arith.constant 0 : i32
        %scan3A_252 = arith.constant 48 : i32
        %scan3A_253 = arith.addi %scan3A_251, %scan3A_252 : i32
        %scan3A_254 = arith.constant 1 : i32
        %scan3A_255 = scf.for %scan3A_257 = %scan3A_251 to %scan3A_253 step %scan3A_254 iter_args(%scan3A_258 = %scan3A_250) -> (i32)  : i32 {
          %mul3A_259 = arith.constant 16 : i32
          %mul3A_260 = arith.muli %scan3A_257, %mul3A_259 : i32
          %get3A = arith.constant 0 : i32
          %get3A_261 = arith.index_cast %get3A : i32 to index
          %get3A_262 = arith.index_cast %mul3A_260 : i32 to index
          %get3A_263 = tpu.vector_load %arg7[%get3A_261, %get3A_262] {strides = array<i32>} : memref<32x768xf32, #tpu.memory_space<vmem>>, vector<16xf32>,
          %get3A_264 = arith.constant 1 : i32
          %get3A_265 = arith.index_cast %get3A_264 : i32 to index
          %get3A_266 = arith.index_cast %mul3A_260 : i32 to index
          %get3A_267 = tpu.vector_load %arg7[%get3A_265, %get3A_266] {strides = array<i32>} : memref<32x768xf32, #tpu.memory_space<vmem>>, vector<16xf32>,
          %get3A_268 = arith.constant 2 : i32
          %get3A_269 = arith.index_cast %get3A_268 : i32 to index
          %get3A_270 = arith.index_cast %mul3A_260 : i32 to index
          %get3A_271 = tpu.vector_load %arg7[%get3A_269, %get3A_270] {strides = array<i32>} : memref<32x768xf32, #tpu.memory_space<vmem>>, vector<16xf32>,
          %get3A_272 = arith.constant 3 : i32
          %get3A_273 = arith.index_cast %get3A_272 : i32 to index
          %get3A_274 = arith.index_cast %mul3A_260 : i32 to index
          %get3A_275 = tpu.vector_load %arg7[%get3A_273, %get3A_274] {strides = array<i32>} : memref<32x768xf32, #tpu.memory_space<vmem>>, vector<16xf32>,
          %get3A_276 = arith.constant 4 : i32
          %get3A_277 = arith.index_cast %get3A_276 : i32 to index
          %get3A_278 = arith.index_cast %mul3A_260 : i32 to index
          %get3A_279 = tpu.vector_load %arg7[%get3A_277, %get3A_278] {strides = array<i32>} : memref<32x768xf32, #tpu.memory_space<vmem>>, vector<16xf32>,
          %add3A_280 = arith.addf %get3A_263, %get3A_279 : vector<16xf32>
          %get3A_281 = arith.constant 5 : i32
          %get3A_282 = arith.index_cast %get3A_281 : i32 to index
          %get3A_283 = arith.index_cast %mul3A_260 : i32 to index
          %get3A_284 = tpu.vector_load %arg7[%get3A_282, %get3A_283] {strides = array<i32>} : memref<32x768xf32, #tpu.memory_space<vmem>>, vector<16xf32>,
          %add3A_285 = arith.addf %get3A_267, %get3A_284 : vector<16xf32>
          %get3A_286 = arith.constant 6 : i32
          %get3A_287 = arith.index_cast %get3A_286 : i32 to index
          %get3A_288 = arith.index_cast %mul3A_260 : i32 to index
          %get3A_289 = tpu.vector_load %arg7[%get3A_287, %get3A_288] {strides = array<i32>} : memref<32x768xf32, #tpu.memory_space<vmem>>, vector<16xf32>,
          %add3A_290 = arith.addf %get3A_271, %get3A_289 : vector<16xf32>
          %get3A_291 = arith.constant 7 : i32
          %get3A_292 = arith.index_cast %get3A_291 : i32 to index
          %get3A_293 = arith.index_cast %mul3A_260 : i32 to index
          %get3A_294 = tpu.vector_load %arg7[%get3A_292, %get3A_293] {strides = array<i32>} : memref<32x768xf32, #tpu.memory_space<vmem>>, vector<16xf32>,
          %add3A_295 = arith.addf %get3A_275, %get3A_294 : vector<16xf32>
          %get3A_296 = arith.constant 8 : i32
          %get3A_297 = arith.index_cast %get3A_296 : i32 to index
          %get3A_298 = arith.index_cast %mul3A_260 : i32 to index
          %get3A_299 = tpu.vector_load %arg7[%get3A_297, %get3A_298] {strides = array<i32>} : memref<32x768xf32, #tpu.memory_space<vmem>>, vector<16xf32>,
          %add3A_300 = arith.addf %add3A_280, %get3A_299 : vector<16xf32>
          %get3A_301 = arith.constant 9 : i32
          %get3A_302 = arith.index_cast %get3A_301 : i32 to index
          %get3A_303 = arith.index_cast %mul3A_260 : i32 to index
          %get3A_304 = tpu.vector_load %arg7[%get3A_302, %get3A_303] {strides = array<i32>} : memref<32x768xf32, #tpu.memory_space<vmem>>, vector<16xf32>,
          %add3A_305 = arith.addf %add3A_285, %get3A_304 : vector<16xf32>
          %get3A_306 = arith.constant 10 : i32
          %get3A_307 = arith.index_cast %get3A_306 : i32 to index
          %get3A_308 = arith.index_cast %mul3A_260 : i32 to index
          %get3A_309 = tpu.vector_load %arg7[%get3A_307, %get3A_308] {strides = array<i32>} : memref<32x768xf32, #tpu.memory_space<vmem>>, vector<16xf32>,
          %add3A_310 = arith.addf %add3A_290, %get3A_309 : vector<16xf32>
          %get3A_311 = arith.constant 11 : i32
          %get3A_312 = arith.index_cast %get3A_311 : i32 to index
          %get3A_313 = arith.index_cast %mul3A_260 : i32 to index
          %get3A_314 = tpu.vector_load %arg7[%get3A_312, %get3A_313] {strides = array<i32>} : memref<32x768xf32, #tpu.memory_space<vmem>>, vector<16xf32>,
          %add3A_315 = arith.addf %add3A_295, %get3A_314 : vector<16xf32>
          %get3A_316 = arith.constant 12 : i32
          %get3A_317 = arith.index_cast %get3A_316 : i32 to index
          %get3A_318 = arith.index_cast %mul3A_260 : i32 to index
          %get3A_319 = tpu.vector_load %arg7[%get3A_317, %get3A_318] {strides = array<i32>} : memref<32x768xf32, #tpu.memory_space<vmem>>, vector<16xf32>,
          %add3A_320 = arith.addf %add3A_300, %get3A_319 : vector<16xf32>
          %get3A_321 = arith.constant 13 : i32
          %get3A_322 = arith.index_cast %get3A_321 : i32 to index
          %get3A_323 = arith.index_cast %mul3A_260 : i32 to index
          %get3A_324 = tpu.vector_load %arg7[%get3A_322, %get3A_323] {strides = array<i32>} : memref<32x768xf32, #tpu.memory_space<vmem>>, vector<16xf32>,
          %add3A_325 = arith.addf %add3A_305, %get3A_324 : vector<16xf32>
          %get3A_326 = arith.constant 14 : i32
          %get3A_327 = arith.index_cast %get3A_326 : i32 to index
          %get3A_328 = arith.index_cast %mul3A_260 : i32 to index
          %get3A_329 = tpu.vector_load %arg7[%get3A_327, %get3A_328] {strides = array<i32>} : memref<32x768xf32, #tpu.memory_space<vmem>>, vector<16xf32>,
          %add3A_330 = arith.addf %add3A_310, %get3A_329 : vector<16xf32>
          %get3A_331 = arith.constant 15 : i32
          %get3A_332 = arith.index_cast %get3A_331 : i32 to index
          %get3A_333 = arith.index_cast %mul3A_260 : i32 to index
          %get3A_334 = tpu.vector_load %arg7[%get3A_332, %get3A_333] {strides = array<i32>} : memref<32x768xf32, #tpu.memory_space<vmem>>, vector<16xf32>,
          %add3A_335 = arith.addf %add3A_315, %get3A_334 : vector<16xf32>
          %get3A_336 = arith.constant 16 : i32
          %get3A_337 = arith.index_cast %get3A_336 : i32 to index
          %get3A_338 = arith.index_cast %mul3A_260 : i32 to index
          %get3A_339 = tpu.vector_load %arg7[%get3A_337, %get3A_338] {strides = array<i32>} : memref<32x768xf32, #tpu.memory_space<vmem>>, vector<16xf32>,
          %add3A_340 = arith.addf %add3A_320, %get3A_339 : vector<16xf32>
          %get3A_341 = arith.constant 17 : i32
          %get3A_342 = arith.index_cast %get3A_341 : i32 to index
          %get3A_343 = arith.index_cast %mul3A_260 : i32 to index
          %get3A_344 = tpu.vector_load %arg7[%get3A_342, %get3A_343] {strides = array<i32>} : memref<32x768xf32, #tpu.memory_space<vmem>>, vector<16xf32>,
          %add3A_345 = arith.addf %add3A_325, %get3A_344 : vector<16xf32>
          %get3A_346 = arith.constant 18 : i32
          %get3A_347 = arith.index_cast %get3A_346 : i32 to index
          %get3A_348 = arith.index_cast %mul3A_260 : i32 to index
          %get3A_349 = tpu.vector_load %arg7[%get3A_347, %get3A_348] {strides = array<i32>} : memref<32x768xf32, #tpu.memory_space<vmem>>, vector<16xf32>,
          %add3A_350 = arith.addf %add3A_330, %get3A_349 : vector<16xf32>
          %get3A_351 = arith.constant 19 : i32
          %get3A_352 = arith.index_cast %get3A_351 : i32 to index
          %get3A_353 = arith.index_cast %mul3A_260 : i32 to index
          %get3A_354 = tpu.vector_load %arg7[%get3A_352, %get3A_353] {strides = array<i32>} : memref<32x768xf32, #tpu.memory_space<vmem>>, vector<16xf32>,
          %add3A_355 = arith.addf %add3A_335, %get3A_354 : vector<16xf32>
          %get3A_356 = arith.constant 20 : i32
          %get3A_357 = arith.index_cast %get3A_356 : i32 to index
          %get3A_358 = arith.index_cast %mul3A_260 : i32 to index
          %get3A_359 = tpu.vector_load %arg7[%get3A_357, %get3A_358] {strides = array<i32>} : memref<32x768xf32, #tpu.memory_space<vmem>>, vector<16xf32>,
          %add3A_360 = arith.addf %add3A_340, %get3A_359 : vector<16xf32>
          %get3A_361 = arith.constant 21 : i32
          %get3A_362 = arith.index_cast %get3A_361 : i32 to index
          %get3A_363 = arith.index_cast %mul3A_260 : i32 to index
          %get3A_364 = tpu.vector_load %arg7[%get3A_362, %get3A_363] {strides = array<i32>} : memref<32x768xf32, #tpu.memory_space<vmem>>, vector<16xf32>,
          %add3A_365 = arith.addf %add3A_345, %get3A_364 : vector<16xf32>
          %get3A_366 = arith.constant 22 : i32
          %get3A_367 = arith.index_cast %get3A_366 : i32 to index
          %get3A_368 = arith.index_cast %mul3A_260 : i32 to index
          %get3A_369 = tpu.vector_load %arg7[%get3A_367, %get3A_368] {strides = array<i32>} : memref<32x768xf32, #tpu.memory_space<vmem>>, vector<16xf32>,
          %add3A_370 = arith.addf %add3A_350, %get3A_369 : vector<16xf32>
          %get3A_371 = arith.constant 23 : i32
          %get3A_372 = arith.index_cast %get3A_371 : i32 to index
          %get3A_373 = arith.index_cast %mul3A_260 : i32 to index
          %get3A_374 = tpu.vector_load %arg7[%get3A_372, %get3A_373] {strides = array<i32>} : memref<32x768xf32, #tpu.memory_space<vmem>>, vector<16xf32>,
          %add3A_375 = arith.addf %add3A_355, %get3A_374 : vector<16xf32>
          %get3A_376 = arith.constant 24 : i32
          %get3A_377 = arith.index_cast %get3A_376 : i32 to index
          %get3A_378 = arith.index_cast %mul3A_260 : i32 to index
          %get3A_379 = tpu.vector_load %arg7[%get3A_377, %get3A_378] {strides = array<i32>} : memref<32x768xf32, #tpu.memory_space<vmem>>, vector<16xf32>,
          %add3A_380 = arith.addf %add3A_360, %get3A_379 : vector<16xf32>
          %get3A_381 = arith.constant 25 : i32
          %get3A_382 = arith.index_cast %get3A_381 : i32 to index
          %get3A_383 = arith.index_cast %mul3A_260 : i32 to index
          %get3A_384 = tpu.vector_load %arg7[%get3A_382, %get3A_383] {strides = array<i32>} : memref<32x768xf32, #tpu.memory_space<vmem>>, vector<16xf32>,
          %add3A_385 = arith.addf %add3A_365, %get3A_384 : vector<16xf32>
          %get3A_386 = arith.constant 26 : i32
          %get3A_387 = arith.index_cast %get3A_386 : i32 to index
          %get3A_388 = arith.index_cast %mul3A_260 : i32 to index
          %get3A_389 = tpu.vector_load %arg7[%get3A_387, %get3A_388] {strides = array<i32>} : memref<32x768xf32, #tpu.memory_space<vmem>>, vector<16xf32>,
          %add3A_390 = arith.addf %add3A_370, %get3A_389 : vector<16xf32>
          %get3A_391 = arith.constant 27 : i32
          %get3A_392 = arith.index_cast %get3A_391 : i32 to index
          %get3A_393 = arith.index_cast %mul3A_260 : i32 to index
          %get3A_394 = tpu.vector_load %arg7[%get3A_392, %get3A_393] {strides = array<i32>} : memref<32x768xf32, #tpu.memory_space<vmem>>, vector<16xf32>,
          %add3A_395 = arith.addf %add3A_375, %get3A_394 : vector<16xf32>
          %get3A_396 = arith.constant 28 : i32
          %get3A_397 = arith.index_cast %get3A_396 : i32 to index
          %get3A_398 = arith.index_cast %mul3A_260 : i32 to index
          %get3A_399 = tpu.vector_load %arg7[%get3A_397, %get3A_398] {strides = array<i32>} : memref<32x768xf32, #tpu.memory_space<vmem>>, vector<16xf32>,
          %add3A_400 = arith.addf %add3A_380, %get3A_399 : vector<16xf32>
          %get3A_401 = arith.constant 29 : i32
          %get3A_402 = arith.index_cast %get3A_401 : i32 to index
          %get3A_403 = arith.index_cast %mul3A_260 : i32 to index
          %get3A_404 = tpu.vector_load %arg7[%get3A_402, %get3A_403] {strides = array<i32>} : memref<32x768xf32, #tpu.memory_space<vmem>>, vector<16xf32>,
          %add3A_405 = arith.addf %add3A_385, %get3A_404 : vector<16xf32>
          %get3A_406 = arith.constant 30 : i32
          %get3A_407 = arith.index_cast %get3A_406 : i32 to index
          %get3A_408 = arith.index_cast %mul3A_260 : i32 to index
          %get3A_409 = tpu.vector_load %arg7[%get3A_407, %get3A_408] {strides = array<i32>} : memref<32x768xf32, #tpu.memory_space<vmem>>, vector<16xf32>,
          %add3A_410 = arith.addf %add3A_390, %get3A_409 : vector<16xf32>
          %get3A_411 = arith.constant 31 : i32
          %get3A_412 = arith.index_cast %get3A_411 : i32 to index
          %get3A_413 = arith.index_cast %mul3A_260 : i32 to index
          %get3A_414 = tpu.vector_load %arg7[%get3A_412, %get3A_413] {strides = array<i32>} : memref<32x768xf32, #tpu.memory_space<vmem>>, vector<16xf32>,
          %add3A_415 = arith.addf %add3A_395, %get3A_414 : vector<16xf32>
          %add3A_416 = arith.addf %add3A_400, %add3A_405 : vector<16xf32>
          %add3A_417 = arith.addf %add3A_410, %add3A_415 : vector<16xf32>
          %add3A_418 = arith.addf %add3A_416, %add3A_417 : vector<16xf32>
          %swap3A = arith.index_cast %mul3A_260 : i32 to index
          %swap3A_419 = tpu.vector_load %arg11[%swap3A] {strides = array<i32>} : memref<768xf32, #tpu.memory_space<vmem>>, vector<16xf32>,
          tpu.vector_store %arg11[%swap3A], %add3A_418 {add = true, strides = array<i32>} : memref<768xf32, #tpu.memory_space<vmem>>, vector<16xf32>,
          %scan3A_420 = arith.constant 0 : i32
          scf.yield %scan3A_420 : i32
        }
        %scan3A_256 = arith.constant 48 : i32
      } else {
      }
      %add3A_194 = arith.constant 0 : i32
      %add3A_195 = arith.addi %mul3A_187, %add3A_194 : i32
      %add3A_196 = arith.constant 4 : i32
      %add3A_197 = arith.addi %add3A_195, %add3A_196 : i32
      %lt3A_198 = arith.cmpi slt, %add3A_197, %select_n3A_88 : i32
      %convert_element_type3A_199 = arith.extui %lt3A_198 : i1 to i32
      %cond3A_200 = arith.constant 0 : i32
      %cond3A_201 = arith.cmpi ne, %convert_element_type3A_199, %cond3A_200 : i32
      scf.if %cond3A_201 {
        %mul3A_245 = arith.constant 32 : i32
        %mul3A_246 = arith.muli %add3A_197, %mul3A_245 : i32
        %dma_start3A = tpu.memref_slice %arg6[%mul3A_246] : memref<416xi32, #tpu.memory_space<vmem>> -> memref<32xi32, #tpu.memory_space<vmem>>
        %dma_start3A_247 = arith.constant 0 : i32
        %dma_start3A_248 = arith.constant 0 : i32
        %dma_start3A_249 = tpu.memref_slice %arg2[%dma_start3A_247, %dma_start3A_248] : memref<32768x768xf32, #tpu.memory_space<hbm>> -> memref<32768x768xf32, #tpu.memory_space<hbm>>
        tpu.enqueue_indirect_dma source(%dma_start3A_249 : memref<32768x768xf32, #tpu.memory_space<hbm>>) target(%arg7 : memref<32x768xf32, #tpu.memory_space<vmem>>) offsets(%dma_start3A : memref<32xi32, #tpu.memory_space<vmem>>) semaphore(%arg15 : memref<!tpu.dma_semaphore, #tpu.memory_space<semaphore_mem>>)
      } else {
      }
      %add3A_202 = arith.constant 1 : i32
      %add3A_203 = arith.addi %mul3A_187, %add3A_202 : i32
      %lt3A_204 = arith.cmpi slt, %add3A_203, %select_n3A_88 : i32
      %convert_element_type3A_205 = arith.extui %lt3A_204 : i1 to i32
      %cond3A_206 = arith.constant 0 : i32
      %cond3A_207 = arith.cmpi ne, %convert_element_type3A_205, %cond3A_206 : i32
      scf.if %cond3A_207 {
        %mul3A_245 = arith.constant 32 : i32
        %mul3A_246 = arith.muli %add3A_203, %mul3A_245 : i32
        %dma_wait3A = tpu.memref_slice %arg6[%mul3A_246] : memref<416xi32, #tpu.memory_space<vmem>> -> memref<32xi32, #tpu.memory_space<vmem>>
        %dma_wait3A_247 = arith.constant 0 : i32
        %dma_wait3A_248 = arith.constant 0 : i32
        %dma_wait3A_249 = tpu.memref_slice %arg2[%dma_wait3A_247, %dma_wait3A_248] : memref<32768x768xf32, #tpu.memory_space<hbm>> -> memref<32768x768xf32, #tpu.memory_space<hbm>>
        tpu.wait_indirect_dma semaphore(%arg16 : memref<!tpu.dma_semaphore, #tpu.memory_space<semaphore_mem>>) src(%dma_wait3A_249 : memref<32768x768xf32, #tpu.memory_space<hbm>>) dst(%arg8 : memref<32x768xf32, #tpu.memory_space<vmem>>)
        %scan3A_250 = arith.constant 0 : i32
        %scan3A_251 = arith.constant 0 : i32
        %scan3A_252 = arith.constant 48 : i32
        %scan3A_253 = arith.addi %scan3A_251, %scan3A_252 : i32
        %scan3A_254 = arith.constant 1 : i32
        %scan3A_255 = scf.for %scan3A_257 = %scan3A_251 to %scan3A_253 step %scan3A_254 iter_args(%scan3A_258 = %scan3A_250) -> (i32)  : i32 {
          %mul3A_259 = arith.constant 16 : i32
          %mul3A_260 = arith.muli %scan3A_257, %mul3A_259 : i32
          %get3A = arith.constant 0 : i32
          %get3A_261 = arith.index_cast %get3A : i32 to index
          %get3A_262 = arith.index_cast %mul3A_260 : i32 to index
          %get3A_263 = tpu.vector_load %arg8[%get3A_261, %get3A_262] {strides = array<i32>} : memref<32x768xf32, #tpu.memory_space<vmem>>, vector<16xf32>,
          %get3A_264 = arith.constant 1 : i32
          %get3A_265 = arith.index_cast %get3A_264 : i32 to index
          %get3A_266 = arith.index_cast %mul3A_260 : i32 to index
          %get3A_267 = tpu.vector_load %arg8[%get3A_265, %get3A_266] {strides = array<i32>} : memref<32x768xf32, #tpu.memory_space<vmem>>, vector<16xf32>,
          %get3A_268 = arith.constant 2 : i32
          %get3A_269 = arith.index_cast %get3A_268 : i32 to index
          %get3A_270 = arith.index_cast %mul3A_260 : i32 to index
          %get3A_271 = tpu.vector_load %arg8[%get3A_269, %get3A_270] {strides = array<i32>} : memref<32x768xf32, #tpu.memory_space<vmem>>, vector<16xf32>,
          %get3A_272 = arith.constant 3 : i32
          %get3A_273 = arith.index_cast %get3A_272 : i32 to index
          %get3A_274 = arith.index_cast %mul3A_260 : i32 to index
          %get3A_275 = tpu.vector_load %arg8[%get3A_273, %get3A_274] {strides = array<i32>} : memref<32x768xf32, #tpu.memory_space<vmem>>, vector<16xf32>,
          %get3A_276 = arith.constant 4 : i32
          %get3A_277 = arith.index_cast %get3A_276 : i32 to index
          %get3A_278 = arith.index_cast %mul3A_260 : i32 to index
          %get3A_279 = tpu.vector_load %arg8[%get3A_277, %get3A_278] {strides = array<i32>} : memref<32x768xf32, #tpu.memory_space<vmem>>, vector<16xf32>,
          %add3A_280 = arith.addf %get3A_263, %get3A_279 : vector<16xf32>
          %get3A_281 = arith.constant 5 : i32
          %get3A_282 = arith.index_cast %get3A_281 : i32 to index
          %get3A_283 = arith.index_cast %mul3A_260 : i32 to index
          %get3A_284 = tpu.vector_load %arg8[%get3A_282, %get3A_283] {strides = array<i32>} : memref<32x768xf32, #tpu.memory_space<vmem>>, vector<16xf32>,
          %add3A_285 = arith.addf %get3A_267, %get3A_284 : vector<16xf32>
          %get3A_286 = arith.constant 6 : i32
          %get3A_287 = arith.index_cast %get3A_286 : i32 to index
          %get3A_288 = arith.index_cast %mul3A_260 : i32 to index
          %get3A_289 = tpu.vector_load %arg8[%get3A_287, %get3A_288] {strides = array<i32>} : memref<32x768xf32, #tpu.memory_space<vmem>>, vector<16xf32>,
          %add3A_290 = arith.addf %get3A_271, %get3A_289 : vector<16xf32>
          %get3A_291 = arith.constant 7 : i32
          %get3A_292 = arith.index_cast %get3A_291 : i32 to index
          %get3A_293 = arith.index_cast %mul3A_260 : i32 to index
          %get3A_294 = tpu.vector_load %arg8[%get3A_292, %get3A_293] {strides = array<i32>} : memref<32x768xf32, #tpu.memory_space<vmem>>, vector<16xf32>,
          %add3A_295 = arith.addf %get3A_275, %get3A_294 : vector<16xf32>
          %get3A_296 = arith.constant 8 : i32
          %get3A_297 = arith.index_cast %get3A_296 : i32 to index
          %get3A_298 = arith.index_cast %mul3A_260 : i32 to index
          %get3A_299 = tpu.vector_load %arg8[%get3A_297, %get3A_298] {strides = array<i32>} : memref<32x768xf32, #tpu.memory_space<vmem>>, vector<16xf32>,
          %add3A_300 = arith.addf %add3A_280, %get3A_299 : vector<16xf32>
          %get3A_301 = arith.constant 9 : i32
          %get3A_302 = arith.index_cast %get3A_301 : i32 to index
          %get3A_303 = arith.index_cast %mul3A_260 : i32 to index
          %get3A_304 = tpu.vector_load %arg8[%get3A_302, %get3A_303] {strides = array<i32>} : memref<32x768xf32, #tpu.memory_space<vmem>>, vector<16xf32>,
          %add3A_305 = arith.addf %add3A_285, %get3A_304 : vector<16xf32>
          %get3A_306 = arith.constant 10 : i32
          %get3A_307 = arith.index_cast %get3A_306 : i32 to index
          %get3A_308 = arith.index_cast %mul3A_260 : i32 to index
          %get3A_309 = tpu.vector_load %arg8[%get3A_307, %get3A_308] {strides = array<i32>} : memref<32x768xf32, #tpu.memory_space<vmem>>, vector<16xf32>,
          %add3A_310 = arith.addf %add3A_290, %get3A_309 : vector<16xf32>
          %get3A_311 = arith.constant 11 : i32
          %get3A_312 = arith.index_cast %get3A_311 : i32 to index
          %get3A_313 = arith.index_cast %mul3A_260 : i32 to index
          %get3A_314 = tpu.vector_load %arg8[%get3A_312, %get3A_313] {strides = array<i32>} : memref<32x768xf32, #tpu.memory_space<vmem>>, vector<16xf32>,
          %add3A_315 = arith.addf %add3A_295, %get3A_314 : vector<16xf32>
          %get3A_316 = arith.constant 12 : i32
          %get3A_317 = arith.index_cast %get3A_316 : i32 to index
          %get3A_318 = arith.index_cast %mul3A_260 : i32 to index
          %get3A_319 = tpu.vector_load %arg8[%get3A_317, %get3A_318] {strides = array<i32>} : memref<32x768xf32, #tpu.memory_space<vmem>>, vector<16xf32>,
          %add3A_320 = arith.addf %add3A_300, %get3A_319 : vector<16xf32>
          %get3A_321 = arith.constant 13 : i32
          %get3A_322 = arith.index_cast %get3A_321 : i32 to index
          %get3A_323 = arith.index_cast %mul3A_260 : i32 to index
          %get3A_324 = tpu.vector_load %arg8[%get3A_322, %get3A_323] {strides = array<i32>} : memref<32x768xf32, #tpu.memory_space<vmem>>, vector<16xf32>,
          %add3A_325 = arith.addf %add3A_305, %get3A_324 : vector<16xf32>
          %get3A_326 = arith.constant 14 : i32
          %get3A_327 = arith.index_cast %get3A_326 : i32 to index
          %get3A_328 = arith.index_cast %mul3A_260 : i32 to index
          %get3A_329 = tpu.vector_load %arg8[%get3A_327, %get3A_328] {strides = array<i32>} : memref<32x768xf32, #tpu.memory_space<vmem>>, vector<16xf32>,
          %add3A_330 = arith.addf %add3A_310, %get3A_329 : vector<16xf32>
          %get3A_331 = arith.constant 15 : i32
          %get3A_332 = arith.index_cast %get3A_331 : i32 to index
          %get3A_333 = arith.index_cast %mul3A_260 : i32 to index
          %get3A_334 = tpu.vector_load %arg8[%get3A_332, %get3A_333] {strides = array<i32>} : memref<32x768xf32, #tpu.memory_space<vmem>>, vector<16xf32>,
          %add3A_335 = arith.addf %add3A_315, %get3A_334 : vector<16xf32>
          %get3A_336 = arith.constant 16 : i32
          %get3A_337 = arith.index_cast %get3A_336 : i32 to index
          %get3A_338 = arith.index_cast %mul3A_260 : i32 to index
          %get3A_339 = tpu.vector_load %arg8[%get3A_337, %get3A_338] {strides = array<i32>} : memref<32x768xf32, #tpu.memory_space<vmem>>, vector<16xf32>,
          %add3A_340 = arith.addf %add3A_320, %get3A_339 : vector<16xf32>
          %get3A_341 = arith.constant 17 : i32
          %get3A_342 = arith.index_cast %get3A_341 : i32 to index
          %get3A_343 = arith.index_cast %mul3A_260 : i32 to index
          %get3A_344 = tpu.vector_load %arg8[%get3A_342, %get3A_343] {strides = array<i32>} : memref<32x768xf32, #tpu.memory_space<vmem>>, vector<16xf32>,
          %add3A_345 = arith.addf %add3A_325, %get3A_344 : vector<16xf32>
          %get3A_346 = arith.constant 18 : i32
          %get3A_347 = arith.index_cast %get3A_346 : i32 to index
          %get3A_348 = arith.index_cast %mul3A_260 : i32 to index
          %get3A_349 = tpu.vector_load %arg8[%get3A_347, %get3A_348] {strides = array<i32>} : memref<32x768xf32, #tpu.memory_space<vmem>>, vector<16xf32>,
          %add3A_350 = arith.addf %add3A_330, %get3A_349 : vector<16xf32>
          %get3A_351 = arith.constant 19 : i32
          %get3A_352 = arith.index_cast %get3A_351 : i32 to index
          %get3A_353 = arith.index_cast %mul3A_260 : i32 to index
          %get3A_354 = tpu.vector_load %arg8[%get3A_352, %get3A_353] {strides = array<i32>} : memref<32x768xf32, #tpu.memory_space<vmem>>, vector<16xf32>,
          %add3A_355 = arith.addf %add3A_335, %get3A_354 : vector<16xf32>
          %get3A_356 = arith.constant 20 : i32
          %get3A_357 = arith.index_cast %get3A_356 : i32 to index
          %get3A_358 = arith.index_cast %mul3A_260 : i32 to index
          %get3A_359 = tpu.vector_load %arg8[%get3A_357, %get3A_358] {strides = array<i32>} : memref<32x768xf32, #tpu.memory_space<vmem>>, vector<16xf32>,
          %add3A_360 = arith.addf %add3A_340, %get3A_359 : vector<16xf32>
          %get3A_361 = arith.constant 21 : i32
          %get3A_362 = arith.index_cast %get3A_361 : i32 to index
          %get3A_363 = arith.index_cast %mul3A_260 : i32 to index
          %get3A_364 = tpu.vector_load %arg8[%get3A_362, %get3A_363] {strides = array<i32>} : memref<32x768xf32, #tpu.memory_space<vmem>>, vector<16xf32>,
          %add3A_365 = arith.addf %add3A_345, %get3A_364 : vector<16xf32>
          %get3A_366 = arith.constant 22 : i32
          %get3A_367 = arith.index_cast %get3A_366 : i32 to index
          %get3A_368 = arith.index_cast %mul3A_260 : i32 to index
          %get3A_369 = tpu.vector_load %arg8[%get3A_367, %get3A_368] {strides = array<i32>} : memref<32x768xf32, #tpu.memory_space<vmem>>, vector<16xf32>,
          %add3A_370 = arith.addf %add3A_350, %get3A_369 : vector<16xf32>
          %get3A_371 = arith.constant 23 : i32
          %get3A_372 = arith.index_cast %get3A_371 : i32 to index
          %get3A_373 = arith.index_cast %mul3A_260 : i32 to index
          %get3A_374 = tpu.vector_load %arg8[%get3A_372, %get3A_373] {strides = array<i32>} : memref<32x768xf32, #tpu.memory_space<vmem>>, vector<16xf32>,
          %add3A_375 = arith.addf %add3A_355, %get3A_374 : vector<16xf32>
          %get3A_376 = arith.constant 24 : i32
          %get3A_377 = arith.index_cast %get3A_376 : i32 to index
          %get3A_378 = arith.index_cast %mul3A_260 : i32 to index
          %get3A_379 = tpu.vector_load %arg8[%get3A_377, %get3A_378] {strides = array<i32>} : memref<32x768xf32, #tpu.memory_space<vmem>>, vector<16xf32>,
          %add3A_380 = arith.addf %add3A_360, %get3A_379 : vector<16xf32>
          %get3A_381 = arith.constant 25 : i32
          %get3A_382 = arith.index_cast %get3A_381 : i32 to index
          %get3A_383 = arith.index_cast %mul3A_260 : i32 to index
          %get3A_384 = tpu.vector_load %arg8[%get3A_382, %get3A_383] {strides = array<i32>} : memref<32x768xf32, #tpu.memory_space<vmem>>, vector<16xf32>,
          %add3A_385 = arith.addf %add3A_365, %get3A_384 : vector<16xf32>
          %get3A_386 = arith.constant 26 : i32
          %get3A_387 = arith.index_cast %get3A_386 : i32 to index
          %get3A_388 = arith.index_cast %mul3A_260 : i32 to index
          %get3A_389 = tpu.vector_load %arg8[%get3A_387, %get3A_388] {strides = array<i32>} : memref<32x768xf32, #tpu.memory_space<vmem>>, vector<16xf32>,
          %add3A_390 = arith.addf %add3A_370, %get3A_389 : vector<16xf32>
          %get3A_391 = arith.constant 27 : i32
          %get3A_392 = arith.index_cast %get3A_391 : i32 to index
          %get3A_393 = arith.index_cast %mul3A_260 : i32 to index
          %get3A_394 = tpu.vector_load %arg8[%get3A_392, %get3A_393] {strides = array<i32>} : memref<32x768xf32, #tpu.memory_space<vmem>>, vector<16xf32>,
          %add3A_395 = arith.addf %add3A_375, %get3A_394 : vector<16xf32>
          %get3A_396 = arith.constant 28 : i32
          %get3A_397 = arith.index_cast %get3A_396 : i32 to index
          %get3A_398 = arith.index_cast %mul3A_260 : i32 to index
          %get3A_399 = tpu.vector_load %arg8[%get3A_397, %get3A_398] {strides = array<i32>} : memref<32x768xf32, #tpu.memory_space<vmem>>, vector<16xf32>,
          %add3A_400 = arith.addf %add3A_380, %get3A_399 : vector<16xf32>
          %get3A_401 = arith.constant 29 : i32
          %get3A_402 = arith.index_cast %get3A_401 : i32 to index
          %get3A_403 = arith.index_cast %mul3A_260 : i32 to index
          %get3A_404 = tpu.vector_load %arg8[%get3A_402, %get3A_403] {strides = array<i32>} : memref<32x768xf32, #tpu.memory_space<vmem>>, vector<16xf32>,
          %add3A_405 = arith.addf %add3A_385, %get3A_404 : vector<16xf32>
          %get3A_406 = arith.constant 30 : i32
          %get3A_407 = arith.index_cast %get3A_406 : i32 to index
          %get3A_408 = arith.index_cast %mul3A_260 : i32 to index
          %get3A_409 = tpu.vector_load %arg8[%get3A_407, %get3A_408] {strides = array<i32>} : memref<32x768xf32, #tpu.memory_space<vmem>>, vector<16xf32>,
          %add3A_410 = arith.addf %add3A_390, %get3A_409 : vector<16xf32>
          %get3A_411 = arith.constant 31 : i32
          %get3A_412 = arith.index_cast %get3A_411 : i32 to index
          %get3A_413 = arith.index_cast %mul3A_260 : i32 to index
          %get3A_414 = tpu.vector_load %arg8[%get3A_412, %get3A_413] {strides = array<i32>} : memref<32x768xf32, #tpu.memory_space<vmem>>, vector<16xf32>,
          %add3A_415 = arith.addf %add3A_395, %get3A_414 : vector<16xf32>
          %add3A_416 = arith.addf %add3A_400, %add3A_405 : vector<16xf32>
          %add3A_417 = arith.addf %add3A_410, %add3A_415 : vector<16xf32>
          %add3A_418 = arith.addf %add3A_416, %add3A_417 : vector<16xf32>
          %swap3A = arith.index_cast %mul3A_260 : i32 to index
          %swap3A_419 = tpu.vector_load %arg11[%swap3A] {strides = array<i32>} : memref<768xf32, #tpu.memory_space<vmem>>, vector<16xf32>,
          tpu.vector_store %arg11[%swap3A], %add3A_418 {add = true, strides = array<i32>} : memref<768xf32, #tpu.memory_space<vmem>>, vector<16xf32>,
          %scan3A_420 = arith.constant 0 : i32
          scf.yield %scan3A_420 : i32
        }
        %scan3A_256 = arith.constant 48 : i32
      } else {
      }
      %add3A_208 = arith.constant 1 : i32
      %add3A_209 = arith.addi %mul3A_187, %add3A_208 : i32
      %add3A_210 = arith.constant 4 : i32
      %add3A_211 = arith.addi %add3A_209, %add3A_210 : i32
      %lt3A_212 = arith.cmpi slt, %add3A_211, %select_n3A_88 : i32
      %convert_element_type3A_213 = arith.extui %lt3A_212 : i1 to i32
      %cond3A_214 = arith.constant 0 : i32
      %cond3A_215 = arith.cmpi ne, %convert_element_type3A_213, %cond3A_214 : i32
      scf.if %cond3A_215 {
        %mul3A_245 = arith.constant 32 : i32
        %mul3A_246 = arith.muli %add3A_211, %mul3A_245 : i32
        %dma_start3A = tpu.memref_slice %arg6[%mul3A_246] : memref<416xi32, #tpu.memory_space<vmem>> -> memref<32xi32, #tpu.memory_space<vmem>>
        %dma_start3A_247 = arith.constant 0 : i32
        %dma_start3A_248 = arith.constant 0 : i32
        %dma_start3A_249 = tpu.memref_slice %arg2[%dma_start3A_247, %dma_start3A_248] : memref<32768x768xf32, #tpu.memory_space<hbm>> -> memref<32768x768xf32, #tpu.memory_space<hbm>>
        tpu.enqueue_indirect_dma source(%dma_start3A_249 : memref<32768x768xf32, #tpu.memory_space<hbm>>) target(%arg8 : memref<32x768xf32, #tpu.memory_space<vmem>>) offsets(%dma_start3A : memref<32xi32, #tpu.memory_space<vmem>>) semaphore(%arg16 : memref<!tpu.dma_semaphore, #tpu.memory_space<semaphore_mem>>)
      } else {
      }
      %add3A_216 = arith.constant 2 : i32
      %add3A_217 = arith.addi %mul3A_187, %add3A_216 : i32
      %lt3A_218 = arith.cmpi slt, %add3A_217, %select_n3A_88 : i32
      %convert_element_type3A_219 = arith.extui %lt3A_218 : i1 to i32
      %cond3A_220 = arith.constant 0 : i32
      %cond3A_221 = arith.cmpi ne, %convert_element_type3A_219, %cond3A_220 : i32
      scf.if %cond3A_221 {
        %mul3A_245 = arith.constant 32 : i32
        %mul3A_246 = arith.muli %add3A_217, %mul3A_245 : i32
        %dma_wait3A = tpu.memref_slice %arg6[%mul3A_246] : memref<416xi32, #tpu.memory_space<vmem>> -> memref<32xi32, #tpu.memory_space<vmem>>
        %dma_wait3A_247 = arith.constant 0 : i32
        %dma_wait3A_248 = arith.constant 0 : i32
        %dma_wait3A_249 = tpu.memref_slice %arg2[%dma_wait3A_247, %dma_wait3A_248] : memref<32768x768xf32, #tpu.memory_space<hbm>> -> memref<32768x768xf32, #tpu.memory_space<hbm>>
        tpu.wait_indirect_dma semaphore(%arg17 : memref<!tpu.dma_semaphore, #tpu.memory_space<semaphore_mem>>) src(%dma_wait3A_249 : memref<32768x768xf32, #tpu.memory_space<hbm>>) dst(%arg9 : memref<32x768xf32, #tpu.memory_space<vmem>>)
        %scan3A_250 = arith.constant 0 : i32
        %scan3A_251 = arith.constant 0 : i32
        %scan3A_252 = arith.constant 48 : i32
        %scan3A_253 = arith.addi %scan3A_251, %scan3A_252 : i32
        %scan3A_254 = arith.constant 1 : i32
        %scan3A_255 = scf.for %scan3A_257 = %scan3A_251 to %scan3A_253 step %scan3A_254 iter_args(%scan3A_258 = %scan3A_250) -> (i32)  : i32 {
          %mul3A_259 = arith.constant 16 : i32
          %mul3A_260 = arith.muli %scan3A_257, %mul3A_259 : i32
          %get3A = arith.constant 0 : i32
          %get3A_261 = arith.index_cast %get3A : i32 to index
          %get3A_262 = arith.index_cast %mul3A_260 : i32 to index
          %get3A_263 = tpu.vector_load %arg9[%get3A_261, %get3A_262] {strides = array<i32>} : memref<32x768xf32, #tpu.memory_space<vmem>>, vector<16xf32>,
          %get3A_264 = arith.constant 1 : i32
          %get3A_265 = arith.index_cast %get3A_264 : i32 to index
          %get3A_266 = arith.index_cast %mul3A_260 : i32 to index
          %get3A_267 = tpu.vector_load %arg9[%get3A_265, %get3A_266] {strides = array<i32>} : memref<32x768xf32, #tpu.memory_space<vmem>>, vector<16xf32>,
          %get3A_268 = arith.constant 2 : i32
          %get3A_269 = arith.index_cast %get3A_268 : i32 to index
          %get3A_270 = arith.index_cast %mul3A_260 : i32 to index
          %get3A_271 = tpu.vector_load %arg9[%get3A_269, %get3A_270] {strides = array<i32>} : memref<32x768xf32, #tpu.memory_space<vmem>>, vector<16xf32>,
          %get3A_272 = arith.constant 3 : i32
          %get3A_273 = arith.index_cast %get3A_272 : i32 to index
          %get3A_274 = arith.index_cast %mul3A_260 : i32 to index
          %get3A_275 = tpu.vector_load %arg9[%get3A_273, %get3A_274] {strides = array<i32>} : memref<32x768xf32, #tpu.memory_space<vmem>>, vector<16xf32>,
          %get3A_276 = arith.constant 4 : i32
          %get3A_277 = arith.index_cast %get3A_276 : i32 to index
          %get3A_278 = arith.index_cast %mul3A_260 : i32 to index
          %get3A_279 = tpu.vector_load %arg9[%get3A_277, %get3A_278] {strides = array<i32>} : memref<32x768xf32, #tpu.memory_space<vmem>>, vector<16xf32>,
          %add3A_280 = arith.addf %get3A_263, %get3A_279 : vector<16xf32>
          %get3A_281 = arith.constant 5 : i32
          %get3A_282 = arith.index_cast %get3A_281 : i32 to index
          %get3A_283 = arith.index_cast %mul3A_260 : i32 to index
          %get3A_284 = tpu.vector_load %arg9[%get3A_282, %get3A_283] {strides = array<i32>} : memref<32x768xf32, #tpu.memory_space<vmem>>, vector<16xf32>,
          %add3A_285 = arith.addf %get3A_267, %get3A_284 : vector<16xf32>
          %get3A_286 = arith.constant 6 : i32
          %get3A_287 = arith.index_cast %get3A_286 : i32 to index
          %get3A_288 = arith.index_cast %mul3A_260 : i32 to index
          %get3A_289 = tpu.vector_load %arg9[%get3A_287, %get3A_288] {strides = array<i32>} : memref<32x768xf32, #tpu.memory_space<vmem>>, vector<16xf32>,
          %add3A_290 = arith.addf %get3A_271, %get3A_289 : vector<16xf32>
          %get3A_291 = arith.constant 7 : i32
          %get3A_292 = arith.index_cast %get3A_291 : i32 to index
          %get3A_293 = arith.index_cast %mul3A_260 : i32 to index
          %get3A_294 = tpu.vector_load %arg9[%get3A_292, %get3A_293] {strides = array<i32>} : memref<32x768xf32, #tpu.memory_space<vmem>>, vector<16xf32>,
          %add3A_295 = arith.addf %get3A_275, %get3A_294 : vector<16xf32>
          %get3A_296 = arith.constant 8 : i32
          %get3A_297 = arith.index_cast %get3A_296 : i32 to index
          %get3A_298 = arith.index_cast %mul3A_260 : i32 to index
          %get3A_299 = tpu.vector_load %arg9[%get3A_297, %get3A_298] {strides = array<i32>} : memref<32x768xf32, #tpu.memory_space<vmem>>, vector<16xf32>,
          %add3A_300 = arith.addf %add3A_280, %get3A_299 : vector<16xf32>
          %get3A_301 = arith.constant 9 : i32
          %get3A_302 = arith.index_cast %get3A_301 : i32 to index
          %get3A_303 = arith.index_cast %mul3A_260 : i32 to index
          %get3A_304 = tpu.vector_load %arg9[%get3A_302, %get3A_303] {strides = array<i32>} : memref<32x768xf32, #tpu.memory_space<vmem>>, vector<16xf32>,
          %add3A_305 = arith.addf %add3A_285, %get3A_304 : vector<16xf32>
          %get3A_306 = arith.constant 10 : i32
          %get3A_307 = arith.index_cast %get3A_306 : i32 to index
          %get3A_308 = arith.index_cast %mul3A_260 : i32 to index
          %get3A_309 = tpu.vector_load %arg9[%get3A_307, %get3A_308] {strides = array<i32>} : memref<32x768xf32, #tpu.memory_space<vmem>>, vector<16xf32>,
          %add3A_310 = arith.addf %add3A_290, %get3A_309 : vector<16xf32>
          %get3A_311 = arith.constant 11 : i32
          %get3A_312 = arith.index_cast %get3A_311 : i32 to index
          %get3A_313 = arith.index_cast %mul3A_260 : i32 to index
          %get3A_314 = tpu.vector_load %arg9[%get3A_312, %get3A_313] {strides = array<i32>} : memref<32x768xf32, #tpu.memory_space<vmem>>, vector<16xf32>,
          %add3A_315 = arith.addf %add3A_295, %get3A_314 : vector<16xf32>
          %get3A_316 = arith.constant 12 : i32
          %get3A_317 = arith.index_cast %get3A_316 : i32 to index
          %get3A_318 = arith.index_cast %mul3A_260 : i32 to index
          %get3A_319 = tpu.vector_load %arg9[%get3A_317, %get3A_318] {strides = array<i32>} : memref<32x768xf32, #tpu.memory_space<vmem>>, vector<16xf32>,
          %add3A_320 = arith.addf %add3A_300, %get3A_319 : vector<16xf32>
          %get3A_321 = arith.constant 13 : i32
          %get3A_322 = arith.index_cast %get3A_321 : i32 to index
          %get3A_323 = arith.index_cast %mul3A_260 : i32 to index
          %get3A_324 = tpu.vector_load %arg9[%get3A_322, %get3A_323] {strides = array<i32>} : memref<32x768xf32, #tpu.memory_space<vmem>>, vector<16xf32>,
          %add3A_325 = arith.addf %add3A_305, %get3A_324 : vector<16xf32>
          %get3A_326 = arith.constant 14 : i32
          %get3A_327 = arith.index_cast %get3A_326 : i32 to index
          %get3A_328 = arith.index_cast %mul3A_260 : i32 to index
          %get3A_329 = tpu.vector_load %arg9[%get3A_327, %get3A_328] {strides = array<i32>} : memref<32x768xf32, #tpu.memory_space<vmem>>, vector<16xf32>,
          %add3A_330 = arith.addf %add3A_310, %get3A_329 : vector<16xf32>
          %get3A_331 = arith.constant 15 : i32
          %get3A_332 = arith.index_cast %get3A_331 : i32 to index
          %get3A_333 = arith.index_cast %mul3A_260 : i32 to index
          %get3A_334 = tpu.vector_load %arg9[%get3A_332, %get3A_333] {strides = array<i32>} : memref<32x768xf32, #tpu.memory_space<vmem>>, vector<16xf32>,
          %add3A_335 = arith.addf %add3A_315, %get3A_334 : vector<16xf32>
          %get3A_336 = arith.constant 16 : i32
          %get3A_337 = arith.index_cast %get3A_336 : i32 to index
          %get3A_338 = arith.index_cast %mul3A_260 : i32 to index
          %get3A_339 = tpu.vector_load %arg9[%get3A_337, %get3A_338] {strides = array<i32>} : memref<32x768xf32, #tpu.memory_space<vmem>>, vector<16xf32>,
          %add3A_340 = arith.addf %add3A_320, %get3A_339 : vector<16xf32>
          %get3A_341 = arith.constant 17 : i32
          %get3A_342 = arith.index_cast %get3A_341 : i32 to index
          %get3A_343 = arith.index_cast %mul3A_260 : i32 to index
          %get3A_344 = tpu.vector_load %arg9[%get3A_342, %get3A_343] {strides = array<i32>} : memref<32x768xf32, #tpu.memory_space<vmem>>, vector<16xf32>,
          %add3A_345 = arith.addf %add3A_325, %get3A_344 : vector<16xf32>
          %get3A_346 = arith.constant 18 : i32
          %get3A_347 = arith.index_cast %get3A_346 : i32 to index
          %get3A_348 = arith.index_cast %mul3A_260 : i32 to index
          %get3A_349 = tpu.vector_load %arg9[%get3A_347, %get3A_348] {strides = array<i32>} : memref<32x768xf32, #tpu.memory_space<vmem>>, vector<16xf32>,
          %add3A_350 = arith.addf %add3A_330, %get3A_349 : vector<16xf32>
          %get3A_351 = arith.constant 19 : i32
          %get3A_352 = arith.index_cast %get3A_351 : i32 to index
          %get3A_353 = arith.index_cast %mul3A_260 : i32 to index
          %get3A_354 = tpu.vector_load %arg9[%get3A_352, %get3A_353] {strides = array<i32>} : memref<32x768xf32, #tpu.memory_space<vmem>>, vector<16xf32>,
          %add3A_355 = arith.addf %add3A_335, %get3A_354 : vector<16xf32>
          %get3A_356 = arith.constant 20 : i32
          %get3A_357 = arith.index_cast %get3A_356 : i32 to index
          %get3A_358 = arith.index_cast %mul3A_260 : i32 to index
          %get3A_359 = tpu.vector_load %arg9[%get3A_357, %get3A_358] {strides = array<i32>} : memref<32x768xf32, #tpu.memory_space<vmem>>, vector<16xf32>,
          %add3A_360 = arith.addf %add3A_340, %get3A_359 : vector<16xf32>
          %get3A_361 = arith.constant 21 : i32
          %get3A_362 = arith.index_cast %get3A_361 : i32 to index
          %get3A_363 = arith.index_cast %mul3A_260 : i32 to index
          %get3A_364 = tpu.vector_load %arg9[%get3A_362, %get3A_363] {strides = array<i32>} : memref<32x768xf32, #tpu.memory_space<vmem>>, vector<16xf32>,
          %add3A_365 = arith.addf %add3A_345, %get3A_364 : vector<16xf32>
          %get3A_366 = arith.constant 22 : i32
          %get3A_367 = arith.index_cast %get3A_366 : i32 to index
          %get3A_368 = arith.index_cast %mul3A_260 : i32 to index
          %get3A_369 = tpu.vector_load %arg9[%get3A_367, %get3A_368] {strides = array<i32>} : memref<32x768xf32, #tpu.memory_space<vmem>>, vector<16xf32>,
          %add3A_370 = arith.addf %add3A_350, %get3A_369 : vector<16xf32>
          %get3A_371 = arith.constant 23 : i32
          %get3A_372 = arith.index_cast %get3A_371 : i32 to index
          %get3A_373 = arith.index_cast %mul3A_260 : i32 to index
          %get3A_374 = tpu.vector_load %arg9[%get3A_372, %get3A_373] {strides = array<i32>} : memref<32x768xf32, #tpu.memory_space<vmem>>, vector<16xf32>,
          %add3A_375 = arith.addf %add3A_355, %get3A_374 : vector<16xf32>
          %get3A_376 = arith.constant 24 : i32
          %get3A_377 = arith.index_cast %get3A_376 : i32 to index
          %get3A_378 = arith.index_cast %mul3A_260 : i32 to index
          %get3A_379 = tpu.vector_load %arg9[%get3A_377, %get3A_378] {strides = array<i32>} : memref<32x768xf32, #tpu.memory_space<vmem>>, vector<16xf32>,
          %add3A_380 = arith.addf %add3A_360, %get3A_379 : vector<16xf32>
          %get3A_381 = arith.constant 25 : i32
          %get3A_382 = arith.index_cast %get3A_381 : i32 to index
          %get3A_383 = arith.index_cast %mul3A_260 : i32 to index
          %get3A_384 = tpu.vector_load %arg9[%get3A_382, %get3A_383] {strides = array<i32>} : memref<32x768xf32, #tpu.memory_space<vmem>>, vector<16xf32>,
          %add3A_385 = arith.addf %add3A_365, %get3A_384 : vector<16xf32>
          %get3A_386 = arith.constant 26 : i32
          %get3A_387 = arith.index_cast %get3A_386 : i32 to index
          %get3A_388 = arith.index_cast %mul3A_260 : i32 to index
          %get3A_389 = tpu.vector_load %arg9[%get3A_387, %get3A_388] {strides = array<i32>} : memref<32x768xf32, #tpu.memory_space<vmem>>, vector<16xf32>,
          %add3A_390 = arith.addf %add3A_370, %get3A_389 : vector<16xf32>
          %get3A_391 = arith.constant 27 : i32
          %get3A_392 = arith.index_cast %get3A_391 : i32 to index
          %get3A_393 = arith.index_cast %mul3A_260 : i32 to index
          %get3A_394 = tpu.vector_load %arg9[%get3A_392, %get3A_393] {strides = array<i32>} : memref<32x768xf32, #tpu.memory_space<vmem>>, vector<16xf32>,
          %add3A_395 = arith.addf %add3A_375, %get3A_394 : vector<16xf32>
          %get3A_396 = arith.constant 28 : i32
          %get3A_397 = arith.index_cast %get3A_396 : i32 to index
          %get3A_398 = arith.index_cast %mul3A_260 : i32 to index
          %get3A_399 = tpu.vector_load %arg9[%get3A_397, %get3A_398] {strides = array<i32>} : memref<32x768xf32, #tpu.memory_space<vmem>>, vector<16xf32>,
          %add3A_400 = arith.addf %add3A_380, %get3A_399 : vector<16xf32>
          %get3A_401 = arith.constant 29 : i32
          %get3A_402 = arith.index_cast %get3A_401 : i32 to index
          %get3A_403 = arith.index_cast %mul3A_260 : i32 to index
          %get3A_404 = tpu.vector_load %arg9[%get3A_402, %get3A_403] {strides = array<i32>} : memref<32x768xf32, #tpu.memory_space<vmem>>, vector<16xf32>,
          %add3A_405 = arith.addf %add3A_385, %get3A_404 : vector<16xf32>
          %get3A_406 = arith.constant 30 : i32
          %get3A_407 = arith.index_cast %get3A_406 : i32 to index
          %get3A_408 = arith.index_cast %mul3A_260 : i32 to index
          %get3A_409 = tpu.vector_load %arg9[%get3A_407, %get3A_408] {strides = array<i32>} : memref<32x768xf32, #tpu.memory_space<vmem>>, vector<16xf32>,
          %add3A_410 = arith.addf %add3A_390, %get3A_409 : vector<16xf32>
          %get3A_411 = arith.constant 31 : i32
          %get3A_412 = arith.index_cast %get3A_411 : i32 to index
          %get3A_413 = arith.index_cast %mul3A_260 : i32 to index
          %get3A_414 = tpu.vector_load %arg9[%get3A_412, %get3A_413] {strides = array<i32>} : memref<32x768xf32, #tpu.memory_space<vmem>>, vector<16xf32>,
          %add3A_415 = arith.addf %add3A_395, %get3A_414 : vector<16xf32>
          %add3A_416 = arith.addf %add3A_400, %add3A_405 : vector<16xf32>
          %add3A_417 = arith.addf %add3A_410, %add3A_415 : vector<16xf32>
          %add3A_418 = arith.addf %add3A_416, %add3A_417 : vector<16xf32>
          %swap3A = arith.index_cast %mul3A_260 : i32 to index
          %swap3A_419 = tpu.vector_load %arg11[%swap3A] {strides = array<i32>} : memref<768xf32, #tpu.memory_space<vmem>>, vector<16xf32>,
          tpu.vector_store %arg11[%swap3A], %add3A_418 {add = true, strides = array<i32>} : memref<768xf32, #tpu.memory_space<vmem>>, vector<16xf32>,
          %scan3A_420 = arith.constant 0 : i32
          scf.yield %scan3A_420 : i32
        }
        %scan3A_256 = arith.constant 48 : i32
      } else {
      }
      %add3A_222 = arith.constant 2 : i32
      %add3A_223 = arith.addi %mul3A_187, %add3A_222 : i32
      %add3A_224 = arith.constant 4 : i32
      %add3A_225 = arith.addi %add3A_223, %add3A_224 : i32
      %lt3A_226 = arith.cmpi slt, %add3A_225, %select_n3A_88 : i32
      %convert_element_type3A_227 = arith.extui %lt3A_226 : i1 to i32
      %cond3A_228 = arith.constant 0 : i32
      %cond3A_229 = arith.cmpi ne, %convert_element_type3A_227, %cond3A_228 : i32
      scf.if %cond3A_229 {
        %mul3A_245 = arith.constant 32 : i32
        %mul3A_246 = arith.muli %add3A_225, %mul3A_245 : i32
        %dma_start3A = tpu.memref_slice %arg6[%mul3A_246] : memref<416xi32, #tpu.memory_space<vmem>> -> memref<32xi32, #tpu.memory_space<vmem>>
        %dma_start3A_247 = arith.constant 0 : i32
        %dma_start3A_248 = arith.constant 0 : i32
        %dma_start3A_249 = tpu.memref_slice %arg2[%dma_start3A_247, %dma_start3A_248] : memref<32768x768xf32, #tpu.memory_space<hbm>> -> memref<32768x768xf32, #tpu.memory_space<hbm>>
        tpu.enqueue_indirect_dma source(%dma_start3A_249 : memref<32768x768xf32, #tpu.memory_space<hbm>>) target(%arg9 : memref<32x768xf32, #tpu.memory_space<vmem>>) offsets(%dma_start3A : memref<32xi32, #tpu.memory_space<vmem>>) semaphore(%arg17 : memref<!tpu.dma_semaphore, #tpu.memory_space<semaphore_mem>>)
      } else {
      }
      %add3A_230 = arith.constant 3 : i32
      %add3A_231 = arith.addi %mul3A_187, %add3A_230 : i32
      %lt3A_232 = arith.cmpi slt, %add3A_231, %select_n3A_88 : i32
      %convert_element_type3A_233 = arith.extui %lt3A_232 : i1 to i32
      %cond3A_234 = arith.constant 0 : i32
      %cond3A_235 = arith.cmpi ne, %convert_element_type3A_233, %cond3A_234 : i32
      scf.if %cond3A_235 {
        %mul3A_245 = arith.constant 32 : i32
        %mul3A_246 = arith.muli %add3A_231, %mul3A_245 : i32
        %dma_wait3A = tpu.memref_slice %arg6[%mul3A_246] : memref<416xi32, #tpu.memory_space<vmem>> -> memref<32xi32, #tpu.memory_space<vmem>>
        %dma_wait3A_247 = arith.constant 0 : i32
        %dma_wait3A_248 = arith.constant 0 : i32
        %dma_wait3A_249 = tpu.memref_slice %arg2[%dma_wait3A_247, %dma_wait3A_248] : memref<32768x768xf32, #tpu.memory_space<hbm>> -> memref<32768x768xf32, #tpu.memory_space<hbm>>
        tpu.wait_indirect_dma semaphore(%arg18 : memref<!tpu.dma_semaphore, #tpu.memory_space<semaphore_mem>>) src(%dma_wait3A_249 : memref<32768x768xf32, #tpu.memory_space<hbm>>) dst(%arg10 : memref<32x768xf32, #tpu.memory_space<vmem>>)
        %scan3A_250 = arith.constant 0 : i32
        %scan3A_251 = arith.constant 0 : i32
        %scan3A_252 = arith.constant 48 : i32
        %scan3A_253 = arith.addi %scan3A_251, %scan3A_252 : i32
        %scan3A_254 = arith.constant 1 : i32
        %scan3A_255 = scf.for %scan3A_257 = %scan3A_251 to %scan3A_253 step %scan3A_254 iter_args(%scan3A_258 = %scan3A_250) -> (i32)  : i32 {
          %mul3A_259 = arith.constant 16 : i32
          %mul3A_260 = arith.muli %scan3A_257, %mul3A_259 : i32
          %get3A = arith.constant 0 : i32
          %get3A_261 = arith.index_cast %get3A : i32 to index
          %get3A_262 = arith.index_cast %mul3A_260 : i32 to index
          %get3A_263 = tpu.vector_load %arg10[%get3A_261, %get3A_262] {strides = array<i32>} : memref<32x768xf32, #tpu.memory_space<vmem>>, vector<16xf32>,
          %get3A_264 = arith.constant 1 : i32
          %get3A_265 = arith.index_cast %get3A_264 : i32 to index
          %get3A_266 = arith.index_cast %mul3A_260 : i32 to index
          %get3A_267 = tpu.vector_load %arg10[%get3A_265, %get3A_266] {strides = array<i32>} : memref<32x768xf32, #tpu.memory_space<vmem>>, vector<16xf32>,
          %get3A_268 = arith.constant 2 : i32
          %get3A_269 = arith.index_cast %get3A_268 : i32 to index
          %get3A_270 = arith.index_cast %mul3A_260 : i32 to index
          %get3A_271 = tpu.vector_load %arg10[%get3A_269, %get3A_270] {strides = array<i32>} : memref<32x768xf32, #tpu.memory_space<vmem>>, vector<16xf32>,
          %get3A_272 = arith.constant 3 : i32
          %get3A_273 = arith.index_cast %get3A_272 : i32 to index
          %get3A_274 = arith.index_cast %mul3A_260 : i32 to index
          %get3A_275 = tpu.vector_load %arg10[%get3A_273, %get3A_274] {strides = array<i32>} : memref<32x768xf32, #tpu.memory_space<vmem>>, vector<16xf32>,
          %get3A_276 = arith.constant 4 : i32
          %get3A_277 = arith.index_cast %get3A_276 : i32 to index
          %get3A_278 = arith.index_cast %mul3A_260 : i32 to index
          %get3A_279 = tpu.vector_load %arg10[%get3A_277, %get3A_278] {strides = array<i32>} : memref<32x768xf32, #tpu.memory_space<vmem>>, vector<16xf32>,
          %add3A_280 = arith.addf %get3A_263, %get3A_279 : vector<16xf32>
          %get3A_281 = arith.constant 5 : i32
          %get3A_282 = arith.index_cast %get3A_281 : i32 to index
          %get3A_283 = arith.index_cast %mul3A_260 : i32 to index
          %get3A_284 = tpu.vector_load %arg10[%get3A_282, %get3A_283] {strides = array<i32>} : memref<32x768xf32, #tpu.memory_space<vmem>>, vector<16xf32>,
          %add3A_285 = arith.addf %get3A_267, %get3A_284 : vector<16xf32>
          %get3A_286 = arith.constant 6 : i32
          %get3A_287 = arith.index_cast %get3A_286 : i32 to index
          %get3A_288 = arith.index_cast %mul3A_260 : i32 to index
          %get3A_289 = tpu.vector_load %arg10[%get3A_287, %get3A_288] {strides = array<i32>} : memref<32x768xf32, #tpu.memory_space<vmem>>, vector<16xf32>,
          %add3A_290 = arith.addf %get3A_271, %get3A_289 : vector<16xf32>
          %get3A_291 = arith.constant 7 : i32
          %get3A_292 = arith.index_cast %get3A_291 : i32 to index
          %get3A_293 = arith.index_cast %mul3A_260 : i32 to index
          %get3A_294 = tpu.vector_load %arg10[%get3A_292, %get3A_293] {strides = array<i32>} : memref<32x768xf32, #tpu.memory_space<vmem>>, vector<16xf32>,
          %add3A_295 = arith.addf %get3A_275, %get3A_294 : vector<16xf32>
          %get3A_296 = arith.constant 8 : i32
          %get3A_297 = arith.index_cast %get3A_296 : i32 to index
          %get3A_298 = arith.index_cast %mul3A_260 : i32 to index
          %get3A_299 = tpu.vector_load %arg10[%get3A_297, %get3A_298] {strides = array<i32>} : memref<32x768xf32, #tpu.memory_space<vmem>>, vector<16xf32>,
          %add3A_300 = arith.addf %add3A_280, %get3A_299 : vector<16xf32>
          %get3A_301 = arith.constant 9 : i32
          %get3A_302 = arith.index_cast %get3A_301 : i32 to index
          %get3A_303 = arith.index_cast %mul3A_260 : i32 to index
          %get3A_304 = tpu.vector_load %arg10[%get3A_302, %get3A_303] {strides = array<i32>} : memref<32x768xf32, #tpu.memory_space<vmem>>, vector<16xf32>,
          %add3A_305 = arith.addf %add3A_285, %get3A_304 : vector<16xf32>
          %get3A_306 = arith.constant 10 : i32
          %get3A_307 = arith.index_cast %get3A_306 : i32 to index
          %get3A_308 = arith.index_cast %mul3A_260 : i32 to index
          %get3A_309 = tpu.vector_load %arg10[%get3A_307, %get3A_308] {strides = array<i32>} : memref<32x768xf32, #tpu.memory_space<vmem>>, vector<16xf32>,
          %add3A_310 = arith.addf %add3A_290, %get3A_309 : vector<16xf32>
          %get3A_311 = arith.constant 11 : i32
          %get3A_312 = arith.index_cast %get3A_311 : i32 to index
          %get3A_313 = arith.index_cast %mul3A_260 : i32 to index
          %get3A_314 = tpu.vector_load %arg10[%get3A_312, %get3A_313] {strides = array<i32>} : memref<32x768xf32, #tpu.memory_space<vmem>>, vector<16xf32>,
          %add3A_315 = arith.addf %add3A_295, %get3A_314 : vector<16xf32>
          %get3A_316 = arith.constant 12 : i32
          %get3A_317 = arith.index_cast %get3A_316 : i32 to index
          %get3A_318 = arith.index_cast %mul3A_260 : i32 to index
          %get3A_319 = tpu.vector_load %arg10[%get3A_317, %get3A_318] {strides = array<i32>} : memref<32x768xf32, #tpu.memory_space<vmem>>, vector<16xf32>,
          %add3A_320 = arith.addf %add3A_300, %get3A_319 : vector<16xf32>
          %get3A_321 = arith.constant 13 : i32
          %get3A_322 = arith.index_cast %get3A_321 : i32 to index
          %get3A_323 = arith.index_cast %mul3A_260 : i32 to index
          %get3A_324 = tpu.vector_load %arg10[%get3A_322, %get3A_323] {strides = array<i32>} : memref<32x768xf32, #tpu.memory_space<vmem>>, vector<16xf32>,
          %add3A_325 = arith.addf %add3A_305, %get3A_324 : vector<16xf32>
          %get3A_326 = arith.constant 14 : i32
          %get3A_327 = arith.index_cast %get3A_326 : i32 to index
          %get3A_328 = arith.index_cast %mul3A_260 : i32 to index
          %get3A_329 = tpu.vector_load %arg10[%get3A_327, %get3A_328] {strides = array<i32>} : memref<32x768xf32, #tpu.memory_space<vmem>>, vector<16xf32>,
          %add3A_330 = arith.addf %add3A_310, %get3A_329 : vector<16xf32>
          %get3A_331 = arith.constant 15 : i32
          %get3A_332 = arith.index_cast %get3A_331 : i32 to index
          %get3A_333 = arith.index_cast %mul3A_260 : i32 to index
          %get3A_334 = tpu.vector_load %arg10[%get3A_332, %get3A_333] {strides = array<i32>} : memref<32x768xf32, #tpu.memory_space<vmem>>, vector<16xf32>,
          %add3A_335 = arith.addf %add3A_315, %get3A_334 : vector<16xf32>
          %get3A_336 = arith.constant 16 : i32
          %get3A_337 = arith.index_cast %get3A_336 : i32 to index
          %get3A_338 = arith.index_cast %mul3A_260 : i32 to index
          %get3A_339 = tpu.vector_load %arg10[%get3A_337, %get3A_338] {strides = array<i32>} : memref<32x768xf32, #tpu.memory_space<vmem>>, vector<16xf32>,
          %add3A_340 = arith.addf %add3A_320, %get3A_339 : vector<16xf32>
          %get3A_341 = arith.constant 17 : i32
          %get3A_342 = arith.index_cast %get3A_341 : i32 to index
          %get3A_343 = arith.index_cast %mul3A_260 : i32 to index
          %get3A_344 = tpu.vector_load %arg10[%get3A_342, %get3A_343] {strides = array<i32>} : memref<32x768xf32, #tpu.memory_space<vmem>>, vector<16xf32>,
          %add3A_345 = arith.addf %add3A_325, %get3A_344 : vector<16xf32>
          %get3A_346 = arith.constant 18 : i32
          %get3A_347 = arith.index_cast %get3A_346 : i32 to index
          %get3A_348 = arith.index_cast %mul3A_260 : i32 to index
          %get3A_349 = tpu.vector_load %arg10[%get3A_347, %get3A_348] {strides = array<i32>} : memref<32x768xf32, #tpu.memory_space<vmem>>, vector<16xf32>,
          %add3A_350 = arith.addf %add3A_330, %get3A_349 : vector<16xf32>
          %get3A_351 = arith.constant 19 : i32
          %get3A_352 = arith.index_cast %get3A_351 : i32 to index
          %get3A_353 = arith.index_cast %mul3A_260 : i32 to index
          %get3A_354 = tpu.vector_load %arg10[%get3A_352, %get3A_353] {strides = array<i32>} : memref<32x768xf32, #tpu.memory_space<vmem>>, vector<16xf32>,
          %add3A_355 = arith.addf %add3A_335, %get3A_354 : vector<16xf32>
          %get3A_356 = arith.constant 20 : i32
          %get3A_357 = arith.index_cast %get3A_356 : i32 to index
          %get3A_358 = arith.index_cast %mul3A_260 : i32 to index
          %get3A_359 = tpu.vector_load %arg10[%get3A_357, %get3A_358] {strides = array<i32>} : memref<32x768xf32, #tpu.memory_space<vmem>>, vector<16xf32>,
          %add3A_360 = arith.addf %add3A_340, %get3A_359 : vector<16xf32>
          %get3A_361 = arith.constant 21 : i32
          %get3A_362 = arith.index_cast %get3A_361 : i32 to index
          %get3A_363 = arith.index_cast %mul3A_260 : i32 to index
          %get3A_364 = tpu.vector_load %arg10[%get3A_362, %get3A_363] {strides = array<i32>} : memref<32x768xf32, #tpu.memory_space<vmem>>, vector<16xf32>,
          %add3A_365 = arith.addf %add3A_345, %get3A_364 : vector<16xf32>
          %get3A_366 = arith.constant 22 : i32
          %get3A_367 = arith.index_cast %get3A_366 : i32 to index
          %get3A_368 = arith.index_cast %mul3A_260 : i32 to index
          %get3A_369 = tpu.vector_load %arg10[%get3A_367, %get3A_368] {strides = array<i32>} : memref<32x768xf32, #tpu.memory_space<vmem>>, vector<16xf32>,
          %add3A_370 = arith.addf %add3A_350, %get3A_369 : vector<16xf32>
          %get3A_371 = arith.constant 23 : i32
          %get3A_372 = arith.index_cast %get3A_371 : i32 to index
          %get3A_373 = arith.index_cast %mul3A_260 : i32 to index
          %get3A_374 = tpu.vector_load %arg10[%get3A_372, %get3A_373] {strides = array<i32>} : memref<32x768xf32, #tpu.memory_space<vmem>>, vector<16xf32>,
          %add3A_375 = arith.addf %add3A_355, %get3A_374 : vector<16xf32>
          %get3A_376 = arith.constant 24 : i32
          %get3A_377 = arith.index_cast %get3A_376 : i32 to index
          %get3A_378 = arith.index_cast %mul3A_260 : i32 to index
          %get3A_379 = tpu.vector_load %arg10[%get3A_377, %get3A_378] {strides = array<i32>} : memref<32x768xf32, #tpu.memory_space<vmem>>, vector<16xf32>,
          %add3A_380 = arith.addf %add3A_360, %get3A_379 : vector<16xf32>
          %get3A_381 = arith.constant 25 : i32
          %get3A_382 = arith.index_cast %get3A_381 : i32 to index
          %get3A_383 = arith.index_cast %mul3A_260 : i32 to index
          %get3A_384 = tpu.vector_load %arg10[%get3A_382, %get3A_383] {strides = array<i32>} : memref<32x768xf32, #tpu.memory_space<vmem>>, vector<16xf32>,
          %add3A_385 = arith.addf %add3A_365, %get3A_384 : vector<16xf32>
          %get3A_386 = arith.constant 26 : i32
          %get3A_387 = arith.index_cast %get3A_386 : i32 to index
          %get3A_388 = arith.index_cast %mul3A_260 : i32 to index
          %get3A_389 = tpu.vector_load %arg10[%get3A_387, %get3A_388] {strides = array<i32>} : memref<32x768xf32, #tpu.memory_space<vmem>>, vector<16xf32>,
          %add3A_390 = arith.addf %add3A_370, %get3A_389 : vector<16xf32>
          %get3A_391 = arith.constant 27 : i32
          %get3A_392 = arith.index_cast %get3A_391 : i32 to index
          %get3A_393 = arith.index_cast %mul3A_260 : i32 to index
          %get3A_394 = tpu.vector_load %arg10[%get3A_392, %get3A_393] {strides = array<i32>} : memref<32x768xf32, #tpu.memory_space<vmem>>, vector<16xf32>,
          %add3A_395 = arith.addf %add3A_375, %get3A_394 : vector<16xf32>
          %get3A_396 = arith.constant 28 : i32
          %get3A_397 = arith.index_cast %get3A_396 : i32 to index
          %get3A_398 = arith.index_cast %mul3A_260 : i32 to index
          %get3A_399 = tpu.vector_load %arg10[%get3A_397, %get3A_398] {strides = array<i32>} : memref<32x768xf32, #tpu.memory_space<vmem>>, vector<16xf32>,
          %add3A_400 = arith.addf %add3A_380, %get3A_399 : vector<16xf32>
          %get3A_401 = arith.constant 29 : i32
          %get3A_402 = arith.index_cast %get3A_401 : i32 to index
          %get3A_403 = arith.index_cast %mul3A_260 : i32 to index
          %get3A_404 = tpu.vector_load %arg10[%get3A_402, %get3A_403] {strides = array<i32>} : memref<32x768xf32, #tpu.memory_space<vmem>>, vector<16xf32>,
          %add3A_405 = arith.addf %add3A_385, %get3A_404 : vector<16xf32>
          %get3A_406 = arith.constant 30 : i32
          %get3A_407 = arith.index_cast %get3A_406 : i32 to index
          %get3A_408 = arith.index_cast %mul3A_260 : i32 to index
          %get3A_409 = tpu.vector_load %arg10[%get3A_407, %get3A_408] {strides = array<i32>} : memref<32x768xf32, #tpu.memory_space<vmem>>, vector<16xf32>,
          %add3A_410 = arith.addf %add3A_390, %get3A_409 : vector<16xf32>
          %get3A_411 = arith.constant 31 : i32
          %get3A_412 = arith.index_cast %get3A_411 : i32 to index
          %get3A_413 = arith.index_cast %mul3A_260 : i32 to index
          %get3A_414 = tpu.vector_load %arg10[%get3A_412, %get3A_413] {strides = array<i32>} : memref<32x768xf32, #tpu.memory_space<vmem>>, vector<16xf32>,
          %add3A_415 = arith.addf %add3A_395, %get3A_414 : vector<16xf32>
          %add3A_416 = arith.addf %add3A_400, %add3A_405 : vector<16xf32>
          %add3A_417 = arith.addf %add3A_410, %add3A_415 : vector<16xf32>
          %add3A_418 = arith.addf %add3A_416, %add3A_417 : vector<16xf32>
          %swap3A = arith.index_cast %mul3A_260 : i32 to index
          %swap3A_419 = tpu.vector_load %arg11[%swap3A] {strides = array<i32>} : memref<768xf32, #tpu.memory_space<vmem>>, vector<16xf32>,
          tpu.vector_store %arg11[%swap3A], %add3A_418 {add = true, strides = array<i32>} : memref<768xf32, #tpu.memory_space<vmem>>, vector<16xf32>,
          %scan3A_420 = arith.constant 0 : i32
          scf.yield %scan3A_420 : i32
        }
        %scan3A_256 = arith.constant 48 : i32
      } else {
      }
      %add3A_236 = arith.constant 3 : i32
      %add3A_237 = arith.addi %mul3A_187, %add3A_236 : i32
      %add3A_238 = arith.constant 4 : i32
      %add3A_239 = arith.addi %add3A_237, %add3A_238 : i32
      %lt3A_240 = arith.cmpi slt, %add3A_239, %select_n3A_88 : i32
      %convert_element_type3A_241 = arith.extui %lt3A_240 : i1 to i32
      %cond3A_242 = arith.constant 0 : i32
      %cond3A_243 = arith.cmpi ne, %convert_element_type3A_241, %cond3A_242 : i32
      scf.if %cond3A_243 {
        %mul3A_245 = arith.constant 32 : i32
        %mul3A_246 = arith.muli %add3A_239, %mul3A_245 : i32
        %dma_start3A = tpu.memref_slice %arg6[%mul3A_246] : memref<416xi32, #tpu.memory_space<vmem>> -> memref<32xi32, #tpu.memory_space<vmem>>
        %dma_start3A_247 = arith.constant 0 : i32
        %dma_start3A_248 = arith.constant 0 : i32
        %dma_start3A_249 = tpu.memref_slice %arg2[%dma_start3A_247, %dma_start3A_248] : memref<32768x768xf32, #tpu.memory_space<hbm>> -> memref<32768x768xf32, #tpu.memory_space<hbm>>
        tpu.enqueue_indirect_dma source(%dma_start3A_249 : memref<32768x768xf32, #tpu.memory_space<hbm>>) target(%arg10 : memref<32x768xf32, #tpu.memory_space<vmem>>) offsets(%dma_start3A : memref<32xi32, #tpu.memory_space<vmem>>) semaphore(%arg18 : memref<!tpu.dma_semaphore, #tpu.memory_space<semaphore_mem>>)
      } else {
      }
      %while3A_244 = arith.constant 0 : i32
      scf.yield %while3A_244 : i32
    }
    %while3A_148 = arith.constant 1 : i32
    %while3A_149 = scf.for %while3A_184 = %while3A_145 to %while3A_141 step %while3A_148 iter_args(%while3A_185 = %while3A_147) -> (i32)  : i32 {
      %mul3A_186 = arith.constant 4 : i32
      %mul3A_187 = arith.muli %mul3A_186, %while3A_184 : i32
      %add3A_188 = arith.constant 0 : i32
      %add3A_189 = arith.addi %mul3A_187, %add3A_188 : i32
      %lt3A_190 = arith.cmpi slt, %add3A_189, %select_n3A_88 : i32
      %convert_element_type3A_191 = arith.extui %lt3A_190 : i1 to i32
      %cond3A_192 = arith.constant 0 : i32
      %cond3A_193 = arith.cmpi ne, %convert_element_type3A_191, %cond3A_192 : i32
      scf.if %cond3A_193 {
        %mul3A_245 = arith.constant 32 : i32
        %mul3A_246 = arith.muli %add3A_189, %mul3A_245 : i32
        %dma_wait3A = tpu.memref_slice %arg6[%mul3A_246] : memref<416xi32, #tpu.memory_space<vmem>> -> memref<32xi32, #tpu.memory_space<vmem>>
        %dma_wait3A_247 = arith.constant 0 : i32
        %dma_wait3A_248 = arith.constant 0 : i32
        %dma_wait3A_249 = tpu.memref_slice %arg2[%dma_wait3A_247, %dma_wait3A_248] : memref<32768x768xf32, #tpu.memory_space<hbm>> -> memref<32768x768xf32, #tpu.memory_space<hbm>>
        tpu.wait_indirect_dma semaphore(%arg15 : memref<!tpu.dma_semaphore, #tpu.memory_space<semaphore_mem>>) src(%dma_wait3A_249 : memref<32768x768xf32, #tpu.memory_space<hbm>>) dst(%arg7 : memref<32x768xf32, #tpu.memory_space<vmem>>)
        %scan3A_250 = arith.constant 0 : i32
        %scan3A_251 = arith.constant 0 : i32
        %scan3A_252 = arith.constant 48 : i32
        %scan3A_253 = arith.addi %scan3A_251, %scan3A_252 : i32
        %scan3A_254 = arith.constant 1 : i32
        %scan3A_255 = scf.for %scan3A_257 = %scan3A_251 to %scan3A_253 step %scan3A_254 iter_args(%scan3A_258 = %scan3A_250) -> (i32)  : i32 {
          %mul3A_259 = arith.constant 16 : i32
          %mul3A_260 = arith.muli %scan3A_257, %mul3A_259 : i32
          %get3A = arith.constant 0 : i32
          %get3A_261 = arith.index_cast %get3A : i32 to index
          %get3A_262 = arith.index_cast %mul3A_260 : i32 to index
          %get3A_263 = tpu.vector_load %arg7[%get3A_261, %get3A_262] {strides = array<i32>} : memref<32x768xf32, #tpu.memory_space<vmem>>, vector<16xf32>,
          %get3A_264 = arith.constant 1 : i32
          %get3A_265 = arith.index_cast %get3A_264 : i32 to index
          %get3A_266 = arith.index_cast %mul3A_260 : i32 to index
          %get3A_267 = tpu.vector_load %arg7[%get3A_265, %get3A_266] {strides = array<i32>} : memref<32x768xf32, #tpu.memory_space<vmem>>, vector<16xf32>,
          %get3A_268 = arith.constant 2 : i32
          %get3A_269 = arith.index_cast %get3A_268 : i32 to index
          %get3A_270 = arith.index_cast %mul3A_260 : i32 to index
          %get3A_271 = tpu.vector_load %arg7[%get3A_269, %get3A_270] {strides = array<i32>} : memref<32x768xf32, #tpu.memory_space<vmem>>, vector<16xf32>,
          %get3A_272 = arith.constant 3 : i32
          %get3A_273 = arith.index_cast %get3A_272 : i32 to index
          %get3A_274 = arith.index_cast %mul3A_260 : i32 to index
          %get3A_275 = tpu.vector_load %arg7[%get3A_273, %get3A_274] {strides = array<i32>} : memref<32x768xf32, #tpu.memory_space<vmem>>, vector<16xf32>,
          %get3A_276 = arith.constant 4 : i32
          %get3A_277 = arith.index_cast %get3A_276 : i32 to index
          %get3A_278 = arith.index_cast %mul3A_260 : i32 to index
          %get3A_279 = tpu.vector_load %arg7[%get3A_277, %get3A_278] {strides = array<i32>} : memref<32x768xf32, #tpu.memory_space<vmem>>, vector<16xf32>,
          %add3A_280 = arith.addf %get3A_263, %get3A_279 : vector<16xf32>
          %get3A_281 = arith.constant 5 : i32
          %get3A_282 = arith.index_cast %get3A_281 : i32 to index
          %get3A_283 = arith.index_cast %mul3A_260 : i32 to index
          %get3A_284 = tpu.vector_load %arg7[%get3A_282, %get3A_283] {strides = array<i32>} : memref<32x768xf32, #tpu.memory_space<vmem>>, vector<16xf32>,
          %add3A_285 = arith.addf %get3A_267, %get3A_284 : vector<16xf32>
          %get3A_286 = arith.constant 6 : i32
          %get3A_287 = arith.index_cast %get3A_286 : i32 to index
          %get3A_288 = arith.index_cast %mul3A_260 : i32 to index
          %get3A_289 = tpu.vector_load %arg7[%get3A_287, %get3A_288] {strides = array<i32>} : memref<32x768xf32, #tpu.memory_space<vmem>>, vector<16xf32>,
          %add3A_290 = arith.addf %get3A_271, %get3A_289 : vector<16xf32>
          %get3A_291 = arith.constant 7 : i32
          %get3A_292 = arith.index_cast %get3A_291 : i32 to index
          %get3A_293 = arith.index_cast %mul3A_260 : i32 to index
          %get3A_294 = tpu.vector_load %arg7[%get3A_292, %get3A_293] {strides = array<i32>} : memref<32x768xf32, #tpu.memory_space<vmem>>, vector<16xf32>,
          %add3A_295 = arith.addf %get3A_275, %get3A_294 : vector<16xf32>
          %get3A_296 = arith.constant 8 : i32
          %get3A_297 = arith.index_cast %get3A_296 : i32 to index
          %get3A_298 = arith.index_cast %mul3A_260 : i32 to index
          %get3A_299 = tpu.vector_load %arg7[%get3A_297, %get3A_298] {strides = array<i32>} : memref<32x768xf32, #tpu.memory_space<vmem>>, vector<16xf32>,
          %add3A_300 = arith.addf %add3A_280, %get3A_299 : vector<16xf32>
          %get3A_301 = arith.constant 9 : i32
          %get3A_302 = arith.index_cast %get3A_301 : i32 to index
          %get3A_303 = arith.index_cast %mul3A_260 : i32 to index
          %get3A_304 = tpu.vector_load %arg7[%get3A_302, %get3A_303] {strides = array<i32>} : memref<32x768xf32, #tpu.memory_space<vmem>>, vector<16xf32>,
          %add3A_305 = arith.addf %add3A_285, %get3A_304 : vector<16xf32>
          %get3A_306 = arith.constant 10 : i32
          %get3A_307 = arith.index_cast %get3A_306 : i32 to index
          %get3A_308 = arith.index_cast %mul3A_260 : i32 to index
          %get3A_309 = tpu.vector_load %arg7[%get3A_307, %get3A_308] {strides = array<i32>} : memref<32x768xf32, #tpu.memory_space<vmem>>, vector<16xf32>,
          %add3A_310 = arith.addf %add3A_290, %get3A_309 : vector<16xf32>
          %get3A_311 = arith.constant 11 : i32
          %get3A_312 = arith.index_cast %get3A_311 : i32 to index
          %get3A_313 = arith.index_cast %mul3A_260 : i32 to index
          %get3A_314 = tpu.vector_load %arg7[%get3A_312, %get3A_313] {strides = array<i32>} : memref<32x768xf32, #tpu.memory_space<vmem>>, vector<16xf32>,
          %add3A_315 = arith.addf %add3A_295, %get3A_314 : vector<16xf32>
          %get3A_316 = arith.constant 12 : i32
          %get3A_317 = arith.index_cast %get3A_316 : i32 to index
          %get3A_318 = arith.index_cast %mul3A_260 : i32 to index
          %get3A_319 = tpu.vector_load %arg7[%get3A_317, %get3A_318] {strides = array<i32>} : memref<32x768xf32, #tpu.memory_space<vmem>>, vector<16xf32>,
          %add3A_320 = arith.addf %add3A_300, %get3A_319 : vector<16xf32>
          %get3A_321 = arith.constant 13 : i32
          %get3A_322 = arith.index_cast %get3A_321 : i32 to index
          %get3A_323 = arith.index_cast %mul3A_260 : i32 to index
          %get3A_324 = tpu.vector_load %arg7[%get3A_322, %get3A_323] {strides = array<i32>} : memref<32x768xf32, #tpu.memory_space<vmem>>, vector<16xf32>,
          %add3A_325 = arith.addf %add3A_305, %get3A_324 : vector<16xf32>
          %get3A_326 = arith.constant 14 : i32
          %get3A_327 = arith.index_cast %get3A_326 : i32 to index
          %get3A_328 = arith.index_cast %mul3A_260 : i32 to index
          %get3A_329 = tpu.vector_load %arg7[%get3A_327, %get3A_328] {strides = array<i32>} : memref<32x768xf32, #tpu.memory_space<vmem>>, vector<16xf32>,
          %add3A_330 = arith.addf %add3A_310, %get3A_329 : vector<16xf32>
          %get3A_331 = arith.constant 15 : i32
          %get3A_332 = arith.index_cast %get3A_331 : i32 to index
          %get3A_333 = arith.index_cast %mul3A_260 : i32 to index
          %get3A_334 = tpu.vector_load %arg7[%get3A_332, %get3A_333] {strides = array<i32>} : memref<32x768xf32, #tpu.memory_space<vmem>>, vector<16xf32>,
          %add3A_335 = arith.addf %add3A_315, %get3A_334 : vector<16xf32>
          %get3A_336 = arith.constant 16 : i32
          %get3A_337 = arith.index_cast %get3A_336 : i32 to index
          %get3A_338 = arith.index_cast %mul3A_260 : i32 to index
          %get3A_339 = tpu.vector_load %arg7[%get3A_337, %get3A_338] {strides = array<i32>} : memref<32x768xf32, #tpu.memory_space<vmem>>, vector<16xf32>,
          %add3A_340 = arith.addf %add3A_320, %get3A_339 : vector<16xf32>
          %get3A_341 = arith.constant 17 : i32
          %get3A_342 = arith.index_cast %get3A_341 : i32 to index
          %get3A_343 = arith.index_cast %mul3A_260 : i32 to index
          %get3A_344 = tpu.vector_load %arg7[%get3A_342, %get3A_343] {strides = array<i32>} : memref<32x768xf32, #tpu.memory_space<vmem>>, vector<16xf32>,
          %add3A_345 = arith.addf %add3A_325, %get3A_344 : vector<16xf32>
          %get3A_346 = arith.constant 18 : i32
          %get3A_347 = arith.index_cast %get3A_346 : i32 to index
          %get3A_348 = arith.index_cast %mul3A_260 : i32 to index
          %get3A_349 = tpu.vector_load %arg7[%get3A_347, %get3A_348] {strides = array<i32>} : memref<32x768xf32, #tpu.memory_space<vmem>>, vector<16xf32>,
          %add3A_350 = arith.addf %add3A_330, %get3A_349 : vector<16xf32>
          %get3A_351 = arith.constant 19 : i32
          %get3A_352 = arith.index_cast %get3A_351 : i32 to index
          %get3A_353 = arith.index_cast %mul3A_260 : i32 to index
          %get3A_354 = tpu.vector_load %arg7[%get3A_352, %get3A_353] {strides = array<i32>} : memref<32x768xf32, #tpu.memory_space<vmem>>, vector<16xf32>,
          %add3A_355 = arith.addf %add3A_335, %get3A_354 : vector<16xf32>
          %get3A_356 = arith.constant 20 : i32
          %get3A_357 = arith.index_cast %get3A_356 : i32 to index
          %get3A_358 = arith.index_cast %mul3A_260 : i32 to index
          %get3A_359 = tpu.vector_load %arg7[%get3A_357, %get3A_358] {strides = array<i32>} : memref<32x768xf32, #tpu.memory_space<vmem>>, vector<16xf32>,
          %add3A_360 = arith.addf %add3A_340, %get3A_359 : vector<16xf32>
          %get3A_361 = arith.constant 21 : i32
          %get3A_362 = arith.index_cast %get3A_361 : i32 to index
          %get3A_363 = arith.index_cast %mul3A_260 : i32 to index
          %get3A_364 = tpu.vector_load %arg7[%get3A_362, %get3A_363] {strides = array<i32>} : memref<32x768xf32, #tpu.memory_space<vmem>>, vector<16xf32>,
          %add3A_365 = arith.addf %add3A_345, %get3A_364 : vector<16xf32>
          %get3A_366 = arith.constant 22 : i32
          %get3A_367 = arith.index_cast %get3A_366 : i32 to index
          %get3A_368 = arith.index_cast %mul3A_260 : i32 to index
          %get3A_369 = tpu.vector_load %arg7[%get3A_367, %get3A_368] {strides = array<i32>} : memref<32x768xf32, #tpu.memory_space<vmem>>, vector<16xf32>,
          %add3A_370 = arith.addf %add3A_350, %get3A_369 : vector<16xf32>
          %get3A_371 = arith.constant 23 : i32
          %get3A_372 = arith.index_cast %get3A_371 : i32 to index
          %get3A_373 = arith.index_cast %mul3A_260 : i32 to index
          %get3A_374 = tpu.vector_load %arg7[%get3A_372, %get3A_373] {strides = array<i32>} : memref<32x768xf32, #tpu.memory_space<vmem>>, vector<16xf32>,
          %add3A_375 = arith.addf %add3A_355, %get3A_374 : vector<16xf32>
          %get3A_376 = arith.constant 24 : i32
          %get3A_377 = arith.index_cast %get3A_376 : i32 to index
          %get3A_378 = arith.index_cast %mul3A_260 : i32 to index
          %get3A_379 = tpu.vector_load %arg7[%get3A_377, %get3A_378] {strides = array<i32>} : memref<32x768xf32, #tpu.memory_space<vmem>>, vector<16xf32>,
          %add3A_380 = arith.addf %add3A_360, %get3A_379 : vector<16xf32>
          %get3A_381 = arith.constant 25 : i32
          %get3A_382 = arith.index_cast %get3A_381 : i32 to index
          %get3A_383 = arith.index_cast %mul3A_260 : i32 to index
          %get3A_384 = tpu.vector_load %arg7[%get3A_382, %get3A_383] {strides = array<i32>} : memref<32x768xf32, #tpu.memory_space<vmem>>, vector<16xf32>,
          %add3A_385 = arith.addf %add3A_365, %get3A_384 : vector<16xf32>
          %get3A_386 = arith.constant 26 : i32
          %get3A_387 = arith.index_cast %get3A_386 : i32 to index
          %get3A_388 = arith.index_cast %mul3A_260 : i32 to index
          %get3A_389 = tpu.vector_load %arg7[%get3A_387, %get3A_388] {strides = array<i32>} : memref<32x768xf32, #tpu.memory_space<vmem>>, vector<16xf32>,
          %add3A_390 = arith.addf %add3A_370, %get3A_389 : vector<16xf32>
          %get3A_391 = arith.constant 27 : i32
          %get3A_392 = arith.index_cast %get3A_391 : i32 to index
          %get3A_393 = arith.index_cast %mul3A_260 : i32 to index
          %get3A_394 = tpu.vector_load %arg7[%get3A_392, %get3A_393] {strides = array<i32>} : memref<32x768xf32, #tpu.memory_space<vmem>>, vector<16xf32>,
          %add3A_395 = arith.addf %add3A_375, %get3A_394 : vector<16xf32>
          %get3A_396 = arith.constant 28 : i32
          %get3A_397 = arith.index_cast %get3A_396 : i32 to index
          %get3A_398 = arith.index_cast %mul3A_260 : i32 to index
          %get3A_399 = tpu.vector_load %arg7[%get3A_397, %get3A_398] {strides = array<i32>} : memref<32x768xf32, #tpu.memory_space<vmem>>, vector<16xf32>,
          %add3A_400 = arith.addf %add3A_380, %get3A_399 : vector<16xf32>
          %get3A_401 = arith.constant 29 : i32
          %get3A_402 = arith.index_cast %get3A_401 : i32 to index
          %get3A_403 = arith.index_cast %mul3A_260 : i32 to index
          %get3A_404 = tpu.vector_load %arg7[%get3A_402, %get3A_403] {strides = array<i32>} : memref<32x768xf32, #tpu.memory_space<vmem>>, vector<16xf32>,
          %add3A_405 = arith.addf %add3A_385, %get3A_404 : vector<16xf32>
          %get3A_406 = arith.constant 30 : i32
          %get3A_407 = arith.index_cast %get3A_406 : i32 to index
          %get3A_408 = arith.index_cast %mul3A_260 : i32 to index
          %get3A_409 = tpu.vector_load %arg7[%get3A_407, %get3A_408] {strides = array<i32>} : memref<32x768xf32, #tpu.memory_space<vmem>>, vector<16xf32>,
          %add3A_410 = arith.addf %add3A_390, %get3A_409 : vector<16xf32>
          %get3A_411 = arith.constant 31 : i32
          %get3A_412 = arith.index_cast %get3A_411 : i32 to index
          %get3A_413 = arith.index_cast %mul3A_260 : i32 to index
          %get3A_414 = tpu.vector_load %arg7[%get3A_412, %get3A_413] {strides = array<i32>} : memref<32x768xf32, #tpu.memory_space<vmem>>, vector<16xf32>,
          %add3A_415 = arith.addf %add3A_395, %get3A_414 : vector<16xf32>
          %add3A_416 = arith.addf %add3A_400, %add3A_405 : vector<16xf32>
          %add3A_417 = arith.addf %add3A_410, %add3A_415 : vector<16xf32>
          %add3A_418 = arith.addf %add3A_416, %add3A_417 : vector<16xf32>
          %swap3A = arith.index_cast %mul3A_260 : i32 to index
          %swap3A_419 = tpu.vector_load %arg11[%swap3A] {strides = array<i32>} : memref<768xf32, #tpu.memory_space<vmem>>, vector<16xf32>,
          tpu.vector_store %arg11[%swap3A], %add3A_418 {add = true, strides = array<i32>} : memref<768xf32, #tpu.memory_space<vmem>>, vector<16xf32>,
          %scan3A_420 = arith.constant 0 : i32
          scf.yield %scan3A_420 : i32
        }
        %scan3A_256 = arith.constant 48 : i32
      } else {
      }
      %add3A_194 = arith.constant 0 : i32
      %add3A_195 = arith.addi %mul3A_187, %add3A_194 : i32
      %add3A_196 = arith.constant 4 : i32
      %add3A_197 = arith.addi %add3A_195, %add3A_196 : i32
      %lt3A_198 = arith.cmpi slt, %add3A_197, %select_n3A_88 : i32
      %convert_element_type3A_199 = arith.extui %lt3A_198 : i1 to i32
      %cond3A_200 = arith.constant 0 : i32
      %cond3A_201 = arith.cmpi ne, %convert_element_type3A_199, %cond3A_200 : i32
      scf.if %cond3A_201 {
        %mul3A_245 = arith.constant 32 : i32
        %mul3A_246 = arith.muli %add3A_197, %mul3A_245 : i32
        %dma_start3A = tpu.memref_slice %arg6[%mul3A_246] : memref<416xi32, #tpu.memory_space<vmem>> -> memref<32xi32, #tpu.memory_space<vmem>>
        %dma_start3A_247 = arith.constant 0 : i32
        %dma_start3A_248 = arith.constant 0 : i32
        %dma_start3A_249 = tpu.memref_slice %arg2[%dma_start3A_247, %dma_start3A_248] : memref<32768x768xf32, #tpu.memory_space<hbm>> -> memref<32768x768xf32, #tpu.memory_space<hbm>>
        tpu.enqueue_indirect_dma source(%dma_start3A_249 : memref<32768x768xf32, #tpu.memory_space<hbm>>) target(%arg7 : memref<32x768xf32, #tpu.memory_space<vmem>>) offsets(%dma_start3A : memref<32xi32, #tpu.memory_space<vmem>>) semaphore(%arg15 : memref<!tpu.dma_semaphore, #tpu.memory_space<semaphore_mem>>)
      } else {
      }
      %add3A_202 = arith.constant 1 : i32
      %add3A_203 = arith.addi %mul3A_187, %add3A_202 : i32
      %lt3A_204 = arith.cmpi slt, %add3A_203, %select_n3A_88 : i32
      %convert_element_type3A_205 = arith.extui %lt3A_204 : i1 to i32
      %cond3A_206 = arith.constant 0 : i32
      %cond3A_207 = arith.cmpi ne, %convert_element_type3A_205, %cond3A_206 : i32
      scf.if %cond3A_207 {
        %mul3A_245 = arith.constant 32 : i32
        %mul3A_246 = arith.muli %add3A_203, %mul3A_245 : i32
        %dma_wait3A = tpu.memref_slice %arg6[%mul3A_246] : memref<416xi32, #tpu.memory_space<vmem>> -> memref<32xi32, #tpu.memory_space<vmem>>
        %dma_wait3A_247 = arith.constant 0 : i32
        %dma_wait3A_248 = arith.constant 0 : i32
        %dma_wait3A_249 = tpu.memref_slice %arg2[%dma_wait3A_247, %dma_wait3A_248] : memref<32768x768xf32, #tpu.memory_space<hbm>> -> memref<32768x768xf32, #tpu.memory_space<hbm>>
        tpu.wait_indirect_dma semaphore(%arg16 : memref<!tpu.dma_semaphore, #tpu.memory_space<semaphore_mem>>) src(%dma_wait3A_249 : memref<32768x768xf32, #tpu.memory_space<hbm>>) dst(%arg8 : memref<32x768xf32, #tpu.memory_space<vmem>>)
        %scan3A_250 = arith.constant 0 : i32
        %scan3A_251 = arith.constant 0 : i32
        %scan3A_252 = arith.constant 48 : i32
        %scan3A_253 = arith.addi %scan3A_251, %scan3A_252 : i32
        %scan3A_254 = arith.constant 1 : i32
        %scan3A_255 = scf.for %scan3A_257 = %scan3A_251 to %scan3A_253 step %scan3A_254 iter_args(%scan3A_258 = %scan3A_250) -> (i32)  : i32 {
          %mul3A_259 = arith.constant 16 : i32
          %mul3A_260 = arith.muli %scan3A_257, %mul3A_259 : i32
          %get3A = arith.constant 0 : i32
          %get3A_261 = arith.index_cast %get3A : i32 to index
          %get3A_262 = arith.index_cast %mul3A_260 : i32 to index
          %get3A_263 = tpu.vector_load %arg8[%get3A_261, %get3A_262] {strides = array<i32>} : memref<32x768xf32, #tpu.memory_space<vmem>>, vector<16xf32>,
          %get3A_264 = arith.constant 1 : i32
          %get3A_265 = arith.index_cast %get3A_264 : i32 to index
          %get3A_266 = arith.index_cast %mul3A_260 : i32 to index
          %get3A_267 = tpu.vector_load %arg8[%get3A_265, %get3A_266] {strides = array<i32>} : memref<32x768xf32, #tpu.memory_space<vmem>>, vector<16xf32>,
          %get3A_268 = arith.constant 2 : i32
          %get3A_269 = arith.index_cast %get3A_268 : i32 to index
          %get3A_270 = arith.index_cast %mul3A_260 : i32 to index
          %get3A_271 = tpu.vector_load %arg8[%get3A_269, %get3A_270] {strides = array<i32>} : memref<32x768xf32, #tpu.memory_space<vmem>>, vector<16xf32>,
          %get3A_272 = arith.constant 3 : i32
          %get3A_273 = arith.index_cast %get3A_272 : i32 to index
          %get3A_274 = arith.index_cast %mul3A_260 : i32 to index
          %get3A_275 = tpu.vector_load %arg8[%get3A_273, %get3A_274] {strides = array<i32>} : memref<32x768xf32, #tpu.memory_space<vmem>>, vector<16xf32>,
          %get3A_276 = arith.constant 4 : i32
          %get3A_277 = arith.index_cast %get3A_276 : i32 to index
          %get3A_278 = arith.index_cast %mul3A_260 : i32 to index
          %get3A_279 = tpu.vector_load %arg8[%get3A_277, %get3A_278] {strides = array<i32>} : memref<32x768xf32, #tpu.memory_space<vmem>>, vector<16xf32>,
          %add3A_280 = arith.addf %get3A_263, %get3A_279 : vector<16xf32>
          %get3A_281 = arith.constant 5 : i32
          %get3A_282 = arith.index_cast %get3A_281 : i32 to index
          %get3A_283 = arith.index_cast %mul3A_260 : i32 to index
          %get3A_284 = tpu.vector_load %arg8[%get3A_282, %get3A_283] {strides = array<i32>} : memref<32x768xf32, #tpu.memory_space<vmem>>, vector<16xf32>,
          %add3A_285 = arith.addf %get3A_267, %get3A_284 : vector<16xf32>
          %get3A_286 = arith.constant 6 : i32
          %get3A_287 = arith.index_cast %get3A_286 : i32 to index
          %get3A_288 = arith.index_cast %mul3A_260 : i32 to index
          %get3A_289 = tpu.vector_load %arg8[%get3A_287, %get3A_288] {strides = array<i32>} : memref<32x768xf32, #tpu.memory_space<vmem>>, vector<16xf32>,
          %add3A_290 = arith.addf %get3A_271, %get3A_289 : vector<16xf32>
          %get3A_291 = arith.constant 7 : i32
          %get3A_292 = arith.index_cast %get3A_291 : i32 to index
          %get3A_293 = arith.index_cast %mul3A_260 : i32 to index
          %get3A_294 = tpu.vector_load %arg8[%get3A_292, %get3A_293] {strides = array<i32>} : memref<32x768xf32, #tpu.memory_space<vmem>>, vector<16xf32>,
          %add3A_295 = arith.addf %get3A_275, %get3A_294 : vector<16xf32>
          %get3A_296 = arith.constant 8 : i32
          %get3A_297 = arith.index_cast %get3A_296 : i32 to index
          %get3A_298 = arith.index_cast %mul3A_260 : i32 to index
          %get3A_299 = tpu.vector_load %arg8[%get3A_297, %get3A_298] {strides = array<i32>} : memref<32x768xf32, #tpu.memory_space<vmem>>, vector<16xf32>,
          %add3A_300 = arith.addf %add3A_280, %get3A_299 : vector<16xf32>
          %get3A_301 = arith.constant 9 : i32
          %get3A_302 = arith.index_cast %get3A_301 : i32 to index
          %get3A_303 = arith.index_cast %mul3A_260 : i32 to index
          %get3A_304 = tpu.vector_load %arg8[%get3A_302, %get3A_303] {strides = array<i32>} : memref<32x768xf32, #tpu.memory_space<vmem>>, vector<16xf32>,
          %add3A_305 = arith.addf %add3A_285, %get3A_304 : vector<16xf32>
          %get3A_306 = arith.constant 10 : i32
          %get3A_307 = arith.index_cast %get3A_306 : i32 to index
          %get3A_308 = arith.index_cast %mul3A_260 : i32 to index
          %get3A_309 = tpu.vector_load %arg8[%get3A_307, %get3A_308] {strides = array<i32>} : memref<32x768xf32, #tpu.memory_space<vmem>>, vector<16xf32>,
          %add3A_310 = arith.addf %add3A_290, %get3A_309 : vector<16xf32>
          %get3A_311 = arith.constant 11 : i32
          %get3A_312 = arith.index_cast %get3A_311 : i32 to index
          %get3A_313 = arith.index_cast %mul3A_260 : i32 to index
          %get3A_314 = tpu.vector_load %arg8[%get3A_312, %get3A_313] {strides = array<i32>} : memref<32x768xf32, #tpu.memory_space<vmem>>, vector<16xf32>,
          %add3A_315 = arith.addf %add3A_295, %get3A_314 : vector<16xf32>
          %get3A_316 = arith.constant 12 : i32
          %get3A_317 = arith.index_cast %get3A_316 : i32 to index
          %get3A_318 = arith.index_cast %mul3A_260 : i32 to index
          %get3A_319 = tpu.vector_load %arg8[%get3A_317, %get3A_318] {strides = array<i32>} : memref<32x768xf32, #tpu.memory_space<vmem>>, vector<16xf32>,
          %add3A_320 = arith.addf %add3A_300, %get3A_319 : vector<16xf32>
          %get3A_321 = arith.constant 13 : i32
          %get3A_322 = arith.index_cast %get3A_321 : i32 to index
          %get3A_323 = arith.index_cast %mul3A_260 : i32 to index
          %get3A_324 = tpu.vector_load %arg8[%get3A_322, %get3A_323] {strides = array<i32>} : memref<32x768xf32, #tpu.memory_space<vmem>>, vector<16xf32>,
          %add3A_325 = arith.addf %add3A_305, %get3A_324 : vector<16xf32>
          %get3A_326 = arith.constant 14 : i32
          %get3A_327 = arith.index_cast %get3A_326 : i32 to index
          %get3A_328 = arith.index_cast %mul3A_260 : i32 to index
          %get3A_329 = tpu.vector_load %arg8[%get3A_327, %get3A_328] {strides = array<i32>} : memref<32x768xf32, #tpu.memory_space<vmem>>, vector<16xf32>,
          %add3A_330 = arith.addf %add3A_310, %get3A_329 : vector<16xf32>
          %get3A_331 = arith.constant 15 : i32
          %get3A_332 = arith.index_cast %get3A_331 : i32 to index
          %get3A_333 = arith.index_cast %mul3A_260 : i32 to index
          %get3A_334 = tpu.vector_load %arg8[%get3A_332, %get3A_333] {strides = array<i32>} : memref<32x768xf32, #tpu.memory_space<vmem>>, vector<16xf32>,
          %add3A_335 = arith.addf %add3A_315, %get3A_334 : vector<16xf32>
          %get3A_336 = arith.constant 16 : i32
          %get3A_337 = arith.index_cast %get3A_336 : i32 to index
          %get3A_338 = arith.index_cast %mul3A_260 : i32 to index
          %get3A_339 = tpu.vector_load %arg8[%get3A_337, %get3A_338] {strides = array<i32>} : memref<32x768xf32, #tpu.memory_space<vmem>>, vector<16xf32>,
          %add3A_340 = arith.addf %add3A_320, %get3A_339 : vector<16xf32>
          %get3A_341 = arith.constant 17 : i32
          %get3A_342 = arith.index_cast %get3A_341 : i32 to index
          %get3A_343 = arith.index_cast %mul3A_260 : i32 to index
          %get3A_344 = tpu.vector_load %arg8[%get3A_342, %get3A_343] {strides = array<i32>} : memref<32x768xf32, #tpu.memory_space<vmem>>, vector<16xf32>,
          %add3A_345 = arith.addf %add3A_325, %get3A_344 : vector<16xf32>
          %get3A_346 = arith.constant 18 : i32
          %get3A_347 = arith.index_cast %get3A_346 : i32 to index
          %get3A_348 = arith.index_cast %mul3A_260 : i32 to index
          %get3A_349 = tpu.vector_load %arg8[%get3A_347, %get3A_348] {strides = array<i32>} : memref<32x768xf32, #tpu.memory_space<vmem>>, vector<16xf32>,
          %add3A_350 = arith.addf %add3A_330, %get3A_349 : vector<16xf32>
          %get3A_351 = arith.constant 19 : i32
          %get3A_352 = arith.index_cast %get3A_351 : i32 to index
          %get3A_353 = arith.index_cast %mul3A_260 : i32 to index
          %get3A_354 = tpu.vector_load %arg8[%get3A_352, %get3A_353] {strides = array<i32>} : memref<32x768xf32, #tpu.memory_space<vmem>>, vector<16xf32>,
          %add3A_355 = arith.addf %add3A_335, %get3A_354 : vector<16xf32>
          %get3A_356 = arith.constant 20 : i32
          %get3A_357 = arith.index_cast %get3A_356 : i32 to index
          %get3A_358 = arith.index_cast %mul3A_260 : i32 to index
          %get3A_359 = tpu.vector_load %arg8[%get3A_357, %get3A_358] {strides = array<i32>} : memref<32x768xf32, #tpu.memory_space<vmem>>, vector<16xf32>,
          %add3A_360 = arith.addf %add3A_340, %get3A_359 : vector<16xf32>
          %get3A_361 = arith.constant 21 : i32
          %get3A_362 = arith.index_cast %get3A_361 : i32 to index
          %get3A_363 = arith.index_cast %mul3A_260 : i32 to index
          %get3A_364 = tpu.vector_load %arg8[%get3A_362, %get3A_363] {strides = array<i32>} : memref<32x768xf32, #tpu.memory_space<vmem>>, vector<16xf32>,
          %add3A_365 = arith.addf %add3A_345, %get3A_364 : vector<16xf32>
          %get3A_366 = arith.constant 22 : i32
          %get3A_367 = arith.index_cast %get3A_366 : i32 to index
          %get3A_368 = arith.index_cast %mul3A_260 : i32 to index
          %get3A_369 = tpu.vector_load %arg8[%get3A_367, %get3A_368] {strides = array<i32>} : memref<32x768xf32, #tpu.memory_space<vmem>>, vector<16xf32>,
          %add3A_370 = arith.addf %add3A_350, %get3A_369 : vector<16xf32>
          %get3A_371 = arith.constant 23 : i32
          %get3A_372 = arith.index_cast %get3A_371 : i32 to index
          %get3A_373 = arith.index_cast %mul3A_260 : i32 to index
          %get3A_374 = tpu.vector_load %arg8[%get3A_372, %get3A_373] {strides = array<i32>} : memref<32x768xf32, #tpu.memory_space<vmem>>, vector<16xf32>,
          %add3A_375 = arith.addf %add3A_355, %get3A_374 : vector<16xf32>
          %get3A_376 = arith.constant 24 : i32
          %get3A_377 = arith.index_cast %get3A_376 : i32 to index
          %get3A_378 = arith.index_cast %mul3A_260 : i32 to index
          %get3A_379 = tpu.vector_load %arg8[%get3A_377, %get3A_378] {strides = array<i32>} : memref<32x768xf32, #tpu.memory_space<vmem>>, vector<16xf32>,
          %add3A_380 = arith.addf %add3A_360, %get3A_379 : vector<16xf32>
          %get3A_381 = arith.constant 25 : i32
          %get3A_382 = arith.index_cast %get3A_381 : i32 to index
          %get3A_383 = arith.index_cast %mul3A_260 : i32 to index
          %get3A_384 = tpu.vector_load %arg8[%get3A_382, %get3A_383] {strides = array<i32>} : memref<32x768xf32, #tpu.memory_space<vmem>>, vector<16xf32>,
          %add3A_385 = arith.addf %add3A_365, %get3A_384 : vector<16xf32>
          %get3A_386 = arith.constant 26 : i32
          %get3A_387 = arith.index_cast %get3A_386 : i32 to index
          %get3A_388 = arith.index_cast %mul3A_260 : i32 to index
          %get3A_389 = tpu.vector_load %arg8[%get3A_387, %get3A_388] {strides = array<i32>} : memref<32x768xf32, #tpu.memory_space<vmem>>, vector<16xf32>,
          %add3A_390 = arith.addf %add3A_370, %get3A_389 : vector<16xf32>
          %get3A_391 = arith.constant 27 : i32
          %get3A_392 = arith.index_cast %get3A_391 : i32 to index
          %get3A_393 = arith.index_cast %mul3A_260 : i32 to index
          %get3A_394 = tpu.vector_load %arg8[%get3A_392, %get3A_393] {strides = array<i32>} : memref<32x768xf32, #tpu.memory_space<vmem>>, vector<16xf32>,
          %add3A_395 = arith.addf %add3A_375, %get3A_394 : vector<16xf32>
          %get3A_396 = arith.constant 28 : i32
          %get3A_397 = arith.index_cast %get3A_396 : i32 to index
          %get3A_398 = arith.index_cast %mul3A_260 : i32 to index
          %get3A_399 = tpu.vector_load %arg8[%get3A_397, %get3A_398] {strides = array<i32>} : memref<32x768xf32, #tpu.memory_space<vmem>>, vector<16xf32>,
          %add3A_400 = arith.addf %add3A_380, %get3A_399 : vector<16xf32>
          %get3A_401 = arith.constant 29 : i32
          %get3A_402 = arith.index_cast %get3A_401 : i32 to index
          %get3A_403 = arith.index_cast %mul3A_260 : i32 to index
          %get3A_404 = tpu.vector_load %arg8[%get3A_402, %get3A_403] {strides = array<i32>} : memref<32x768xf32, #tpu.memory_space<vmem>>, vector<16xf32>,
          %add3A_405 = arith.addf %add3A_385, %get3A_404 : vector<16xf32>
          %get3A_406 = arith.constant 30 : i32
          %get3A_407 = arith.index_cast %get3A_406 : i32 to index
          %get3A_408 = arith.index_cast %mul3A_260 : i32 to index
          %get3A_409 = tpu.vector_load %arg8[%get3A_407, %get3A_408] {strides = array<i32>} : memref<32x768xf32, #tpu.memory_space<vmem>>, vector<16xf32>,
          %add3A_410 = arith.addf %add3A_390, %get3A_409 : vector<16xf32>
          %get3A_411 = arith.constant 31 : i32
          %get3A_412 = arith.index_cast %get3A_411 : i32 to index
          %get3A_413 = arith.index_cast %mul3A_260 : i32 to index
          %get3A_414 = tpu.vector_load %arg8[%get3A_412, %get3A_413] {strides = array<i32>} : memref<32x768xf32, #tpu.memory_space<vmem>>, vector<16xf32>,
          %add3A_415 = arith.addf %add3A_395, %get3A_414 : vector<16xf32>
          %add3A_416 = arith.addf %add3A_400, %add3A_405 : vector<16xf32>
          %add3A_417 = arith.addf %add3A_410, %add3A_415 : vector<16xf32>
          %add3A_418 = arith.addf %add3A_416, %add3A_417 : vector<16xf32>
          %swap3A = arith.index_cast %mul3A_260 : i32 to index
          %swap3A_419 = tpu.vector_load %arg11[%swap3A] {strides = array<i32>} : memref<768xf32, #tpu.memory_space<vmem>>, vector<16xf32>,
          tpu.vector_store %arg11[%swap3A], %add3A_418 {add = true, strides = array<i32>} : memref<768xf32, #tpu.memory_space<vmem>>, vector<16xf32>,
          %scan3A_420 = arith.constant 0 : i32
          scf.yield %scan3A_420 : i32
        }
        %scan3A_256 = arith.constant 48 : i32
      } else {
      }
      %add3A_208 = arith.constant 1 : i32
      %add3A_209 = arith.addi %mul3A_187, %add3A_208 : i32
      %add3A_210 = arith.constant 4 : i32
      %add3A_211 = arith.addi %add3A_209, %add3A_210 : i32
      %lt3A_212 = arith.cmpi slt, %add3A_211, %select_n3A_88 : i32
      %convert_element_type3A_213 = arith.extui %lt3A_212 : i1 to i32
      %cond3A_214 = arith.constant 0 : i32
      %cond3A_215 = arith.cmpi ne, %convert_element_type3A_213, %cond3A_214 : i32
      scf.if %cond3A_215 {
        %mul3A_245 = arith.constant 32 : i32
        %mul3A_246 = arith.muli %add3A_211, %mul3A_245 : i32
        %dma_start3A = tpu.memref_slice %arg6[%mul3A_246] : memref<416xi32, #tpu.memory_space<vmem>> -> memref<32xi32, #tpu.memory_space<vmem>>
        %dma_start3A_247 = arith.constant 0 : i32
        %dma_start3A_248 = arith.constant 0 : i32
        %dma_start3A_249 = tpu.memref_slice %arg2[%dma_start3A_247, %dma_start3A_248] : memref<32768x768xf32, #tpu.memory_space<hbm>> -> memref<32768x768xf32, #tpu.memory_space<hbm>>
        tpu.enqueue_indirect_dma source(%dma_start3A_249 : memref<32768x768xf32, #tpu.memory_space<hbm>>) target(%arg8 : memref<32x768xf32, #tpu.memory_space<vmem>>) offsets(%dma_start3A : memref<32xi32, #tpu.memory_space<vmem>>) semaphore(%arg16 : memref<!tpu.dma_semaphore, #tpu.memory_space<semaphore_mem>>)
      } else {
      }
      %add3A_216 = arith.constant 2 : i32
      %add3A_217 = arith.addi %mul3A_187, %add3A_216 : i32
      %lt3A_218 = arith.cmpi slt, %add3A_217, %select_n3A_88 : i32
      %convert_element_type3A_219 = arith.extui %lt3A_218 : i1 to i32
      %cond3A_220 = arith.constant 0 : i32
      %cond3A_221 = arith.cmpi ne, %convert_element_type3A_219, %cond3A_220 : i32
      scf.if %cond3A_221 {
        %mul3A_245 = arith.constant 32 : i32
        %mul3A_246 = arith.muli %add3A_217, %mul3A_245 : i32
        %dma_wait3A = tpu.memref_slice %arg6[%mul3A_246] : memref<416xi32, #tpu.memory_space<vmem>> -> memref<32xi32, #tpu.memory_space<vmem>>
        %dma_wait3A_247 = arith.constant 0 : i32
        %dma_wait3A_248 = arith.constant 0 : i32
        %dma_wait3A_249 = tpu.memref_slice %arg2[%dma_wait3A_247, %dma_wait3A_248] : memref<32768x768xf32, #tpu.memory_space<hbm>> -> memref<32768x768xf32, #tpu.memory_space<hbm>>
        tpu.wait_indirect_dma semaphore(%arg17 : memref<!tpu.dma_semaphore, #tpu.memory_space<semaphore_mem>>) src(%dma_wait3A_249 : memref<32768x768xf32, #tpu.memory_space<hbm>>) dst(%arg9 : memref<32x768xf32, #tpu.memory_space<vmem>>)
        %scan3A_250 = arith.constant 0 : i32
        %scan3A_251 = arith.constant 0 : i32
        %scan3A_252 = arith.constant 48 : i32
        %scan3A_253 = arith.addi %scan3A_251, %scan3A_252 : i32
        %scan3A_254 = arith.constant 1 : i32
        %scan3A_255 = scf.for %scan3A_257 = %scan3A_251 to %scan3A_253 step %scan3A_254 iter_args(%scan3A_258 = %scan3A_250) -> (i32)  : i32 {
          %mul3A_259 = arith.constant 16 : i32
          %mul3A_260 = arith.muli %scan3A_257, %mul3A_259 : i32
          %get3A = arith.constant 0 : i32
          %get3A_261 = arith.index_cast %get3A : i32 to index
          %get3A_262 = arith.index_cast %mul3A_260 : i32 to index
          %get3A_263 = tpu.vector_load %arg9[%get3A_261, %get3A_262] {strides = array<i32>} : memref<32x768xf32, #tpu.memory_space<vmem>>, vector<16xf32>,
          %get3A_264 = arith.constant 1 : i32
          %get3A_265 = arith.index_cast %get3A_264 : i32 to index
          %get3A_266 = arith.index_cast %mul3A_260 : i32 to index
          %get3A_267 = tpu.vector_load %arg9[%get3A_265, %get3A_266] {strides = array<i32>} : memref<32x768xf32, #tpu.memory_space<vmem>>, vector<16xf32>,
          %get3A_268 = arith.constant 2 : i32
          %get3A_269 = arith.index_cast %get3A_268 : i32 to index
          %get3A_270 = arith.index_cast %mul3A_260 : i32 to index
          %get3A_271 = tpu.vector_load %arg9[%get3A_269, %get3A_270] {strides = array<i32>} : memref<32x768xf32, #tpu.memory_space<vmem>>, vector<16xf32>,
          %get3A_272 = arith.constant 3 : i32
          %get3A_273 = arith.index_cast %get3A_272 : i32 to index
          %get3A_274 = arith.index_cast %mul3A_260 : i32 to index
          %get3A_275 = tpu.vector_load %arg9[%get3A_273, %get3A_274] {strides = array<i32>} : memref<32x768xf32, #tpu.memory_space<vmem>>, vector<16xf32>,
          %get3A_276 = arith.constant 4 : i32
          %get3A_277 = arith.index_cast %get3A_276 : i32 to index
          %get3A_278 = arith.index_cast %mul3A_260 : i32 to index
          %get3A_279 = tpu.vector_load %arg9[%get3A_277, %get3A_278] {strides = array<i32>} : memref<32x768xf32, #tpu.memory_space<vmem>>, vector<16xf32>,
          %add3A_280 = arith.addf %get3A_263, %get3A_279 : vector<16xf32>
          %get3A_281 = arith.constant 5 : i32
          %get3A_282 = arith.index_cast %get3A_281 : i32 to index
          %get3A_283 = arith.index_cast %mul3A_260 : i32 to index
          %get3A_284 = tpu.vector_load %arg9[%get3A_282, %get3A_283] {strides = array<i32>} : memref<32x768xf32, #tpu.memory_space<vmem>>, vector<16xf32>,
          %add3A_285 = arith.addf %get3A_267, %get3A_284 : vector<16xf32>
          %get3A_286 = arith.constant 6 : i32
          %get3A_287 = arith.index_cast %get3A_286 : i32 to index
          %get3A_288 = arith.index_cast %mul3A_260 : i32 to index
          %get3A_289 = tpu.vector_load %arg9[%get3A_287, %get3A_288] {strides = array<i32>} : memref<32x768xf32, #tpu.memory_space<vmem>>, vector<16xf32>,
          %add3A_290 = arith.addf %get3A_271, %get3A_289 : vector<16xf32>
          %get3A_291 = arith.constant 7 : i32
          %get3A_292 = arith.index_cast %get3A_291 : i32 to index
          %get3A_293 = arith.index_cast %mul3A_260 : i32 to index
          %get3A_294 = tpu.vector_load %arg9[%get3A_292, %get3A_293] {strides = array<i32>} : memref<32x768xf32, #tpu.memory_space<vmem>>, vector<16xf32>,
          %add3A_295 = arith.addf %get3A_275, %get3A_294 : vector<16xf32>
          %get3A_296 = arith.constant 8 : i32
          %get3A_297 = arith.index_cast %get3A_296 : i32 to index
          %get3A_298 = arith.index_cast %mul3A_260 : i32 to index
          %get3A_299 = tpu.vector_load %arg9[%get3A_297, %get3A_298] {strides = array<i32>} : memref<32x768xf32, #tpu.memory_space<vmem>>, vector<16xf32>,
          %add3A_300 = arith.addf %add3A_280, %get3A_299 : vector<16xf32>
          %get3A_301 = arith.constant 9 : i32
          %get3A_302 = arith.index_cast %get3A_301 : i32 to index
          %get3A_303 = arith.index_cast %mul3A_260 : i32 to index
          %get3A_304 = tpu.vector_load %arg9[%get3A_302, %get3A_303] {strides = array<i32>} : memref<32x768xf32, #tpu.memory_space<vmem>>, vector<16xf32>,
          %add3A_305 = arith.addf %add3A_285, %get3A_304 : vector<16xf32>
          %get3A_306 = arith.constant 10 : i32
          %get3A_307 = arith.index_cast %get3A_306 : i32 to index
          %get3A_308 = arith.index_cast %mul3A_260 : i32 to index
          %get3A_309 = tpu.vector_load %arg9[%get3A_307, %get3A_308] {strides = array<i32>} : memref<32x768xf32, #tpu.memory_space<vmem>>, vector<16xf32>,
          %add3A_310 = arith.addf %add3A_290, %get3A_309 : vector<16xf32>
          %get3A_311 = arith.constant 11 : i32
          %get3A_312 = arith.index_cast %get3A_311 : i32 to index
          %get3A_313 = arith.index_cast %mul3A_260 : i32 to index
          %get3A_314 = tpu.vector_load %arg9[%get3A_312, %get3A_313] {strides = array<i32>} : memref<32x768xf32, #tpu.memory_space<vmem>>, vector<16xf32>,
          %add3A_315 = arith.addf %add3A_295, %get3A_314 : vector<16xf32>
          %get3A_316 = arith.constant 12 : i32
          %get3A_317 = arith.index_cast %get3A_316 : i32 to index
          %get3A_318 = arith.index_cast %mul3A_260 : i32 to index
          %get3A_319 = tpu.vector_load %arg9[%get3A_317, %get3A_318] {strides = array<i32>} : memref<32x768xf32, #tpu.memory_space<vmem>>, vector<16xf32>,
          %add3A_320 = arith.addf %add3A_300, %get3A_319 : vector<16xf32>
          %get3A_321 = arith.constant 13 : i32
          %get3A_322 = arith.index_cast %get3A_321 : i32 to index
          %get3A_323 = arith.index_cast %mul3A_260 : i32 to index
          %get3A_324 = tpu.vector_load %arg9[%get3A_322, %get3A_323] {strides = array<i32>} : memref<32x768xf32, #tpu.memory_space<vmem>>, vector<16xf32>,
          %add3A_325 = arith.addf %add3A_305, %get3A_324 : vector<16xf32>
          %get3A_326 = arith.constant 14 : i32
          %get3A_327 = arith.index_cast %get3A_326 : i32 to index
          %get3A_328 = arith.index_cast %mul3A_260 : i32 to index
          %get3A_329 = tpu.vector_load %arg9[%get3A_327, %get3A_328] {strides = array<i32>} : memref<32x768xf32, #tpu.memory_space<vmem>>, vector<16xf32>,
          %add3A_330 = arith.addf %add3A_310, %get3A_329 : vector<16xf32>
          %get3A_331 = arith.constant 15 : i32
          %get3A_332 = arith.index_cast %get3A_331 : i32 to index
          %get3A_333 = arith.index_cast %mul3A_260 : i32 to index
          %get3A_334 = tpu.vector_load %arg9[%get3A_332, %get3A_333] {strides = array<i32>} : memref<32x768xf32, #tpu.memory_space<vmem>>, vector<16xf32>,
          %add3A_335 = arith.addf %add3A_315, %get3A_334 : vector<16xf32>
          %get3A_336 = arith.constant 16 : i32
          %get3A_337 = arith.index_cast %get3A_336 : i32 to index
          %get3A_338 = arith.index_cast %mul3A_260 : i32 to index
          %get3A_339 = tpu.vector_load %arg9[%get3A_337, %get3A_338] {strides = array<i32>} : memref<32x768xf32, #tpu.memory_space<vmem>>, vector<16xf32>,
          %add3A_340 = arith.addf %add3A_320, %get3A_339 : vector<16xf32>
          %get3A_341 = arith.constant 17 : i32
          %get3A_342 = arith.index_cast %get3A_341 : i32 to index
          %get3A_343 = arith.index_cast %mul3A_260 : i32 to index
          %get3A_344 = tpu.vector_load %arg9[%get3A_342, %get3A_343] {strides = array<i32>} : memref<32x768xf32, #tpu.memory_space<vmem>>, vector<16xf32>,
          %add3A_345 = arith.addf %add3A_325, %get3A_344 : vector<16xf32>
          %get3A_346 = arith.constant 18 : i32
          %get3A_347 = arith.index_cast %get3A_346 : i32 to index
          %get3A_348 = arith.index_cast %mul3A_260 : i32 to index
          %get3A_349 = tpu.vector_load %arg9[%get3A_347, %get3A_348] {strides = array<i32>} : memref<32x768xf32, #tpu.memory_space<vmem>>, vector<16xf32>,
          %add3A_350 = arith.addf %add3A_330, %get3A_349 : vector<16xf32>
          %get3A_351 = arith.constant 19 : i32
          %get3A_352 = arith.index_cast %get3A_351 : i32 to index
          %get3A_353 = arith.index_cast %mul3A_260 : i32 to index
          %get3A_354 = tpu.vector_load %arg9[%get3A_352, %get3A_353] {strides = array<i32>} : memref<32x768xf32, #tpu.memory_space<vmem>>, vector<16xf32>,
          %add3A_355 = arith.addf %add3A_335, %get3A_354 : vector<16xf32>
          %get3A_356 = arith.constant 20 : i32
          %get3A_357 = arith.index_cast %get3A_356 : i32 to index
          %get3A_358 = arith.index_cast %mul3A_260 : i32 to index
          %get3A_359 = tpu.vector_load %arg9[%get3A_357, %get3A_358] {strides = array<i32>} : memref<32x768xf32, #tpu.memory_space<vmem>>, vector<16xf32>,
          %add3A_360 = arith.addf %add3A_340, %get3A_359 : vector<16xf32>
          %get3A_361 = arith.constant 21 : i32
          %get3A_362 = arith.index_cast %get3A_361 : i32 to index
          %get3A_363 = arith.index_cast %mul3A_260 : i32 to index
          %get3A_364 = tpu.vector_load %arg9[%get3A_362, %get3A_363] {strides = array<i32>} : memref<32x768xf32, #tpu.memory_space<vmem>>, vector<16xf32>,
          %add3A_365 = arith.addf %add3A_345, %get3A_364 : vector<16xf32>
          %get3A_366 = arith.constant 22 : i32
          %get3A_367 = arith.index_cast %get3A_366 : i32 to index
          %get3A_368 = arith.index_cast %mul3A_260 : i32 to index
          %get3A_369 = tpu.vector_load %arg9[%get3A_367, %get3A_368] {strides = array<i32>} : memref<32x768xf32, #tpu.memory_space<vmem>>, vector<16xf32>,
          %add3A_370 = arith.addf %add3A_350, %get3A_369 : vector<16xf32>
          %get3A_371 = arith.constant 23 : i32
          %get3A_372 = arith.index_cast %get3A_371 : i32 to index
          %get3A_373 = arith.index_cast %mul3A_260 : i32 to index
          %get3A_374 = tpu.vector_load %arg9[%get3A_372, %get3A_373] {strides = array<i32>} : memref<32x768xf32, #tpu.memory_space<vmem>>, vector<16xf32>,
          %add3A_375 = arith.addf %add3A_355, %get3A_374 : vector<16xf32>
          %get3A_376 = arith.constant 24 : i32
          %get3A_377 = arith.index_cast %get3A_376 : i32 to index
          %get3A_378 = arith.index_cast %mul3A_260 : i32 to index
          %get3A_379 = tpu.vector_load %arg9[%get3A_377, %get3A_378] {strides = array<i32>} : memref<32x768xf32, #tpu.memory_space<vmem>>, vector<16xf32>,
          %add3A_380 = arith.addf %add3A_360, %get3A_379 : vector<16xf32>
          %get3A_381 = arith.constant 25 : i32
          %get3A_382 = arith.index_cast %get3A_381 : i32 to index
          %get3A_383 = arith.index_cast %mul3A_260 : i32 to index
          %get3A_384 = tpu.vector_load %arg9[%get3A_382, %get3A_383] {strides = array<i32>} : memref<32x768xf32, #tpu.memory_space<vmem>>, vector<16xf32>,
          %add3A_385 = arith.addf %add3A_365, %get3A_384 : vector<16xf32>
          %get3A_386 = arith.constant 26 : i32
          %get3A_387 = arith.index_cast %get3A_386 : i32 to index
          %get3A_388 = arith.index_cast %mul3A_260 : i32 to index
          %get3A_389 = tpu.vector_load %arg9[%get3A_387, %get3A_388] {strides = array<i32>} : memref<32x768xf32, #tpu.memory_space<vmem>>, vector<16xf32>,
          %add3A_390 = arith.addf %add3A_370, %get3A_389 : vector<16xf32>
          %get3A_391 = arith.constant 27 : i32
          %get3A_392 = arith.index_cast %get3A_391 : i32 to index
          %get3A_393 = arith.index_cast %mul3A_260 : i32 to index
          %get3A_394 = tpu.vector_load %arg9[%get3A_392, %get3A_393] {strides = array<i32>} : memref<32x768xf32, #tpu.memory_space<vmem>>, vector<16xf32>,
          %add3A_395 = arith.addf %add3A_375, %get3A_394 : vector<16xf32>
          %get3A_396 = arith.constant 28 : i32
          %get3A_397 = arith.index_cast %get3A_396 : i32 to index
          %get3A_398 = arith.index_cast %mul3A_260 : i32 to index
          %get3A_399 = tpu.vector_load %arg9[%get3A_397, %get3A_398] {strides = array<i32>} : memref<32x768xf32, #tpu.memory_space<vmem>>, vector<16xf32>,
          %add3A_400 = arith.addf %add3A_380, %get3A_399 : vector<16xf32>
          %get3A_401 = arith.constant 29 : i32
          %get3A_402 = arith.index_cast %get3A_401 : i32 to index
          %get3A_403 = arith.index_cast %mul3A_260 : i32 to index
          %get3A_404 = tpu.vector_load %arg9[%get3A_402, %get3A_403] {strides = array<i32>} : memref<32x768xf32, #tpu.memory_space<vmem>>, vector<16xf32>,
          %add3A_405 = arith.addf %add3A_385, %get3A_404 : vector<16xf32>
          %get3A_406 = arith.constant 30 : i32
          %get3A_407 = arith.index_cast %get3A_406 : i32 to index
          %get3A_408 = arith.index_cast %mul3A_260 : i32 to index
          %get3A_409 = tpu.vector_load %arg9[%get3A_407, %get3A_408] {strides = array<i32>} : memref<32x768xf32, #tpu.memory_space<vmem>>, vector<16xf32>,
          %add3A_410 = arith.addf %add3A_390, %get3A_409 : vector<16xf32>
          %get3A_411 = arith.constant 31 : i32
          %get3A_412 = arith.index_cast %get3A_411 : i32 to index
          %get3A_413 = arith.index_cast %mul3A_260 : i32 to index
          %get3A_414 = tpu.vector_load %arg9[%get3A_412, %get3A_413] {strides = array<i32>} : memref<32x768xf32, #tpu.memory_space<vmem>>, vector<16xf32>,
          %add3A_415 = arith.addf %add3A_395, %get3A_414 : vector<16xf32>
          %add3A_416 = arith.addf %add3A_400, %add3A_405 : vector<16xf32>
          %add3A_417 = arith.addf %add3A_410, %add3A_415 : vector<16xf32>
          %add3A_418 = arith.addf %add3A_416, %add3A_417 : vector<16xf32>
          %swap3A = arith.index_cast %mul3A_260 : i32 to index
          %swap3A_419 = tpu.vector_load %arg11[%swap3A] {strides = array<i32>} : memref<768xf32, #tpu.memory_space<vmem>>, vector<16xf32>,
          tpu.vector_store %arg11[%swap3A], %add3A_418 {add = true, strides = array<i32>} : memref<768xf32, #tpu.memory_space<vmem>>, vector<16xf32>,
          %scan3A_420 = arith.constant 0 : i32
          scf.yield %scan3A_420 : i32
        }
        %scan3A_256 = arith.constant 48 : i32
      } else {
      }
      %add3A_222 = arith.constant 2 : i32
      %add3A_223 = arith.addi %mul3A_187, %add3A_222 : i32
      %add3A_224 = arith.constant 4 : i32
      %add3A_225 = arith.addi %add3A_223, %add3A_224 : i32
      %lt3A_226 = arith.cmpi slt, %add3A_225, %select_n3A_88 : i32
      %convert_element_type3A_227 = arith.extui %lt3A_226 : i1 to i32
      %cond3A_228 = arith.constant 0 : i32
      %cond3A_229 = arith.cmpi ne, %convert_element_type3A_227, %cond3A_228 : i32
      scf.if %cond3A_229 {
        %mul3A_245 = arith.constant 32 : i32
        %mul3A_246 = arith.muli %add3A_225, %mul3A_245 : i32
        %dma_start3A = tpu.memref_slice %arg6[%mul3A_246] : memref<416xi32, #tpu.memory_space<vmem>> -> memref<32xi32, #tpu.memory_space<vmem>>
        %dma_start3A_247 = arith.constant 0 : i32
        %dma_start3A_248 = arith.constant 0 : i32
        %dma_start3A_249 = tpu.memref_slice %arg2[%dma_start3A_247, %dma_start3A_248] : memref<32768x768xf32, #tpu.memory_space<hbm>> -> memref<32768x768xf32, #tpu.memory_space<hbm>>
        tpu.enqueue_indirect_dma source(%dma_start3A_249 : memref<32768x768xf32, #tpu.memory_space<hbm>>) target(%arg9 : memref<32x768xf32, #tpu.memory_space<vmem>>) offsets(%dma_start3A : memref<32xi32, #tpu.memory_space<vmem>>) semaphore(%arg17 : memref<!tpu.dma_semaphore, #tpu.memory_space<semaphore_mem>>)
      } else {
      }
      %add3A_230 = arith.constant 3 : i32
      %add3A_231 = arith.addi %mul3A_187, %add3A_230 : i32
      %lt3A_232 = arith.cmpi slt, %add3A_231, %select_n3A_88 : i32
      %convert_element_type3A_233 = arith.extui %lt3A_232 : i1 to i32
      %cond3A_234 = arith.constant 0 : i32
      %cond3A_235 = arith.cmpi ne, %convert_element_type3A_233, %cond3A_234 : i32
      scf.if %cond3A_235 {
        %mul3A_245 = arith.constant 32 : i32
        %mul3A_246 = arith.muli %add3A_231, %mul3A_245 : i32
        %dma_wait3A = tpu.memref_slice %arg6[%mul3A_246] : memref<416xi32, #tpu.memory_space<vmem>> -> memref<32xi32, #tpu.memory_space<vmem>>
        %dma_wait3A_247 = arith.constant 0 : i32
        %dma_wait3A_248 = arith.constant 0 : i32
        %dma_wait3A_249 = tpu.memref_slice %arg2[%dma_wait3A_247, %dma_wait3A_248] : memref<32768x768xf32, #tpu.memory_space<hbm>> -> memref<32768x768xf32, #tpu.memory_space<hbm>>
        tpu.wait_indirect_dma semaphore(%arg18 : memref<!tpu.dma_semaphore, #tpu.memory_space<semaphore_mem>>) src(%dma_wait3A_249 : memref<32768x768xf32, #tpu.memory_space<hbm>>) dst(%arg10 : memref<32x768xf32, #tpu.memory_space<vmem>>)
        %scan3A_250 = arith.constant 0 : i32
        %scan3A_251 = arith.constant 0 : i32
        %scan3A_252 = arith.constant 48 : i32
        %scan3A_253 = arith.addi %scan3A_251, %scan3A_252 : i32
        %scan3A_254 = arith.constant 1 : i32
        %scan3A_255 = scf.for %scan3A_257 = %scan3A_251 to %scan3A_253 step %scan3A_254 iter_args(%scan3A_258 = %scan3A_250) -> (i32)  : i32 {
          %mul3A_259 = arith.constant 16 : i32
          %mul3A_260 = arith.muli %scan3A_257, %mul3A_259 : i32
          %get3A = arith.constant 0 : i32
          %get3A_261 = arith.index_cast %get3A : i32 to index
          %get3A_262 = arith.index_cast %mul3A_260 : i32 to index
          %get3A_263 = tpu.vector_load %arg10[%get3A_261, %get3A_262] {strides = array<i32>} : memref<32x768xf32, #tpu.memory_space<vmem>>, vector<16xf32>,
          %get3A_264 = arith.constant 1 : i32
          %get3A_265 = arith.index_cast %get3A_264 : i32 to index
          %get3A_266 = arith.index_cast %mul3A_260 : i32 to index
          %get3A_267 = tpu.vector_load %arg10[%get3A_265, %get3A_266] {strides = array<i32>} : memref<32x768xf32, #tpu.memory_space<vmem>>, vector<16xf32>,
          %get3A_268 = arith.constant 2 : i32
          %get3A_269 = arith.index_cast %get3A_268 : i32 to index
          %get3A_270 = arith.index_cast %mul3A_260 : i32 to index
          %get3A_271 = tpu.vector_load %arg10[%get3A_269, %get3A_270] {strides = array<i32>} : memref<32x768xf32, #tpu.memory_space<vmem>>, vector<16xf32>,
          %get3A_272 = arith.constant 3 : i32
          %get3A_273 = arith.index_cast %get3A_272 : i32 to index
          %get3A_274 = arith.index_cast %mul3A_260 : i32 to index
          %get3A_275 = tpu.vector_load %arg10[%get3A_273, %get3A_274] {strides = array<i32>} : memref<32x768xf32, #tpu.memory_space<vmem>>, vector<16xf32>,
          %get3A_276 = arith.constant 4 : i32
          %get3A_277 = arith.index_cast %get3A_276 : i32 to index
          %get3A_278 = arith.index_cast %mul3A_260 : i32 to index
          %get3A_279 = tpu.vector_load %arg10[%get3A_277, %get3A_278] {strides = array<i32>} : memref<32x768xf32, #tpu.memory_space<vmem>>, vector<16xf32>,
          %add3A_280 = arith.addf %get3A_263, %get3A_279 : vector<16xf32>
          %get3A_281 = arith.constant 5 : i32
          %get3A_282 = arith.index_cast %get3A_281 : i32 to index
          %get3A_283 = arith.index_cast %mul3A_260 : i32 to index
          %get3A_284 = tpu.vector_load %arg10[%get3A_282, %get3A_283] {strides = array<i32>} : memref<32x768xf32, #tpu.memory_space<vmem>>, vector<16xf32>,
          %add3A_285 = arith.addf %get3A_267, %get3A_284 : vector<16xf32>
          %get3A_286 = arith.constant 6 : i32
          %get3A_287 = arith.index_cast %get3A_286 : i32 to index
          %get3A_288 = arith.index_cast %mul3A_260 : i32 to index
          %get3A_289 = tpu.vector_load %arg10[%get3A_287, %get3A_288] {strides = array<i32>} : memref<32x768xf32, #tpu.memory_space<vmem>>, vector<16xf32>,
          %add3A_290 = arith.addf %get3A_271, %get3A_289 : vector<16xf32>
          %get3A_291 = arith.constant 7 : i32
          %get3A_292 = arith.index_cast %get3A_291 : i32 to index
          %get3A_293 = arith.index_cast %mul3A_260 : i32 to index
          %get3A_294 = tpu.vector_load %arg10[%get3A_292, %get3A_293] {strides = array<i32>} : memref<32x768xf32, #tpu.memory_space<vmem>>, vector<16xf32>,
          %add3A_295 = arith.addf %get3A_275, %get3A_294 : vector<16xf32>
          %get3A_296 = arith.constant 8 : i32
          %get3A_297 = arith.index_cast %get3A_296 : i32 to index
          %get3A_298 = arith.index_cast %mul3A_260 : i32 to index
          %get3A_299 = tpu.vector_load %arg10[%get3A_297, %get3A_298] {strides = array<i32>} : memref<32x768xf32, #tpu.memory_space<vmem>>, vector<16xf32>,
          %add3A_300 = arith.addf %add3A_280, %get3A_299 : vector<16xf32>
          %get3A_301 = arith.constant 9 : i32
          %get3A_302 = arith.index_cast %get3A_301 : i32 to index
          %get3A_303 = arith.index_cast %mul3A_260 : i32 to index
          %get3A_304 = tpu.vector_load %arg10[%get3A_302, %get3A_303] {strides = array<i32>} : memref<32x768xf32, #tpu.memory_space<vmem>>, vector<16xf32>,
          %add3A_305 = arith.addf %add3A_285, %get3A_304 : vector<16xf32>
          %get3A_306 = arith.constant 10 : i32
          %get3A_307 = arith.index_cast %get3A_306 : i32 to index
          %get3A_308 = arith.index_cast %mul3A_260 : i32 to index
          %get3A_309 = tpu.vector_load %arg10[%get3A_307, %get3A_308] {strides = array<i32>} : memref<32x768xf32, #tpu.memory_space<vmem>>, vector<16xf32>,
          %add3A_310 = arith.addf %add3A_290, %get3A_309 : vector<16xf32>
          %get3A_311 = arith.constant 11 : i32
          %get3A_312 = arith.index_cast %get3A_311 : i32 to index
          %get3A_313 = arith.index_cast %mul3A_260 : i32 to index
          %get3A_314 = tpu.vector_load %arg10[%get3A_312, %get3A_313] {strides = array<i32>} : memref<32x768xf32, #tpu.memory_space<vmem>>, vector<16xf32>,
          %add3A_315 = arith.addf %add3A_295, %get3A_314 : vector<16xf32>
          %get3A_316 = arith.constant 12 : i32
          %get3A_317 = arith.index_cast %get3A_316 : i32 to index
          %get3A_318 = arith.index_cast %mul3A_260 : i32 to index
          %get3A_319 = tpu.vector_load %arg10[%get3A_317, %get3A_318] {strides = array<i32>} : memref<32x768xf32, #tpu.memory_space<vmem>>, vector<16xf32>,
          %add3A_320 = arith.addf %add3A_300, %get3A_319 : vector<16xf32>
          %get3A_321 = arith.constant 13 : i32
          %get3A_322 = arith.index_cast %get3A_321 : i32 to index
          %get3A_323 = arith.index_cast %mul3A_260 : i32 to index
          %get3A_324 = tpu.vector_load %arg10[%get3A_322, %get3A_323] {strides = array<i32>} : memref<32x768xf32, #tpu.memory_space<vmem>>, vector<16xf32>,
          %add3A_325 = arith.addf %add3A_305, %get3A_324 : vector<16xf32>
          %get3A_326 = arith.constant 14 : i32
          %get3A_327 = arith.index_cast %get3A_326 : i32 to index
          %get3A_328 = arith.index_cast %mul3A_260 : i32 to index
          %get3A_329 = tpu.vector_load %arg10[%get3A_327, %get3A_328] {strides = array<i32>} : memref<32x768xf32, #tpu.memory_space<vmem>>, vector<16xf32>,
          %add3A_330 = arith.addf %add3A_310, %get3A_329 : vector<16xf32>
          %get3A_331 = arith.constant 15 : i32
          %get3A_332 = arith.index_cast %get3A_331 : i32 to index
          %get3A_333 = arith.index_cast %mul3A_260 : i32 to index
          %get3A_334 = tpu.vector_load %arg10[%get3A_332, %get3A_333] {strides = array<i32>} : memref<32x768xf32, #tpu.memory_space<vmem>>, vector<16xf32>,
          %add3A_335 = arith.addf %add3A_315, %get3A_334 : vector<16xf32>
          %get3A_336 = arith.constant 16 : i32
          %get3A_337 = arith.index_cast %get3A_336 : i32 to index
          %get3A_338 = arith.index_cast %mul3A_260 : i32 to index
          %get3A_339 = tpu.vector_load %arg10[%get3A_337, %get3A_338] {strides = array<i32>} : memref<32x768xf32, #tpu.memory_space<vmem>>, vector<16xf32>,
          %add3A_340 = arith.addf %add3A_320, %get3A_339 : vector<16xf32>
          %get3A_341 = arith.constant 17 : i32
          %get3A_342 = arith.index_cast %get3A_341 : i32 to index
          %get3A_343 = arith.index_cast %mul3A_260 : i32 to index
          %get3A_344 = tpu.vector_load %arg10[%get3A_342, %get3A_343] {strides = array<i32>} : memref<32x768xf32, #tpu.memory_space<vmem>>, vector<16xf32>,
          %add3A_345 = arith.addf %add3A_325, %get3A_344 : vector<16xf32>
          %get3A_346 = arith.constant 18 : i32
          %get3A_347 = arith.index_cast %get3A_346 : i32 to index
          %get3A_348 = arith.index_cast %mul3A_260 : i32 to index
          %get3A_349 = tpu.vector_load %arg10[%get3A_347, %get3A_348] {strides = array<i32>} : memref<32x768xf32, #tpu.memory_space<vmem>>, vector<16xf32>,
          %add3A_350 = arith.addf %add3A_330, %get3A_349 : vector<16xf32>
          %get3A_351 = arith.constant 19 : i32
          %get3A_352 = arith.index_cast %get3A_351 : i32 to index
          %get3A_353 = arith.index_cast %mul3A_260 : i32 to index
          %get3A_354 = tpu.vector_load %arg10[%get3A_352, %get3A_353] {strides = array<i32>} : memref<32x768xf32, #tpu.memory_space<vmem>>, vector<16xf32>,
          %add3A_355 = arith.addf %add3A_335, %get3A_354 : vector<16xf32>
          %get3A_356 = arith.constant 20 : i32
          %get3A_357 = arith.index_cast %get3A_356 : i32 to index
          %get3A_358 = arith.index_cast %mul3A_260 : i32 to index
          %get3A_359 = tpu.vector_load %arg10[%get3A_357, %get3A_358] {strides = array<i32>} : memref<32x768xf32, #tpu.memory_space<vmem>>, vector<16xf32>,
          %add3A_360 = arith.addf %add3A_340, %get3A_359 : vector<16xf32>
          %get3A_361 = arith.constant 21 : i32
          %get3A_362 = arith.index_cast %get3A_361 : i32 to index
          %get3A_363 = arith.index_cast %mul3A_260 : i32 to index
          %get3A_364 = tpu.vector_load %arg10[%get3A_362, %get3A_363] {strides = array<i32>} : memref<32x768xf32, #tpu.memory_space<vmem>>, vector<16xf32>,
          %add3A_365 = arith.addf %add3A_345, %get3A_364 : vector<16xf32>
          %get3A_366 = arith.constant 22 : i32
          %get3A_367 = arith.index_cast %get3A_366 : i32 to index
          %get3A_368 = arith.index_cast %mul3A_260 : i32 to index
          %get3A_369 = tpu.vector_load %arg10[%get3A_367, %get3A_368] {strides = array<i32>} : memref<32x768xf32, #tpu.memory_space<vmem>>, vector<16xf32>,
          %add3A_370 = arith.addf %add3A_350, %get3A_369 : vector<16xf32>
          %get3A_371 = arith.constant 23 : i32
          %get3A_372 = arith.index_cast %get3A_371 : i32 to index
          %get3A_373 = arith.index_cast %mul3A_260 : i32 to index
          %get3A_374 = tpu.vector_load %arg10[%get3A_372, %get3A_373] {strides = array<i32>} : memref<32x768xf32, #tpu.memory_space<vmem>>, vector<16xf32>,
          %add3A_375 = arith.addf %add3A_355, %get3A_374 : vector<16xf32>
          %get3A_376 = arith.constant 24 : i32
          %get3A_377 = arith.index_cast %get3A_376 : i32 to index
          %get3A_378 = arith.index_cast %mul3A_260 : i32 to index
          %get3A_379 = tpu.vector_load %arg10[%get3A_377, %get3A_378] {strides = array<i32>} : memref<32x768xf32, #tpu.memory_space<vmem>>, vector<16xf32>,
          %add3A_380 = arith.addf %add3A_360, %get3A_379 : vector<16xf32>
          %get3A_381 = arith.constant 25 : i32
          %get3A_382 = arith.index_cast %get3A_381 : i32 to index
          %get3A_383 = arith.index_cast %mul3A_260 : i32 to index
          %get3A_384 = tpu.vector_load %arg10[%get3A_382, %get3A_383] {strides = array<i32>} : memref<32x768xf32, #tpu.memory_space<vmem>>, vector<16xf32>,
          %add3A_385 = arith.addf %add3A_365, %get3A_384 : vector<16xf32>
          %get3A_386 = arith.constant 26 : i32
          %get3A_387 = arith.index_cast %get3A_386 : i32 to index
          %get3A_388 = arith.index_cast %mul3A_260 : i32 to index
          %get3A_389 = tpu.vector_load %arg10[%get3A_387, %get3A_388] {strides = array<i32>} : memref<32x768xf32, #tpu.memory_space<vmem>>, vector<16xf32>,
          %add3A_390 = arith.addf %add3A_370, %get3A_389 : vector<16xf32>
          %get3A_391 = arith.constant 27 : i32
          %get3A_392 = arith.index_cast %get3A_391 : i32 to index
          %get3A_393 = arith.index_cast %mul3A_260 : i32 to index
          %get3A_394 = tpu.vector_load %arg10[%get3A_392, %get3A_393] {strides = array<i32>} : memref<32x768xf32, #tpu.memory_space<vmem>>, vector<16xf32>,
          %add3A_395 = arith.addf %add3A_375, %get3A_394 : vector<16xf32>
          %get3A_396 = arith.constant 28 : i32
          %get3A_397 = arith.index_cast %get3A_396 : i32 to index
          %get3A_398 = arith.index_cast %mul3A_260 : i32 to index
          %get3A_399 = tpu.vector_load %arg10[%get3A_397, %get3A_398] {strides = array<i32>} : memref<32x768xf32, #tpu.memory_space<vmem>>, vector<16xf32>,
          %add3A_400 = arith.addf %add3A_380, %get3A_399 : vector<16xf32>
          %get3A_401 = arith.constant 29 : i32
          %get3A_402 = arith.index_cast %get3A_401 : i32 to index
          %get3A_403 = arith.index_cast %mul3A_260 : i32 to index
          %get3A_404 = tpu.vector_load %arg10[%get3A_402, %get3A_403] {strides = array<i32>} : memref<32x768xf32, #tpu.memory_space<vmem>>, vector<16xf32>,
          %add3A_405 = arith.addf %add3A_385, %get3A_404 : vector<16xf32>
          %get3A_406 = arith.constant 30 : i32
          %get3A_407 = arith.index_cast %get3A_406 : i32 to index
          %get3A_408 = arith.index_cast %mul3A_260 : i32 to index
          %get3A_409 = tpu.vector_load %arg10[%get3A_407, %get3A_408] {strides = array<i32>} : memref<32x768xf32, #tpu.memory_space<vmem>>, vector<16xf32>,
          %add3A_410 = arith.addf %add3A_390, %get3A_409 : vector<16xf32>
          %get3A_411 = arith.constant 31 : i32
          %get3A_412 = arith.index_cast %get3A_411 : i32 to index
          %get3A_413 = arith.index_cast %mul3A_260 : i32 to index
          %get3A_414 = tpu.vector_load %arg10[%get3A_412, %get3A_413] {strides = array<i32>} : memref<32x768xf32, #tpu.memory_space<vmem>>, vector<16xf32>,
          %add3A_415 = arith.addf %add3A_395, %get3A_414 : vector<16xf32>
          %add3A_416 = arith.addf %add3A_400, %add3A_405 : vector<16xf32>
          %add3A_417 = arith.addf %add3A_410, %add3A_415 : vector<16xf32>
          %add3A_418 = arith.addf %add3A_416, %add3A_417 : vector<16xf32>
          %swap3A = arith.index_cast %mul3A_260 : i32 to index
          %swap3A_419 = tpu.vector_load %arg11[%swap3A] {strides = array<i32>} : memref<768xf32, #tpu.memory_space<vmem>>, vector<16xf32>,
          tpu.vector_store %arg11[%swap3A], %add3A_418 {add = true, strides = array<i32>} : memref<768xf32, #tpu.memory_space<vmem>>, vector<16xf32>,
          %scan3A_420 = arith.constant 0 : i32
          scf.yield %scan3A_420 : i32
        }
        %scan3A_256 = arith.constant 48 : i32
      } else {
      }
      %add3A_236 = arith.constant 3 : i32
      %add3A_237 = arith.addi %mul3A_187, %add3A_236 : i32
      %add3A_238 = arith.constant 4 : i32
      %add3A_239 = arith.addi %add3A_237, %add3A_238 : i32
      %lt3A_240 = arith.cmpi slt, %add3A_239, %select_n3A_88 : i32
      %convert_element_type3A_241 = arith.extui %lt3A_240 : i1 to i32
      %cond3A_242 = arith.constant 0 : i32
      %cond3A_243 = arith.cmpi ne, %convert_element_type3A_241, %cond3A_242 : i32
      scf.if %cond3A_243 {
        %mul3A_245 = arith.constant 32 : i32
        %mul3A_246 = arith.muli %add3A_239, %mul3A_245 : i32
        %dma_start3A = tpu.memref_slice %arg6[%mul3A_246] : memref<416xi32, #tpu.memory_space<vmem>> -> memref<32xi32, #tpu.memory_space<vmem>>
        %dma_start3A_247 = arith.constant 0 : i32
        %dma_start3A_248 = arith.constant 0 : i32
        %dma_start3A_249 = tpu.memref_slice %arg2[%dma_start3A_247, %dma_start3A_248] : memref<32768x768xf32, #tpu.memory_space<hbm>> -> memref<32768x768xf32, #tpu.memory_space<hbm>>
        tpu.enqueue_indirect_dma source(%dma_start3A_249 : memref<32768x768xf32, #tpu.memory_space<hbm>>) target(%arg10 : memref<32x768xf32, #tpu.memory_space<vmem>>) offsets(%dma_start3A : memref<32xi32, #tpu.memory_space<vmem>>) semaphore(%arg18 : memref<!tpu.dma_semaphore, #tpu.memory_space<semaphore_mem>>)
      } else {
      }
      %while3A_244 = arith.constant 0 : i32
      scf.yield %while3A_244 : i32
    }
    %mul3A_150 = arith.constant 32 : i32
    %mul3A_151 = arith.muli %select_n3A_88, %mul3A_150 : i32
    %sub3A_152 = arith.subi %mul3A_151, %scan3A_52 : i32
    %convert_element_type3A_153 = arith.sitofp %sub3A_152 : i32 to f32
    %scan3A_154 = arith.constant 0 : i32
    %scan3A_155 = arith.constant 0 : i32
    %scan3A_156 = arith.constant 48 : i32
    %scan3A_157 = arith.addi %scan3A_155, %scan3A_156 : i32
    %scan3A_158 = arith.constant 1 : i32
    %scan3A_159 = scf.for %scan3A_184 = %scan3A_155 to %scan3A_157 step %scan3A_158 iter_args(%scan3A_185 = %scan3A_154) -> (i32)  : i32 {
      %mul3A_186 = arith.constant 16 : i32
      %mul3A_187 = arith.muli %scan3A_184, %mul3A_186 : i32
      %get3A = arith.index_cast %mul3A_187 : i32 to index
      %get3A_188 = tpu.vector_load %arg11[%get3A] {strides = array<i32>} : memref<768xf32, #tpu.memory_space<vmem>>, vector<16xf32>,
      %get3A_189 = arith.index_cast %mul3A_187 : i32 to index
      %get3A_190 = tpu.vector_load %arg12[%get3A_189] {strides = array<i32>} : memref<768xf32, #tpu.memory_space<vmem>>, vector<16xf32>,
      %mul3A_191 = vector.broadcast %convert_element_type3A_153 : f32 to vector<16xf32>
      %mul3A_192 = arith.mulf %mul3A_191, %get3A_190 : vector<16xf32>
      %sub3A_193 = arith.subf %get3A_188, %mul3A_192 : vector<16xf32>
      %swap3A = arith.index_cast %mul3A_187 : i32 to index
      %swap3A_194 = tpu.vector_load %arg11[%swap3A] {strides = array<i32>} : memref<768xf32, #tpu.memory_space<vmem>>, vector<16xf32>,
      tpu.vector_store %arg11[%swap3A], %sub3A_193 {strides = array<i32>} : memref<768xf32, #tpu.memory_space<vmem>>, vector<16xf32>,
      %scan3A_195 = arith.constant 0 : i32
      scf.yield %scan3A_195 : i32
    }
    %scan3A_160 = arith.constant 48 : i32
    %mul3A_161 = arith.constant 768 : i32
    %mul3A_162 = arith.muli %arg1, %mul3A_161 : i32
    "tpu.region"() ({
      %run_scoped3A = tpu.sem_alloc : memref<!tpu.dma_semaphore, #tpu.memory_space<semaphore_mem>>
      %dma_start3A = tpu.memref_slice %arg14[%mul3A_162] : memref<12288xf32, #tpu.memory_space<vmem_shared>> -> memref<768xf32, #tpu.memory_space<vmem_shared>>
      %dma_start3A_184 = tpu.memref_slice %arg14[%mul3A_162] : memref<12288xf32, #tpu.memory_space<vmem_shared>> -> memref<768xf32, #tpu.memory_space<vmem_shared>>
      tpu.enqueue_dma source(%arg11 : memref<768xf32, #tpu.memory_space<vmem>>) target(%dma_start3A_184 : memref<768xf32, #tpu.memory_space<vmem_shared>>) target_semaphore(%run_scoped3A : memref<!tpu.dma_semaphore, #tpu.memory_space<semaphore_mem>>)
      %dma_wait3A = tpu.memref_slice %arg14[%mul3A_162] : memref<12288xf32, #tpu.memory_space<vmem_shared>> -> memref<768xf32, #tpu.memory_space<vmem_shared>>
      %dma_wait3A_185 = tpu.memref_slice %arg14[%mul3A_162] : memref<12288xf32, #tpu.memory_space<vmem_shared>> -> memref<768xf32, #tpu.memory_space<vmem_shared>>
      tpu.wait_dma2 semaphore(%run_scoped3A : memref<!tpu.dma_semaphore, #tpu.memory_space<semaphore_mem>>) src(%arg11 : memref<768xf32, #tpu.memory_space<vmem>>) dst(%dma_wait3A_185 : memref<768xf32, #tpu.memory_space<vmem_shared>>)
      tpu.yield
    }) : () -> ()
    %barrier3A = arith.constant 0 : index
    tpu.barrier barrier_id(%barrier3A)
    %jit3A_163 = arith.constant 8 : i32
    %eq3A_164 = arith.constant 0 : i32
    %eq3A_165 = arith.cmpi eq, %jit3A_163, %eq3A_164 : i32
    %jit3A_166 = arith.constant 1 : i32
    %select_n3A_167 = arith.select %eq3A_165, %jit3A_166, %jit3A_163 : i32
    %rem3A_168 = arith.remsi %arg1, %select_n3A_167 : i32
    %ne3A_169 = arith.constant 0 : i32
    %ne3A_170 = arith.cmpi ne, %rem3A_168, %ne3A_169 : i32
    %lt3A_171 = arith.constant 0 : i32
    %lt3A_172 = arith.cmpi slt, %rem3A_168, %lt3A_171 : i32
    %lt3A_173 = arith.constant 0 : i32
    %lt3A_174 = arith.cmpi slt, %select_n3A_167, %lt3A_173 : i32
    %ne3A_175 = arith.xori %lt3A_172, %lt3A_174 : i1
    %and3A_176 = arith.andi %ne3A_175, %ne3A_170 : i1
    %add3A_177 = arith.addi %rem3A_168, %select_n3A_167 : i32
    %select_n3A_178 = arith.select %and3A_176, %add3A_177, %rem3A_168 : i32
    %eq3A_179 = arith.constant 0 : i32
    %eq3A_180 = arith.cmpi eq, %select_n3A_178, %eq3A_179 : i32
    %convert_element_type3A_181 = arith.extui %eq3A_180 : i1 to i32
    %cond3A_182 = arith.constant 0 : i32
    %cond3A_183 = arith.cmpi ne, %convert_element_type3A_181, %cond3A_182 : i32
    scf.if %cond3A_183 {
      %mul3A_184 = arith.constant 768 : i32
      %mul3A_185 = arith.muli %arg1, %mul3A_184 : i32
      "tpu.region"() ({
        %run_scoped3A_193 = tpu.sem_alloc : memref<!tpu.dma_semaphore, #tpu.memory_space<semaphore_mem>>
        %dma_start3A = tpu.memref_slice %arg14[%mul3A_185] : memref<12288xf32, #tpu.memory_space<vmem_shared>> -> memref<6144xf32, #tpu.memory_space<vmem_shared>>
        %dma_start3A_194 = tpu.memref_slice %arg14[%mul3A_185] : memref<12288xf32, #tpu.memory_space<vmem_shared>> -> memref<6144xf32, #tpu.memory_space<vmem_shared>>
        tpu.enqueue_dma source(%dma_start3A_194 : memref<6144xf32, #tpu.memory_space<vmem_shared>>) target(%arg13 : memref<6144xf32, #tpu.memory_space<vmem>>) target_semaphore(%run_scoped3A_193 : memref<!tpu.dma_semaphore, #tpu.memory_space<semaphore_mem>>)
        %dma_wait3A = tpu.memref_slice %arg14[%mul3A_185] : memref<12288xf32, #tpu.memory_space<vmem_shared>> -> memref<6144xf32, #tpu.memory_space<vmem_shared>>
        %dma_wait3A_195 = tpu.memref_slice %arg14[%mul3A_185] : memref<12288xf32, #tpu.memory_space<vmem_shared>> -> memref<6144xf32, #tpu.memory_space<vmem_shared>>
        tpu.wait_dma2 semaphore(%run_scoped3A_193 : memref<!tpu.dma_semaphore, #tpu.memory_space<semaphore_mem>>) src(%dma_wait3A_195 : memref<6144xf32, #tpu.memory_space<vmem_shared>>) dst(%arg13 : memref<6144xf32, #tpu.memory_space<vmem>>)
        tpu.yield
      }) : () -> ()
      %scan3A_186 = arith.constant 0 : i32
      %scan3A_187 = arith.constant 0 : i32
      %scan3A_188 = arith.constant 48 : i32
      %scan3A_189 = arith.addi %scan3A_187, %scan3A_188 : i32
      %scan3A_190 = arith.constant 1 : i32
      %scan3A_191 = scf.for %scan3A_193 = %scan3A_187 to %scan3A_189 step %scan3A_190 iter_args(%scan3A_194 = %scan3A_186) -> (i32)  : i32 {
        %mul3A_195 = arith.constant 16 : i32
        %mul3A_196 = arith.muli %scan3A_193, %mul3A_195 : i32
        %get3A = arith.index_cast %mul3A_196 : i32 to index
        %get3A_197 = tpu.vector_load %arg13[%get3A] {strides = array<i32>} : memref<6144xf32, #tpu.memory_space<vmem>>, vector<16xf32>,
        %mul3A_198 = arith.constant 16 : i32
        %mul3A_199 = arith.muli %scan3A_193, %mul3A_198 : i32
        %add3A_200 = arith.constant 768 : i32
        %add3A_201 = arith.addi %add3A_200, %mul3A_199 : i32
        %get3A_202 = arith.index_cast %add3A_201 : i32 to index
        %get3A_203 = tpu.vector_load %arg13[%get3A_202] {strides = array<i32>} : memref<6144xf32, #tpu.memory_space<vmem>>, vector<16xf32>,
        %add3A_204 = arith.addf %get3A_197, %get3A_203 : vector<16xf32>
        %mul3A_205 = arith.constant 16 : i32
        %mul3A_206 = arith.muli %scan3A_193, %mul3A_205 : i32
        %add3A_207 = arith.constant 1536 : i32
        %add3A_208 = arith.addi %add3A_207, %mul3A_206 : i32
        %get3A_209 = arith.index_cast %add3A_208 : i32 to index
        %get3A_210 = tpu.vector_load %arg13[%get3A_209] {strides = array<i32>} : memref<6144xf32, #tpu.memory_space<vmem>>, vector<16xf32>,
        %add3A_211 = arith.addf %add3A_204, %get3A_210 : vector<16xf32>
        %mul3A_212 = arith.constant 16 : i32
        %mul3A_213 = arith.muli %scan3A_193, %mul3A_212 : i32
        %add3A_214 = arith.constant 2304 : i32
        %add3A_215 = arith.addi %add3A_214, %mul3A_213 : i32
        %get3A_216 = arith.index_cast %add3A_215 : i32 to index
        %get3A_217 = tpu.vector_load %arg13[%get3A_216] {strides = array<i32>} : memref<6144xf32, #tpu.memory_space<vmem>>, vector<16xf32>,
        %add3A_218 = arith.addf %add3A_211, %get3A_217 : vector<16xf32>
        %mul3A_219 = arith.constant 16 : i32
        %mul3A_220 = arith.muli %scan3A_193, %mul3A_219 : i32
        %add3A_221 = arith.constant 3072 : i32
        %add3A_222 = arith.addi %add3A_221, %mul3A_220 : i32
        %get3A_223 = arith.index_cast %add3A_222 : i32 to index
        %get3A_224 = tpu.vector_load %arg13[%get3A_223] {strides = array<i32>} : memref<6144xf32, #tpu.memory_space<vmem>>, vector<16xf32>,
        %add3A_225 = arith.addf %add3A_218, %get3A_224 : vector<16xf32>
        %mul3A_226 = arith.constant 16 : i32
        %mul3A_227 = arith.muli %scan3A_193, %mul3A_226 : i32
        %add3A_228 = arith.constant 3840 : i32
        %add3A_229 = arith.addi %add3A_228, %mul3A_227 : i32
        %get3A_230 = arith.index_cast %add3A_229 : i32 to index
        %get3A_231 = tpu.vector_load %arg13[%get3A_230] {strides = array<i32>} : memref<6144xf32, #tpu.memory_space<vmem>>, vector<16xf32>,
        %add3A_232 = arith.addf %add3A_225, %get3A_231 : vector<16xf32>
        %mul3A_233 = arith.constant 16 : i32
        %mul3A_234 = arith.muli %scan3A_193, %mul3A_233 : i32
        %add3A_235 = arith.constant 4608 : i32
        %add3A_236 = arith.addi %add3A_235, %mul3A_234 : i32
        %get3A_237 = arith.index_cast %add3A_236 : i32 to index
        %get3A_238 = tpu.vector_load %arg13[%get3A_237] {strides = array<i32>} : memref<6144xf32, #tpu.memory_space<vmem>>, vector<16xf32>,
        %add3A_239 = arith.addf %add3A_232, %get3A_238 : vector<16xf32>
        %mul3A_240 = arith.constant 16 : i32
        %mul3A_241 = arith.muli %scan3A_193, %mul3A_240 : i32
        %add3A_242 = arith.constant 5376 : i32
        %add3A_243 = arith.addi %add3A_242, %mul3A_241 : i32
        %get3A_244 = arith.index_cast %add3A_243 : i32 to index
        %get3A_245 = tpu.vector_load %arg13[%get3A_244] {strides = array<i32>} : memref<6144xf32, #tpu.memory_space<vmem>>, vector<16xf32>,
        %add3A_246 = arith.addf %add3A_239, %get3A_245 : vector<16xf32>
        %mul3A_247 = arith.constant 16 : i32
        %mul3A_248 = arith.muli %scan3A_193, %mul3A_247 : i32
        %swap3A = arith.index_cast %mul3A_248 : i32 to index
        %swap3A_249 = tpu.vector_load %arg11[%swap3A] {strides = array<i32>} : memref<768xf32, #tpu.memory_space<vmem>>, vector<16xf32>,
        tpu.vector_store %arg11[%swap3A], %add3A_246 {strides = array<i32>} : memref<768xf32, #tpu.memory_space<vmem>>, vector<16xf32>,
        %scan3A_250 = arith.constant 0 : i32
        scf.yield %scan3A_250 : i32
      }
      %scan3A_192 = arith.constant 48 : i32
      %run_scoped3A = arith.constant 0 : i32
      "tpu.region"() ({
        %run_scoped3A_193 = tpu.sem_alloc : memref<!tpu.dma_semaphore, #tpu.memory_space<semaphore_mem>>
        %dma_start3A = arith.constant 0 : i32
        %dma_start3A_194 = tpu.memref_slice %arg4[%add3A, %run_scoped3A, %dma_start3A] : memref<4x1x768xf32, #tpu.memory_space<hbm>> -> memref<1x1x768xf32, #tpu.memory_space<hbm>>
        %dma_start3A_195 = tpu.memref_squeeze %dma_start3A_194 : memref<1x1x768xf32, #tpu.memory_space<hbm>> -> memref<768xf32, #tpu.memory_space<hbm>>
        %dma_start3A_196 = arith.constant 0 : i32
        %dma_start3A_197 = tpu.memref_slice %arg4[%add3A, %run_scoped3A, %dma_start3A_196] : memref<4x1x768xf32, #tpu.memory_space<hbm>> -> memref<1x1x768xf32, #tpu.memory_space<hbm>>
        %dma_start3A_198 = tpu.memref_squeeze %dma_start3A_197 : memref<1x1x768xf32, #tpu.memory_space<hbm>> -> memref<768xf32, #tpu.memory_space<hbm>>
        tpu.enqueue_dma source(%arg11 : memref<768xf32, #tpu.memory_space<vmem>>) target(%dma_start3A_198 : memref<768xf32, #tpu.memory_space<hbm>>) target_semaphore(%run_scoped3A_193 : memref<!tpu.dma_semaphore, #tpu.memory_space<semaphore_mem>>)
        %dma_wait3A = arith.constant 0 : i32
        %dma_wait3A_199 = tpu.memref_slice %arg4[%add3A, %run_scoped3A, %dma_wait3A] : memref<4x1x768xf32, #tpu.memory_space<hbm>> -> memref<1x1x768xf32, #tpu.memory_space<hbm>>
        %dma_wait3A_200 = tpu.memref_squeeze %dma_wait3A_199 : memref<1x1x768xf32, #tpu.memory_space<hbm>> -> memref<768xf32, #tpu.memory_space<hbm>>
        %dma_wait3A_201 = arith.constant 0 : i32
        %dma_wait3A_202 = tpu.memref_slice %arg4[%add3A, %run_scoped3A, %dma_wait3A_201] : memref<4x1x768xf32, #tpu.memory_space<hbm>> -> memref<1x1x768xf32, #tpu.memory_space<hbm>>
        %dma_wait3A_203 = tpu.memref_squeeze %dma_wait3A_202 : memref<1x1x768xf32, #tpu.memory_space<hbm>> -> memref<768xf32, #tpu.memory_space<hbm>>
        tpu.wait_dma2 semaphore(%run_scoped3A_193 : memref<!tpu.dma_semaphore, #tpu.memory_space<semaphore_mem>>) src(%arg11 : memref<768xf32, #tpu.memory_space<vmem>>) dst(%dma_wait3A_203 : memref<768xf32, #tpu.memory_space<hbm>>)
        tpu.yield
      }) : () -> ()
    } else {
    }
    return
  }
}

module attributes {stable_mosaic.version = 14 : i64} {
  func.func @_tc_body(%arg0: i32, %arg1: i32, %arg2: memref<1x1x2560xf32, #tpu.memory_space<vmem>>, %arg3: memref<1x2560x768xf32, #tpu.memory_space<vmem>>, %arg4: memref<1x1x768xf32, #tpu.memory_space<vmem>>) attributes {dimension_semantics = [#tpu.dimension_semantics<arbitrary>, #tpu.dimension_semantics<arbitrary>], iteration_bounds = array<i64: 4, 2>, scalar_prefetch = 0 : i64, scratch_operands = 0 : i64, tpu.core_type = #tpu.core_type<tc>, window_params = [{transform_indices = @transform_0, window_bounds = array<i64: 1, 1, 2560>}, {transform_indices = @transform_1, window_bounds = array<i64: 1, 2560, 768>}, {transform_indices = @transform_2, window_bounds = array<i64: 1, 1, 768>}]} {
    %eq3A = arith.constant 0 : i32
    %eq3A_0 = arith.cmpi eq, %arg1, %eq3A : i32
    %convert_element_type3A = arith.extui %eq3A_0 : i1 to i32
    %cond3A = arith.constant 0 : i32
    %cond3A_1 = arith.cmpi ne, %convert_element_type3A, %cond3A : i32
    scf.if %cond3A_1 {
      %broadcast_in_dim3A = arith.constant 0.000000e+00 : f32
      %broadcast_in_dim3A_22 = vector.broadcast %broadcast_in_dim3A : f32 to vector<1x768xf32>
      %swap3A_23 = arith.constant 0 : index
      %swap3A_24 = arith.constant 0 : index
      %swap3A_25 = arith.constant 0 : index
      %swap3A_26 = vector.load %arg4[%swap3A_23, %swap3A_24, %swap3A_25] : memref<1x1x768xf32, #tpu.memory_space<vmem>>, vector<1x1x768xf32>
      %swap3A_27 = vector.shape_cast %swap3A_26 : vector<1x1x768xf32> to vector<1x768xf32>
      %swap3A_28 = vector.shape_cast %broadcast_in_dim3A_22 : vector<1x768xf32> to vector<1x1x768xf32>
      tpu.vector_store %arg4[%swap3A_23, %swap3A_24, %swap3A_25], %swap3A_28 {strides = array<i32>} : memref<1x1x768xf32, #tpu.memory_space<vmem>>, vector<1x1x768xf32>,
    } else {
    }
    %get3A = arith.constant 0 : index
    %get3A_2 = arith.constant 0 : index
    %get3A_3 = arith.constant 0 : index
    %get3A_4 = vector.load %arg4[%get3A, %get3A_2, %get3A_3] : memref<1x1x768xf32, #tpu.memory_space<vmem>>, vector<1x1x768xf32>
    %get3A_5 = vector.shape_cast %get3A_4 : vector<1x1x768xf32> to vector<1x768xf32>
    %get3A_6 = arith.constant 0 : index
    %get3A_7 = arith.constant 0 : index
    %get3A_8 = arith.constant 0 : index
    %get3A_9 = vector.load %arg2[%get3A_6, %get3A_7, %get3A_8] : memref<1x1x2560xf32, #tpu.memory_space<vmem>>, vector<1x1x2560xf32>
    %get3A_10 = vector.shape_cast %get3A_9 : vector<1x1x2560xf32> to vector<1x2560xf32>
    %get3A_11 = arith.constant 0 : index
    %get3A_12 = arith.constant 0 : index
    %get3A_13 = arith.constant 0 : index
    %get3A_14 = vector.load %arg3[%get3A_11, %get3A_12, %get3A_13] : memref<1x2560x768xf32, #tpu.memory_space<vmem>>, vector<1x2560x768xf32>
    %get3A_15 = vector.shape_cast %get3A_14 : vector<1x2560x768xf32> to vector<2560x768xf32>
    %dot_general3A = arith.constant dense<0.000000e+00> : vector<1x768xf32>
    %dot_general3A_16 = tpu.matmul %get3A_10, %get3A_15, %dot_general3A {dimension_numbers = #tpu.dot_dimension_numbers<[1], [0], [0], [1], [0, 0, 1, 1], [], []>, transpose_lhs_hint = false} : vector<1x2560xf32>, vector<2560x768xf32>, vector<1x768xf32> -> vector<1x768xf32>
    %add3A = arith.addf %get3A_5, %dot_general3A_16 : vector<1x768xf32>
    %swap3A = arith.constant 0 : index
    %swap3A_17 = arith.constant 0 : index
    %swap3A_18 = arith.constant 0 : index
    %swap3A_19 = vector.load %arg4[%swap3A, %swap3A_17, %swap3A_18] : memref<1x1x768xf32, #tpu.memory_space<vmem>>, vector<1x1x768xf32>
    %swap3A_20 = vector.shape_cast %swap3A_19 : vector<1x1x768xf32> to vector<1x768xf32>
    %swap3A_21 = vector.shape_cast %add3A : vector<1x768xf32> to vector<1x1x768xf32>
    tpu.vector_store %arg4[%swap3A, %swap3A_17, %swap3A_18], %swap3A_21 {strides = array<i32>} : memref<1x1x768xf32, #tpu.memory_space<vmem>>, vector<1x1x768xf32>,
    return
  }
  func.func @transform_0(%arg0: i32, %arg1: i32) -> (i32, i32, i32) {
    %mul3A = arith.constant 2 : i32
    %mul3A_0 = arith.muli %arg0, %mul3A : i32
    %add3A = arith.addi %mul3A_0, %arg1 : i32
    %c0_i32 = arith.constant 0 : i32
    %c0_i32_1 = arith.constant 0 : i32
    %c0_i32_2 = arith.constant 0 : i32
    return %add3A, %c0_i32, %c0_i32_1 : i32, i32, i32
  }
  func.func @transform_1(%arg0: i32, %arg1: i32) -> (i32, i32, i32) {
    %c0_i32 = arith.constant 0 : i32
    %c0_i32_0 = arith.constant 0 : i32
    return %arg0, %arg1, %c0_i32 : i32, i32, i32
  }
  func.func @transform_2(%arg0: i32, %arg1: i32) -> (i32, i32, i32) {
    %c0_i32 = arith.constant 0 : i32
    %c0_i32_0 = arith.constant 0 : i32
    %c0_i32_1 = arith.constant 0 : i32
    return %arg0, %c0_i32, %c0_i32_0 : i32, i32, i32
  }
}

module attributes {stable_mosaic.version = 14 : i64} {
  func.func @_combine_body(%arg0: memref<4x1x768xf32, #tpu.memory_space<vmem>>, %arg1: memref<4x1x768xf32, #tpu.memory_space<vmem>>, %arg2: memref<4x1x8192xf32, #tpu.memory_space<vmem>>, %arg3: memref<4x1x768xf32, #tpu.memory_space<vmem>>) attributes {dimension_semantics = [], scalar_prefetch = 0 : i64, scratch_operands = 0 : i64, tpu.core_type = #tpu.core_type<tc>} {
    %get3A = arith.constant 0 : index
    %get3A_0 = arith.constant 0 : index
    %get3A_1 = arith.constant 0 : index
    %get3A_2 = vector.load %arg2[%get3A, %get3A_0, %get3A_1] : memref<4x1x8192xf32, #tpu.memory_space<vmem>>, vector<4x1x8192xf32>
    %reduce_sum3A = arith.constant dense<0.000000e+00> : vector<4x1xf32>
    %reduce_sum3A_3 = vector.multi_reduction <add>, %get3A_2, %reduce_sum3A [2] : vector<4x1x8192xf32> to vector<4x1xf32>
    %broadcast_in_dim3A = vector.shape_cast %reduce_sum3A_3 : vector<4x1xf32> to vector<4x1x1xf32>
    %max3A = arith.constant 1.000000e+00 : f32
    %max3A_4 = vector.broadcast %max3A : f32 to vector<4x1x1xf32>
    %max3A_5 = arith.maximumf %broadcast_in_dim3A, %max3A_4 : vector<4x1x1xf32>
    %get3A_6 = arith.constant 0 : index
    %get3A_7 = arith.constant 0 : index
    %get3A_8 = arith.constant 0 : index
    %get3A_9 = vector.load %arg0[%get3A_6, %get3A_7, %get3A_8] : memref<4x1x768xf32, #tpu.memory_space<vmem>>, vector<4x1x768xf32>
    %get3A_10 = arith.constant 0 : index
    %get3A_11 = arith.constant 0 : index
    %get3A_12 = arith.constant 0 : index
    %get3A_13 = vector.load %arg1[%get3A_10, %get3A_11, %get3A_12] : memref<4x1x768xf32, #tpu.memory_space<vmem>>, vector<4x1x768xf32>
    %add3A = arith.addf %get3A_9, %get3A_13 : vector<4x1x768xf32>
    %div3A = vector.broadcast %max3A_5 : vector<4x1x1xf32> to vector<4x1x768xf32>
    %div3A_14 = arith.divf %add3A, %div3A : vector<4x1x768xf32>
    %swap3A = arith.constant 0 : index
    %swap3A_15 = arith.constant 0 : index
    %swap3A_16 = arith.constant 0 : index
    %swap3A_17 = vector.load %arg3[%swap3A, %swap3A_15, %swap3A_16] : memref<4x1x768xf32, #tpu.memory_space<vmem>>, vector<4x1x768xf32>
    tpu.vector_store %arg3[%swap3A, %swap3A_15, %swap3A_16], %div3A_14 {strides = array<i32>} : memref<4x1x768xf32, #tpu.memory_space<vmem>>, vector<4x1x768xf32>,
    return
  }
}

</mosaic_0001>

<sc_bundles>
// kernel: _pool.5.cloned.1.call-start
scs
__scs_entry_jumppad:
0x0: {  	(pc) =	sbr.rel $0x88, $3  }
0x1: {  	(tag) =	ssettag $0x0;
	lr =	simm.s32 $0x1  }
0x2: {  	[smem:$0x3F9F] =	sst lr;
	_ =	strace $0xD0000000  }
0x3: {  	_ = 	snop  }
0x4: {  	_ = 	snop  }
0x5: {  	_ = 	snop  }
0x6: {  	_ = 	snop  }
0x7: {  	_ = 	snop  }
__scs_overlays_trampoline_lowered:
0x8: {  	[smem:$0x3FAE] =	sst s0  }
0x9: {  	[smem:$0x3FAF] =	sst s1  }
0xa: {  	[smem:$0x3FB0] =	sst s2  }
0xb: {  	[smem:$0x3FB1] =	sst s3  }
0xc: {  	[smem:$0x3FB2] =	sst s4  }
0xd: {  	[smem:$0x3FB3] =	sst s5  }
0xe: {  	[smem:$0x3FB4] =	sst s6  }
0xf: {  	[smem:$0x3FB5] =	sst s7  }
0x10: {  	[smem:$0x3FB6] =	sst s8  }
0x11: {  	[smem:$0x3FB7] =	sst s9;
	s0 =	simm.s32 @!p0 $0x0  }
0x12: {  	s1 =	sld [smem:$0x3F9D];
	s0 =	simm.s32 @p0 $0x1  }
0x13: {  	[smem:$0x3FB8] =	sst s0;
	s0 =	simm.s32 @!p1 $0x0  }
0x14: {  	s2 =	sld [smem:$0x3F9C];
	s0 =	simm.s32 @p1 $0x1  }
0x15: {  	[smem:$0x3FB9] =	sst s0;
	s0 =	simm.s32 @!p2 $0x0  }
0x16: {  	s3 =	sld [smem:$0x3FDB];
	s0 =	simm.s32 @p2 $0x1  }
0x17: {  	s4 =	simm.s32 $0x1BF5;
	[smem:$0x3FBB] =	sst s0  }
0x18: {  	s0 =	sld [smem:$0x3F9E];
	_ =	swait.ge [sflag:s4], $0x0  }
0x19: {  	s7 =	sld [smem:$0x3F9F]  }
0x1a: {  	s8 =	sadd.s32 $0xFFFFE003, lr  }
0x1b: {  	s9 =	sadd.s32 $0xFFFFFEF7, lr;
	s5 =	simm.s32 $0xFFFFFFFF;
	p2 =	slt.u32 s8, $0xFFFFF086  }
0x1c: {  	p1 =	slt.u32 s9, $0xF7A;
	s5 =	simm.s32 @!p2 $0x0  }
0x1d: {  	s5 =	simm.s32 @p1 $0x1;
	p0 =	seq.s32 s7, s2  }
0x1e: {  	s7 =	smul.u32 @!p0 $0xF7A, s2;
	p2 =	seq.s32 @!p0 s5, $0x0  }
0x1f: {  	s9 =	smul.u32 $0xF7A, s1;
	s8 =	simm.s32 @!p0 $0x1BF5;
	p2 =	por !p2, p0  }
0x20: {  	[sflag:s8] =	ssyncset.s32 @!p0 $0xFFFFF086;
	s6 =	sadd.s32 @!p0 s3, s7;
	s7 =	simm.s32 @!p0 $0x108  }
0x21: {  	s3 =	sadd.s32 s3, s9;
	s6 =	sadd.s32 @!p0 $0x88, s6;
	s7 =	simm.s32 @p2 $0x1082  }
0x22: {  	[simem:s7], [sflag:s8] =	dma.local @!p0 [hbm:s6], $0xF7A  }
0x23: {  	s9 =	sor.u32 $0xD0000000, s2;
	s6 =	simm.s32 $0x108;
	_ =	swait.ge @!p0 [sflag:s8], $0x0  }
0x24: {  	s3 =	sadd.s32 $0x88, s3;
	s6 =	simm.s32 @!p1 $0x1082;
	[sflag:s4] =	ssyncset.s32 $0xFFFFF086  }
0x25: {  	[simem:s6], [sflag:s4] =	dma.local [hbm:s3], $0xF7A  }
0x26: {  	[smem:$0x3F9F] =	sst s1;
	(tag) =	ssettag s2;
	_ =	strace s9  }
0x27: {  	s1 =	sld [smem:$0x3FAF]  }
0x28: {  	s2 =	sld [smem:$0x3FB0]  }
0x29: {  	s4 =	sld [smem:$0x3FB2]  }
0x2a: {  	p0 =	seq.s32 s5, $0x0;
	s5 =	sld [smem:$0x3FB3]  }
0x2b: {  	s6 =	sld [smem:$0x3FB4]  }
0x2c: {  	s7 =	sld [smem:$0x3FB5]  }
0x2d: {  	s3 =	simm.s32 $0x108;
	s8 =	sld [smem:$0x3FB6]  }
0x2e: {  	s3 =	simm.s32 @!p0 $0x1082;
	s9 =	sld [smem:$0x3FB7]  }
0x2f: {  	lr =	sadd.s32 s0, s3;
	s0 =	sld [smem:$0x3FAE]  }
0x30: {  	s3 =	sld [smem:$0x3FB1]  }
0x31: {  	[smem:$0x3FBA] =	sst s10  }
0x32: {  	s10 =	sld [smem:$0x3FB8];
	_ =	sdelay $0x3  }
0x33: {  	p0 =	seq.s32 s10, $0x1;
	s10 =	sld [smem:$0x3FBA];
	_ =	sdelay $0x3  }
0x34: {  	[smem:$0x3FBA] =	sst s10  }
0x35: {  	s10 =	sld [smem:$0x3FB9];
	_ =	sdelay $0x3  }
0x36: {  	p1 =	seq.s32 s10, $0x1;
	s10 =	sld [smem:$0x3FBA];
	_ =	sdelay $0x3  }
0x37: {  	[smem:$0x3FBA] =	sst s10  }
0x38: {  	s10 =	sld [smem:$0x3FBB]  }
0x39: {  	_ = 	snop;
	(pc) =	sbr.ind lr, $3  }
0x3a: {  	_ = 	snop  }
0x3b: {  	_ = 	snop  }
0x3c: {  	p2 =	seq.s32 s10, $0x1;
	s10 =	sld [smem:$0x3FBA]  }
0x3d: {  	_ =	shalt  }
0x3e: {  	_ =	shalt  }
0x3f: {  	_ =	shalt  }
0x40: {  	_ =	shalt  }
0x41: {  	_ =	shalt  }
0x42: {  	_ =	shalt  }
0x43: {  	_ =	shalt  }
0x44: {  	_ =	shalt  }
0x45: {  	_ =	shalt  }
0x46: {  	_ =	shalt  }
0x47: {  	_ =	shalt  }
0x48: {  	_ =	shalt  }
0x49: {  	_ =	shalt  }
0x4a: {  	_ =	shalt  }
0x4b: {  	_ =	shalt  }
0x4c: {  	_ =	shalt  }
0x4d: {  	_ =	shalt  }
0x4e: {  	_ =	shalt  }
0x4f: {  	_ =	shalt  }
0x50: {  	_ =	shalt  }
0x51: {  	_ =	shalt  }
0x52: {  	_ =	shalt  }
0x53: {  	_ =	shalt  }
0x54: {  	_ =	shalt  }
0x55: {  	_ =	shalt  }
0x56: {  	_ =	shalt  }
0x57: {  	_ =	shalt  }
0x58: {  	_ =	shalt  }
0x59: {  	_ =	shalt  }
0x5a: {  	_ =	shalt  }
0x5b: {  	_ =	shalt  }
0x5c: {  	_ =	shalt  }
0x5d: {  	_ =	shalt  }
0x5e: {  	_ =	shalt  }
0x5f: {  	_ =	shalt  }
0x60: {  	_ =	shalt  }
0x61: {  	_ =	shalt  }
0x62: {  	_ =	shalt  }
0x63: {  	_ =	shalt  }
0x64: {  	_ =	shalt  }
0x65: {  	_ =	shalt  }
0x66: {  	_ =	shalt  }
0x67: {  	_ =	shalt  }
0x68: {  	_ =	shalt  }
0x69: {  	_ =	shalt  }
0x6a: {  	_ =	shalt  }
0x6b: {  	_ =	shalt  }
0x6c: {  	_ =	shalt  }
0x6d: {  	_ =	shalt  }
0x6e: {  	_ =	shalt  }
0x6f: {  	_ =	shalt  }
0x70: {  	_ =	shalt  }
0x71: {  	_ =	shalt  }
0x72: {  	_ =	shalt  }
0x73: {  	_ =	shalt  }
0x74: {  	_ =	shalt  }
0x75: {  	_ =	shalt  }
0x76: {  	_ =	shalt  }
0x77: {  	_ =	shalt  }
0x78: {  	_ =	shalt  }
0x79: {  	_ =	shalt  }
0x7a: {  	_ =	shalt  }
0x7b: {  	_ =	shalt  }
0x7c: {  	_ =	shalt  }
0x7d: {  	_ =	shalt  }
0x7e: {  	_ =	shalt  }
0x7f: {  	_ =	shalt  }
0x80: {  	_ =	shalt  }
0x81: {  	_ =	shalt  }
0x82: {  	_ =	shalt  }
0x83: {  	_ =	shalt  }
0x84: {  	_ =	shalt  }
0x85: {  	_ =	shalt  }
0x86: {  	_ =	shalt  }
0x87: {  	_ =	shalt  }
.Lfunc_end0:
.L_simem_size_0:
called_computation_lowered:
.L_overlay_start_0:
0x88: {  	s2 =	sld [smem:$0x3FD9]  }
0x89: {  	s3 =	sld [smem:$0x3FFE];
	_ =	sdelay $0x1  }
0x8a: {  	s1 =	srdreg.scid  }
0x8b: {  	s0 =	sand.u32 $0x1, s1  }
0x8c: {  	s17 =	sshll.u32 s0, $0xA;
	s2 =	sadd.s32 s3, s2  }
0x8d: {  	s2 =	sadd.s32 s2, s17  }
0x8e: {  	[smem:$0x3FC6] =	sst s2  }
0x8f: {  	_ = 	snop  }
0x90: {  	s2 =	sld [smem:$0x3FC9]  }
0x91: {  	s18 =	sld [smem:$0x3FD0];
	(tm) =	ssettm $0x1  }
0x92: {  	s4 =	sld [smem:$0x3FFB];
	_ =	sdelay $0x3  }
0x93: {  	_ =	strace s4  }
0x94: {  	s4 =	sld [smem:$0x3FFC];
	_ =	sdelay $0x3  }
0x95: {  	_ =	strace s4  }
0x96: {  	s4 =	sld [smem:$0x3FFD];
	_ =	sdelay $0x3  }
0x97: {  	_ =	strace s4  }
0x98: {  	_ =	strace $0x8FFFFFFF  }
0x99: {  	s19 =	sld [smem:$0x3FDB];
	_ =	sdelay $0x1  }
0x9a: {  	s5 =	simm.s32 $_scs_section_size  }
0x9b: {  	s6 =	simm.s32 $_size__tile_overlayer_lowered;
	s7 =	simm.s32 $_tile_overlayer_lowered  }
0x9c: {  	s22 =	simm.s32 $0x1BFF;
	s21 =	sshll.u32 s7, $0x1;
	s4 =	sadd.s32 s5, s19  }
0x9d: {  	s8 =	simm.s32 $0x0;
	s20 =	sshll.u32 s6, $0x1;
	s6 =	sadd.s32 s21, s4  }
0x9e: {  	[timem:s8], [sflag:s22] =	dma.local [hbm:s6], s20  }
0x9f: {  	_ =	swait.ge [sflag:s22], s20  }
0xa0: {  	s5 =	ssub.s32 $0x0, s20;
	[sflag:s22] =	ssyncset.done $0x0  }
0xa1: {  	[sflag:s22] =	ssyncadd.s32 s5;
	_ =	sdelay $0x1  }
0xa2: {  	s23 =	simm.s32 $0x1B8B  }
0xa3: {  	_ =	swait.ge [sflag:s23], $0x1  }
0xa4: {  	[sflag:s23] =	ssyncset.done $0x0  }
0xa5: {  	s25 =	simm.s32 $0x1B8E;
	s24 =	sld [smem:$0x3FFE];
	[sflag:s23] =	ssyncadd.s32 $0xFFFFFFFF  }
0xa6: {  	s26 =	simm.s32 $execute0_lowered;
	[smem:$0x3FD2] =	sst s25  }
0xa7: {  	s6 =	sshll.u32 s26, $0x1;
	_ =	strace $0x80000046;
	[dreg:$0x1] =	wrdreg $0xFFFFFFFF  }
0xa8: {  	s28 =	simm.s32 $_size_execute0_lowered;
	s4 =	sadd.s32 s4, s6;
	[dreg:$0x0] =	wrdreg $0x0  }
0xa9: {  	s6 =	sshll.u32 s28, $0x1;
	[dreg:$0x2] =	wrdreg s4  }
0xaa: {  	[dreg:$0x3] =	wrdreg s6  }
0xab: {  	[dreg:$0x4] =	wrdreg $0xC0  }
0xac: {  	_ =	task [dreg:s8], $0x5FFFF  }
0xad: {  	[dreg:$0x1] =	wrdreg $0xFFFFFFFF  }
0xae: {  	[dreg:$0x0] =	wrdreg $0x60  }
0xaf: {  	[dreg:$0x2] =	wrdreg s2  }
0xb0: {  	[dreg:$0x3] =	wrdreg s24  }
0xb1: {  	[dreg:$0x4] =	wrdreg s18  }
0xb2: {  	[dreg:$0x5] =	wrdreg $0x1A1800  }
0xb3: {  	[dreg:$0x6] =	wrdreg $0x9  }
0xb4: {  	_ =	task.clear_ibuf [dreg:s8], $0x7FFFF;
	_ =	strace $0x90000046  }
0xb5: {  	s29 =	simm.s32 $0x9;
	_ =	strace $0x80000048  }
0xb6: {  	_ =	swait.ge [sflag:s29], $0x1  }
0xb7: {  	[sflag:s29] =	ssyncadd.s32 $0xFFFFFFFF  }
0xb8: {  	_ =	strace $0x90000048  }
0xb9: {  	_ =	sfence  }
0xba: {  	s30 =	sld [smem:$0x0];
	_ =	sdelay $0x2  }
0xbb: {  	s31 =	sshll.u32 s1, $0xD;
	s1 =	sshrl.u32 s1, $0x2  }
0xbc: {  	s3 =	sand.u32 $0x4000, s31;
	s1 =	sadd.s32 s1, s30  }
0xbd: {  	s0 =	sor.u32 s3, s0;
	s1 =	sshll.u32 s1, $0x11  }
0xbe: {  	s0 =	sor.u32 s1, s0  }
0xbf: {  	s0 =	sadd.s32 $0x8F2B, s0  }
0xc0: {  	[sflag:s0] =	ssyncadd.remote.s32 $0x1  }
0xc1: {  	_ =	sfence.sel $0xFFFF  }
0xc2: {  	[dreg:$0x0] =	wrdreg $0xFFFFFFFF;
	(pc) =	sbr.abs _section_cstart, $3  }
0xc3: {  	[dreg:$0x1] =	wrdreg $0xFFFFFFFF  }
0xc4: {  	_ =	task.clear_ibuf [dreg:s8], $0x2FFFF;
	_ =	strace $0x9FFFFFFF  }
0xc5: {  	(tm) =	ssettm $0x7FFFFFFF  }
tec
execute0_lowered:
.L_overlay_start_1:
0x0: {  	(tag) =	ssettag $0x1  }
0x1: {  	s1 =	rddreg [dreg:$0x0]  }
0x2: {  	s0 =	srdreg.scid;
	s5 =	rddreg [dreg:$0x1]  }
0x3: {  	s13 =	stileid.u32;
	s9 =	rddreg [dreg:$0x2]  }
0x4: {  	s10 =	rddreg [dreg:$0x3];
	s17 =	simm.s32 $0x1;
	s31 =	simm.s32 $0x2  }
0x5: {  	s18 =	simm.s32 $0x18380;
	s19 =	simm.s32 $0x0;
	s0 =	sand.u32 $0x1, s0  }
0x6: {  	s2 =	sand.u32 $0x7, s13;
	s7 =	sshrl.u32 s13, $0x3;
	s13 =	smul.u32 $0xC00, s13  }
0x7: {  	s3 =	sshll.u32 s0, $0x1;
	s4 =	smul.u32 $0x180, s2;
	s6 =	ssub.s32 $0x2, s0  }
0x8: {  	s0 =	sshll.u32 s0, $0xE;
	s16 =	sshll.u32 s7, $0xD;
	p0 =	sne.s32 s2, $0x0  }
0x9: {  	s2 =	simm.s32 $0x3;
	s8 =	sor.u32 s7, s3;
	s28 =	sshrl.u32 s6, $0x1  }
0xa: {  	s29 =	sshrl.u32 s13, $0x2;
	s7 =	sadd.s32 $0x200, s1;
	s0 =	sor.u32 s16, s0  }
0xb: {  	s13 =	simm.s32 $0x180;
	s16 =	simm.s32 $0x18680;
	s3 =	sshll.u32 s8, $0xD  }
0xc: {  	s11 =	sadd.s32 $0x1400, s4;
	s15 =	ssub.s32 s6, s28;
	s6 =	sadd.s32 $0x100, s1  }
0xd: {  	s30 =	smul.u32 $0x60, s8;
	s8 =	sadd.s32 s29, s10;
	s14 =	sadd.s32 s3, s11  }
.Ltmp0:
0xe: {  	s3 =	simm.s32 $0x0;
	s10 =	smax.u32 s15, $0x1;
	(pc) =	sbr.rel .LBB2_1-.Ltmp0, $4  }
0xf: {  	s11 =	sadd.s32 s0, s11;
	s0 =	simm.s32 $0x4;
	s26 =	sshrl.u32 s14, $0x3  }
0x10: {  	v1 =	vimm.s32 $0x0;
	v2 =	vlaneseq.u32;
	v3 =	vimm.f32 $0.0e+00;
	[smem:$0x7FF] =	sst s3;
	s9 =	sadd.s32 s9, s30;
	s12 =	smul.u32 $0x300, s26  }
0x11: {  	vm0 =	vmmov $0xffff;
	v4 =	vand.u32 $0x7, v2;
	v5 =	vshrl.u32 v2, $0x3;
	s4 =	sadd.s32 s26, s5;
	_ =	strace $0x80000047;
	[dreg:$0x5] =	wrdreg s9  }
0x12: {  	v6 =	vor.u32 $0x8, v2;
	v5 =	vmul.u32 $0x8, v5;
	v0 =	vmov s14;
	s4 =	sadd.s32 $0x800, s4;
	s5 =	sadd.s32 s1, s12;
	s12 =	simm.s32 $0x5  }
.LBB2_30:
0x13: {  	s19 =	sadd.s32 $0x1, s19  }
0x14: {  	p1 =	sne.s32 s19, s10  }
.Ltmp1:
0x15: {  	_ = 	snop;
	(pc) =	sbr.rel @!p1 .LBB2_31-.Ltmp1, $1  }
0x16: {  	_ =	sdelay $0x3  }
.LBB2_1:
0x17: {  	[tilespmem:s3], [sflag:$0x5] =	stream.linear.gather [hbm4b:s4+s3], $0x180, $0x38;
	[tilespmem:$0x1A480] =	vst v63  }
0x18: {  	_ =	swait.ge [sflag:s12], $0x180  }
0x19: {  	[sflag:s12] =	ssyncset.done $0x0  }
0x1a: {  	[sflag:s12] =	ssyncadd.s32 $0xFFFFFE80  }
0x1b: {  	[tilespmem:$0x180] =	vst v0  }
0x1c: {  	[tilespmem:$0x190] =	vst v0  }
0x1d: {  	[tilespmem:$0x1A0] =	vst v0  }
0x1e: {  	[tilespmem:$0x1B0] =	vst v0  }
0x1f: {  	[tilespmem:$0x1C0] =	vst v0  }
0x20: {  	[tilespmem:$0x1D0] =	vst v0  }
0x21: {  	[tilespmem:$0x1E0] =	vst v0  }
0x22: {  	[tilespmem:$0x1F0] =	vst v0  }
0x23: {  	[tilespmem:$0x200] =	vst v0  }
0x24: {  	[tilespmem:$0x210] =	vst v0  }
0x25: {  	[tilespmem:$0x220] =	vst v0  }
0x26: {  	[tilespmem:$0x230] =	vst v0  }
0x27: {  	[tilespmem:$0x240] =	vst v0  }
0x28: {  	[tilespmem:$0x250] =	vst v0  }
0x29: {  	[tilespmem:$0x260] =	vst v0  }
0x2a: {  	[tilespmem:$0x270] =	vst v0  }
0x2b: {  	[tilespmem:$0x280] =	vst v0  }
0x2c: {  	[tilespmem:$0x290] =	vst v0  }
0x2d: {  	[tilespmem:$0x2A0] =	vst v0  }
0x2e: {  	[tilespmem:$0x2B0] =	vst v0  }
0x2f: {  	[tilespmem:$0x2C0] =	vst v0  }
0x30: {  	[tilespmem:$0x2D0] =	vst v0  }
0x31: {  	[tilespmem:$0x2E0] =	vst v0  }
0x32: {  	[tilespmem:$0x2F0] =	vst v0  }
0x33: {  	[tilespmem:$0x300] =	vst v0  }
0x34: {  	s9 =	simm.s32 $0x0;
	[tilespmem:$0x310] =	vst v0  }
0x35: {  	v7 =	vld [tilespmem:s9+$0x0];
	_ =	sdelay $0x4  }
0x36: {  	vm1 =	vlt.f32 v7, $0.0e+00;
	vm2 =	vgt.f32 v7, $0.0e+00  }
0x37: {  	vm1 =	vmor vm2, vm1  }
0x38: {  	v7 =	vsel vm1, $0x1, v1  }
0x39: {  	(xrf0) =	vadd.scan.msk.s32 $0xffff, v7;
	_ =	sdelay $0x2  }
0x3a: {  	v7 =	vmov s3  }
0x3b: {  	v7 =	vadd.s32 $0xFFFFFFFF, v7  }
0x3c: {  	v7 =	vbroadcast v7, $0x0  }
0x3d: {  	v8, _, _ =	vpop (xrf0)  }
0x3e: {  	v7 =	vadd.s32 v8, v7;
	(v2sf) =	vpush v8, $0xF;
	_ =	sdelay $0x3  }
0x3f: {  	v9 =	vor.u32 s11, v2;
	s21 =	simm.s32 $0x10  }
0x40: {  	s20 =	simm.s32 $0x80;
	s14 =	simm.s32 $0x0;
	s9 =	smov.u32 s11;
	[tilespmem:v7+s13+$0x0] =	vst.idx.msk vm1, v9  }
.LBB2_2:
0x41: {  	p1 =	seq.s32 s20, $0x5C0;
	v7 =	vld [tilespmem:s21+$0x0];
	_ =	sdelay $0x4  }
0x42: {  	vm1 =	vlt.f32 v7, $0.0e+00;
	vm2 =	vgt.f32 v7, $0.0e+00  }
0x43: {  	vm1 =	vmor vm2, vm1  }
0x44: {  	v7 =	vsel vm1, $0x1, v1  }
0x45: {  	(xrf0) =	vadd.scan.msk.s32 $0xffff, v7  }
0x46: {  	s21 =	spop (v2sf)  }
0x47: {  	s14 =	sadd.s32 s14, s21  }
0x48: {  	v7 =	vmov s14  }
0x49: {  	v7 =	vadd.s32 $0xFFFFFFFF, v7  }
0x4a: {  	v7 =	vbroadcast v7, $0x0  }
0x4b: {  	v8, _, _ =	vpop (xrf0)  }
0x4c: {  	v7 =	vadd.s32 v8, v7;
	(v2sf) =	vpush v8, $0xF  }
.Ltmp2:
0x4d: {  	(pc) =	sbr.rel @!p1 .LBB2_2-.Ltmp2, $4  }
0x4e: {  	_ = 	snop  }
0x4f: {  	s9 =	sadd.s32 $0x10, s9  }
0x50: {  	v8 =	vor.u32 s9, v2  }
0x51: {  	s21 =	sshra.s32 s20, $0x2;
	s20 =	sadd.s32 $0x40, s20;
	[tilespmem:v7+s13+$0x0] =	vst.idx.msk vm1, v8  }
0x52: {  	v7 =	vld [tilespmem:s21+$0x0];
	_ =	sdelay $0x4  }
0x53: {  	vm1 =	vlt.f32 v7, $0.0e+00;
	vm2 =	vgt.f32 v7, $0.0e+00  }
0x54: {  	vm1 =	vmor vm2, vm1  }
0x55: {  	v7 =	vsel vm1, $0x1, v1  }
0x56: {  	(xrf0) =	vadd.scan.msk.s32 $0xffff, v7  }
0x57: {  	s20 =	spop (v2sf)  }
0x58: {  	s14 =	sadd.s32 s14, s20  }
0x59: {  	v8 =	vmov s14  }
0x5a: {  	v8 =	vadd.s32 $0xFFFFFFFF, v8  }
0x5b: {  	v8 =	vbroadcast v8, $0x0  }
0x5c: {  	v7, _, _ =	vpop (xrf0)  }
0x5d: {  	(v2sf) =	vpush v7, $0xF;
	v7 =	vadd.s32 v7, v8;
	_ =	sdelay $0x2  }
0x5e: {  	s9 =	sadd.s32 $0x10, s9  }
0x5f: {  	v8 =	vor.u32 s9, v2  }
0x60: {  	[tilespmem:v7+s13+$0x0] =	vst.idx.msk vm1, v8  }
0x61: {  	[tilespmem:$0x18380] =	vst v3  }
0x62: {  	[tilespmem:$0x18390] =	vst v3  }
0x63: {  	[tilespmem:$0x183A0] =	vst v3  }
0x64: {  	[tilespmem:$0x183B0] =	vst v3  }
0x65: {  	[tilespmem:$0x183C0] =	vst v3  }
0x66: {  	[tilespmem:$0x183D0] =	vst v3  }
0x67: {  	[tilespmem:$0x183E0] =	vst v3  }
0x68: {  	[tilespmem:$0x183F0] =	vst v3  }
0x69: {  	[tilespmem:$0x18400] =	vst v3  }
0x6a: {  	[tilespmem:$0x18410] =	vst v3  }
0x6b: {  	[tilespmem:$0x18420] =	vst v3  }
0x6c: {  	[tilespmem:$0x18430] =	vst v3  }
0x6d: {  	[tilespmem:$0x18440] =	vst v3  }
0x6e: {  	[tilespmem:$0x18450] =	vst v3  }
0x6f: {  	[tilespmem:$0x18460] =	vst v3  }
0x70: {  	[tilespmem:$0x18470] =	vst v3  }
0x71: {  	[tilespmem:$0x18480] =	vst v3  }
0x72: {  	[tilespmem:$0x18490] =	vst v3  }
0x73: {  	[tilespmem:$0x184A0] =	vst v3  }
0x74: {  	[tilespmem:$0x184B0] =	vst v3  }
0x75: {  	[tilespmem:$0x184C0] =	vst v3  }
0x76: {  	[tilespmem:$0x184D0] =	vst v3  }
0x77: {  	[tilespmem:$0x184E0] =	vst v3  }
0x78: {  	[tilespmem:$0x184F0] =	vst v3  }
0x79: {  	[tilespmem:$0x18500] =	vst v3  }
0x7a: {  	[tilespmem:$0x18510] =	vst v3  }
0x7b: {  	[tilespmem:$0x18520] =	vst v3  }
0x7c: {  	[tilespmem:$0x18530] =	vst v3  }
0x7d: {  	[tilespmem:$0x18540] =	vst v3  }
0x7e: {  	[tilespmem:$0x18550] =	vst v3  }
0x7f: {  	[tilespmem:$0x18560] =	vst v3  }
0x80: {  	[tilespmem:$0x18570] =	vst v3  }
0x81: {  	[tilespmem:$0x18580] =	vst v3  }
0x82: {  	[tilespmem:$0x18590] =	vst v3  }
0x83: {  	[tilespmem:$0x185A0] =	vst v3  }
0x84: {  	[tilespmem:$0x185B0] =	vst v3  }
0x85: {  	[tilespmem:$0x185C0] =	vst v3  }
0x86: {  	[tilespmem:$0x185D0] =	vst v3  }
0x87: {  	[tilespmem:$0x185E0] =	vst v3  }
0x88: {  	[tilespmem:$0x185F0] =	vst v3  }
0x89: {  	[tilespmem:$0x18600] =	vst v3  }
0x8a: {  	[tilespmem:$0x18610] =	vst v3  }
0x8b: {  	[tilespmem:$0x18620] =	vst v3  }
0x8c: {  	[tilespmem:$0x18630] =	vst v3  }
0x8d: {  	[tilespmem:$0x18640] =	vst v3  }
0x8e: {  	[tilespmem:$0x18650] =	vst v3  }
0x8f: {  	[tilespmem:$0x18660] =	vst v3  }
0x90: {  	s24 =	simm.s32 $0x80;
	s25 =	simm.s32 $0x400;
	[tilespmem:$0x18670] =	vst v3  }
0x91: {  	[tilespmem:s16], [sflag:$0x5] =	stream.strided.gather [hbm4b:s5+s24], $0x300, s25, s24, $0x38;
	[tilespmem:$0x1A480] =	vst v63  }
0x92: {  	s23 =	spop (v2sf)  }
0x93: {  	s20 =	sadd.s32 s14, s23  }
0x94: {  	s26 =	sadd.s32 $0x1F, s20  }
0x95: {  	s28 =	sand.u32 $0x1F, s26  }
0x96: {  	s29 =	sshra.s32 s26, $0x1F;
	p1 =	slt.s32 s26, $0x1;
	p2 =	sne.s32 s28, $0x0  }
0x97: {  	s30 =	sshrl.u32 s29, $0x1B;
	p1 =	por !p1, !p2  }
0x98: {  	s14 =	simm.s32 $0x1;
	s9 =	sadd.s32 s30, s26;
	p1 =	por !p1, !p1  }
0x99: {  	_ =	swait.ge [sflag:s12], $0x300;
	s9 =	sshra.s32 s9, $0x5;
	s14 =	simm.s32 @!p1 $0x0  }
0x9a: {  	[sflag:s12] =	ssyncset.done $0x0;
	s21 =	ssub.s32 s9, s14  }
0x9b: {  	[sflag:s12] =	ssyncadd.s32 $0xFFFFFD00;
	p1 =	sgt.s32 s21, $0x0  }
0x9c: {  	v7 =	vld @p1 [tilespmem:$0x180];
	_ =	sdelay $0x4  }
0x9d: {  	v8 =	vshrl.u32 @p1 v7, $0x3  }
0x9e: {  	v8 =	vmul.u32 @p1 $0x30, v8  }
0x9f: {  	v9 =	vlaneseq.u32 @p1;
	v7 =	vand.u32 @p1 $0x7, v7  }
0xa0: {  	v10 =	vshrl.u32 @p1 v9, $0x3;
	v7 =	vor.u32 @p1 v7, v8;
	v8 =	vand.u32 @p1 $0x7, v9  }
0xa1: {  	v10 =	vmul.u32 @p1 $0x8, v10;
	v11 =	vperm.xlane @p1 v7, v8;
	_ =	sdelay $0x1  }
0xa2: {  	v11 =	vadd.s32 @p1 v10, v11;
	_ =	sdelay $0x2  }
0xa3: {  	v9 =	vor.u32 @p1 $0x8, v9  }
0xa4: {  	vm1 =	vmmov @p1 $0xffff;
	s9 =	simm.s32 @p1 $0x0;
	s14 =	simm.s32 @p1 $0x380;
	v7 =	vperm.xlane @p1 v7, v9  }
0xa5: {  	[tilespmem:s14], [sflag:$0x1] =	stream.indirect_vreg.gather @p1 [hbm4b:s1+s9], $0x80, v11, vm1, $0xb8;
	[tilespmem:$0x1A480] =	vst v63  }
0xa6: {  	v7 =	vadd.s32 @p1 v10, v7;
	s14 =	simm.s32 @p1 $0xB80  }
0xa7: {  	[tilespmem:s14], [sflag:$0x1] =	stream.indirect_vreg.gather @p1 [hbm4b:s6+s9], $0x80, v11, vm1, $0xb8;
	[tilespmem:$0x1A480] =	vst v63  }
0xa8: {  	s14 =	simm.s32 @p1 $0x1380  }
0xa9: {  	[tilespmem:s14], [sflag:$0x1] =	stream.indirect_vreg.gather @p1 [hbm4b:s7+s9], $0x80, v11, vm1, $0xb8;
	[tilespmem:$0x1A480] =	vst v63  }
0xaa: {  	s14 =	simm.s32 @p1 $0x1B80  }
0xab: {  	[tilespmem:s14], [sflag:$0x1] =	stream.indirect_vreg.gather @p1 [hbm4b:s1+s9], $0x80, v7, vm1, $0xb8;
	[tilespmem:$0x1A480] =	vst v63  }
0xac: {  	s14 =	simm.s32 @p1 $0x2380  }
0xad: {  	[tilespmem:s14], [sflag:$0x1] =	stream.indirect_vreg.gather @p1 [hbm4b:s6+s9], $0x80, v7, vm1, $0xb8;
	[tilespmem:$0x1A480] =	vst v63  }
0xae: {  	s14 =	simm.s32 @p1 $0x2B80  }
0xaf: {  	[tilespmem:s14], [sflag:$0x1] =	stream.indirect_vreg.gather @p1 [hbm4b:s7+s9], $0x80, v7, vm1, $0xb8;
	[tilespmem:$0x1A480] =	vst v63  }
0xb0: {  	v7 =	vld @p1 [tilespmem:$0x190];
	_ =	sdelay $0x4  }
0xb1: {  	v11 =	vshrl.u32 @p1 v7, $0x3  }
0xb2: {  	v11 =	vmul.u32 @p1 $0x30, v11  }
0xb3: {  	v7 =	vand.u32 @p1 $0x7, v7  }
0xb4: {  	v7 =	vor.u32 @p1 v7, v11  }
0xb5: {  	v8 =	vperm.xlane @p1 v7, v8;
	_ =	sdelay $0x1  }
0xb6: {  	v8 =	vadd.s32 @p1 v10, v8;
	_ =	sdelay $0x3  }
0xb7: {  	s14 =	simm.s32 @p1 $0x3380;
	v7 =	vperm.xlane @p1 v7, v9  }
0xb8: {  	[tilespmem:s14], [sflag:$0x1] =	stream.indirect_vreg.gather @p1 [hbm4b:s1+s9], $0x80, v8, vm1, $0xb8;
	[tilespmem:$0x1A480] =	vst v63  }
0xb9: {  	v7 =	vadd.s32 @p1 v10, v7;
	s14 =	simm.s32 @p1 $0x3B80  }
0xba: {  	[tilespmem:s14], [sflag:$0x1] =	stream.indirect_vreg.gather @p1 [hbm4b:s6+s9], $0x80, v8, vm1, $0xb8;
	[tilespmem:$0x1A480] =	vst v63  }
0xbb: {  	s14 =	simm.s32 @p1 $0x4380  }
0xbc: {  	[tilespmem:s14], [sflag:$0x1] =	stream.indirect_vreg.gather @p1 [hbm4b:s7+s9], $0x80, v8, vm1, $0xb8;
	[tilespmem:$0x1A480] =	vst v63  }
0xbd: {  	s14 =	simm.s32 @p1 $0x4B80  }
0xbe: {  	[tilespmem:s14], [sflag:$0x1] =	stream.indirect_vreg.gather @p1 [hbm4b:s1+s9], $0x80, v7, vm1, $0xb8;
	[tilespmem:$0x1A480] =	vst v63  }
0xbf: {  	s14 =	simm.s32 @p1 $0x5380  }
0xc0: {  	[tilespmem:s14], [sflag:$0x1] =	stream.indirect_vreg.gather @p1 [hbm4b:s6+s9], $0x80, v7, vm1, $0xb8;
	[tilespmem:$0x1A480] =	vst v63  }
0xc1: {  	p2 =	seq.s32 @p1 s21, $0x1;
	s14 =	simm.s32 @p1 $0x5B80  }
0xc2: {  	[tilespmem:s14], [sflag:$0x1] =	stream.indirect_vreg.gather @p1 [hbm4b:s7+s9], $0x80, v7, vm1, $0xb8;
	[tilespmem:$0x1A480] =	vst v63  }
0xc3: {  	p1 =	por !p1, p2  }
0xc4: {  	v7 =	vld @!p1 [tilespmem:$0x1A0];
	_ =	sdelay $0x4  }
0xc5: {  	v8 =	vshrl.u32 @!p1 v7, $0x3  }
0xc6: {  	v8 =	vmul.u32 @!p1 $0x30, v8  }
0xc7: {  	v9 =	vlaneseq.u32 @!p1;
	v7 =	vand.u32 @!p1 $0x7, v7  }
0xc8: {  	v10 =	vshrl.u32 @!p1 v9, $0x3;
	v7 =	vor.u32 @!p1 v7, v8;
	v8 =	vand.u32 @!p1 $0x7, v9  }
0xc9: {  	v10 =	vmul.u32 @!p1 $0x8, v10;
	v11 =	vperm.xlane @!p1 v7, v8;
	_ =	sdelay $0x1  }
0xca: {  	v11 =	vadd.s32 @!p1 v10, v11;
	_ =	sdelay $0x2  }
0xcb: {  	v9 =	vor.u32 @!p1 $0x8, v9  }
0xcc: {  	vm1 =	vmmov @!p1 $0xffff;
	s9 =	simm.s32 @!p1 $0x0;
	s14 =	simm.s32 @!p1 $0x6380;
	v7 =	vperm.xlane @!p1 v7, v9  }
0xcd: {  	[tilespmem:s14], [sflag:$0x2] =	stream.indirect_vreg.gather @!p1 [hbm4b:s1+s9], $0x80, v11, vm1, $0xb8;
	[tilespmem:$0x1A480] =	vst v63  }
0xce: {  	v7 =	vadd.s32 @!p1 v10, v7;
	s14 =	simm.s32 @!p1 $0x6B80  }
0xcf: {  	[tilespmem:s14], [sflag:$0x2] =	stream.indirect_vreg.gather @!p1 [hbm4b:s6+s9], $0x80, v11, vm1, $0xb8;
	[tilespmem:$0x1A480] =	vst v63  }
0xd0: {  	s14 =	simm.s32 @!p1 $0x7380  }
0xd1: {  	[tilespmem:s14], [sflag:$0x2] =	stream.indirect_vreg.gather @!p1 [hbm4b:s7+s9], $0x80, v11, vm1, $0xb8;
	[tilespmem:$0x1A480] =	vst v63  }
0xd2: {  	s14 =	simm.s32 @!p1 $0x7B80  }
0xd3: {  	[tilespmem:s14], [sflag:$0x2] =	stream.indirect_vreg.gather @!p1 [hbm4b:s1+s9], $0x80, v7, vm1, $0xb8;
	[tilespmem:$0x1A480] =	vst v63  }
0xd4: {  	s14 =	simm.s32 @!p1 $0x8380  }
0xd5: {  	[tilespmem:s14], [sflag:$0x2] =	stream.indirect_vreg.gather @!p1 [hbm4b:s6+s9], $0x80, v7, vm1, $0xb8;
	[tilespmem:$0x1A480] =	vst v63  }
0xd6: {  	s14 =	simm.s32 @!p1 $0x8B80  }
0xd7: {  	[tilespmem:s14], [sflag:$0x2] =	stream.indirect_vreg.gather @!p1 [hbm4b:s7+s9], $0x80, v7, vm1, $0xb8;
	[tilespmem:$0x1A480] =	vst v63  }
0xd8: {  	v7 =	vld @!p1 [tilespmem:$0x1B0];
	_ =	sdelay $0x4  }
0xd9: {  	v11 =	vshrl.u32 @!p1 v7, $0x3  }
0xda: {  	v11 =	vmul.u32 @!p1 $0x30, v11  }
0xdb: {  	v7 =	vand.u32 @!p1 $0x7, v7  }
0xdc: {  	v7 =	vor.u32 @!p1 v7, v11  }
0xdd: {  	v8 =	vperm.xlane @!p1 v7, v8;
	_ =	sdelay $0x1  }
0xde: {  	v8 =	vadd.s32 @!p1 v10, v8;
	_ =	sdelay $0x3  }
0xdf: {  	s14 =	simm.s32 @!p1 $0x9380;
	v7 =	vperm.xlane @!p1 v7, v9  }
0xe0: {  	[tilespmem:s14], [sflag:$0x2] =	stream.indirect_vreg.gather @!p1 [hbm4b:s1+s9], $0x80, v8, vm1, $0xb8;
	[tilespmem:$0x1A480] =	vst v63  }
0xe1: {  	v7 =	vadd.s32 @!p1 v10, v7;
	s14 =	simm.s32 @!p1 $0x9B80  }
0xe2: {  	[tilespmem:s14], [sflag:$0x2] =	stream.indirect_vreg.gather @!p1 [hbm4b:s6+s9], $0x80, v8, vm1, $0xb8;
	[tilespmem:$0x1A480] =	vst v63  }
0xe3: {  	s14 =	simm.s32 @!p1 $0xA380  }
0xe4: {  	[tilespmem:s14], [sflag:$0x2] =	stream.indirect_vreg.gather @!p1 [hbm4b:s7+s9], $0x80, v8, vm1, $0xb8;
	[tilespmem:$0x1A480] =	vst v63  }
0xe5: {  	s14 =	simm.s32 @!p1 $0xAB80  }
0xe6: {  	[tilespmem:s14], [sflag:$0x2] =	stream.indirect_vreg.gather @!p1 [hbm4b:s1+s9], $0x80, v7, vm1, $0xb8;
	[tilespmem:$0x1A480] =	vst v63  }
0xe7: {  	s14 =	simm.s32 @!p1 $0xB380  }
0xe8: {  	[tilespmem:s14], [sflag:$0x2] =	stream.indirect_vreg.gather @!p1 [hbm4b:s6+s9], $0x80, v7, vm1, $0xb8;
	[tilespmem:$0x1A480] =	vst v63  }
0xe9: {  	p2 =	slt.u32 @!p1 s21, $0x3;
	s14 =	simm.s32 @!p1 $0xBB80  }
0xea: {  	[tilespmem:s14], [sflag:$0x2] =	stream.indirect_vreg.gather @!p1 [hbm4b:s7+s9], $0x80, v7, vm1, $0xb8;
	[tilespmem:$0x1A480] =	vst v63  }
0xeb: {  	p1 =	por p1, p2  }
.Ltmp3:
0xec: {  	_ = 	snop;
	(pc) =	sbr.rel @p1 .LBB2_5-.Ltmp3, $1  }
0xed: {  	_ =	sdelay $0x3  }
0xee: {  	v7 =	vld [tilespmem:$0x1C0];
	_ =	sdelay $0x4  }
0xef: {  	v8 =	vshrl.u32 v7, $0x3  }
0xf0: {  	v8 =	vmul.u32 $0x30, v8  }
0xf1: {  	v7 =	vand.u32 $0x7, v7  }
0xf2: {  	v7 =	vor.u32 v7, v8  }
0xf3: {  	v8 =	vperm.xlane v7, v4;
	_ =	sdelay $0x1  }
0xf4: {  	v8 =	vadd.s32 v5, v8;
	_ =	sdelay $0x3  }
0xf5: {  	s9 =	simm.s32 $0xC380;
	v7 =	vperm.xlane v7, v6  }
0xf6: {  	[tilespmem:s9], [sflag:$0x3] =	stream.indirect_vreg.gather [hbm4b:s1+s3], $0x80, v8, vm0, $0xb8;
	[tilespmem:$0x1A480] =	vst v63  }
0xf7: {  	s30 =	simm.s32 $0xCB80;
	v7 =	vadd.s32 v5, v7  }
0xf8: {  	[tilespmem:s30], [sflag:$0x3] =	stream.indirect_vreg.gather [hbm4b:s6+s3], $0x80, v8, vm0, $0xb8;
	[tilespmem:$0x1A480] =	vst v63  }
0xf9: {  	s14 =	simm.s32 $0xD380  }
0xfa: {  	[tilespmem:s14], [sflag:$0x3] =	stream.indirect_vreg.gather [hbm4b:s7+s3], $0x80, v8, vm0, $0xb8;
	[tilespmem:$0x1A480] =	vst v63  }
0xfb: {  	s15 =	simm.s32 $0xDB80  }
0xfc: {  	[tilespmem:s15], [sflag:$0x3] =	stream.indirect_vreg.gather [hbm4b:s1+s3], $0x80, v7, vm0, $0xb8;
	[tilespmem:$0x1A480] =	vst v63  }
0xfd: {  	s22 =	simm.s32 $0xE380  }
0xfe: {  	[tilespmem:s22], [sflag:$0x3] =	stream.indirect_vreg.gather [hbm4b:s6+s3], $0x80, v7, vm0, $0xb8;
	[tilespmem:$0x1A480] =	vst v63  }
0xff: {  	s23 =	simm.s32 $0xEB80  }
0x100: {  	[tilespmem:s23], [sflag:$0x3] =	stream.indirect_vreg.gather [hbm4b:s7+s3], $0x80, v7, vm0, $0xb8;
	[tilespmem:$0x1A480] =	vst v63  }
0x101: {  	v7 =	vld [tilespmem:$0x1D0];
	_ =	sdelay $0x4  }
0x102: {  	v8 =	vshrl.u32 v7, $0x3  }
0x103: {  	v8 =	vmul.u32 $0x30, v8  }
0x104: {  	v7 =	vand.u32 $0x7, v7  }
0x105: {  	v7 =	vor.u32 v7, v8  }
0x106: {  	v8 =	vperm.xlane v7, v4;
	_ =	sdelay $0x1  }
0x107: {  	v8 =	vadd.s32 v5, v8;
	_ =	sdelay $0x3  }
0x108: {  	s24 =	simm.s32 $0xF380;
	v7 =	vperm.xlane v7, v6  }
0x109: {  	[tilespmem:s24], [sflag:$0x3] =	stream.indirect_vreg.gather [hbm4b:s1+s3], $0x80, v8, vm0, $0xb8;
	[tilespmem:$0x1A480] =	vst v63  }
0x10a: {  	s25 =	simm.s32 $0xFB80;
	v7 =	vadd.s32 v5, v7  }
0x10b: {  	[tilespmem:s25], [sflag:$0x3] =	stream.indirect_vreg.gather [hbm4b:s6+s3], $0x80, v8, vm0, $0xb8;
	[tilespmem:$0x1A480] =	vst v63  }
0x10c: {  	s26 =	simm.s32 $0x10380  }
0x10d: {  	[tilespmem:s26], [sflag:$0x3] =	stream.indirect_vreg.gather [hbm4b:s7+s3], $0x80, v8, vm0, $0xb8;
	[tilespmem:$0x1A480] =	vst v63  }
0x10e: {  	s28 =	simm.s32 $0x10B80  }
0x10f: {  	[tilespmem:s28], [sflag:$0x3] =	stream.indirect_vreg.gather [hbm4b:s1+s3], $0x80, v7, vm0, $0xb8;
	[tilespmem:$0x1A480] =	vst v63  }
0x110: {  	s29 =	simm.s32 $0x11380  }
0x111: {  	[tilespmem:s29], [sflag:$0x3] =	stream.indirect_vreg.gather [hbm4b:s6+s3], $0x80, v7, vm0, $0xb8;
	[tilespmem:$0x1A480] =	vst v63  }
0x112: {  	p1 =	seq.s32 s21, $0x3;
	s30 =	simm.s32 $0x11B80  }
0x113: {  	[tilespmem:s30], [sflag:$0x3] =	stream.indirect_vreg.gather [hbm4b:s7+s3], $0x80, v7, vm0, $0xb8;
	[tilespmem:$0x1A480] =	vst v63  }
0x114: {  	v7 =	vld @!p1 [tilespmem:$0x1E0];
	_ =	sdelay $0x4  }
0x115: {  	v8 =	vshrl.u32 @!p1 v7, $0x3  }
0x116: {  	v8 =	vmul.u32 @!p1 $0x30, v8  }
0x117: {  	v9 =	vlaneseq.u32 @!p1;
	v7 =	vand.u32 @!p1 $0x7, v7  }
0x118: {  	v10 =	vshrl.u32 @!p1 v9, $0x3;
	v7 =	vor.u32 @!p1 v7, v8;
	v8 =	vand.u32 @!p1 $0x7, v9  }
0x119: {  	v10 =	vmul.u32 @!p1 $0x8, v10;
	v11 =	vperm.xlane @!p1 v7, v8;
	_ =	sdelay $0x1  }
0x11a: {  	v11 =	vadd.s32 @!p1 v10, v11;
	_ =	sdelay $0x2  }
0x11b: {  	v9 =	vor.u32 @!p1 $0x8, v9  }
0x11c: {  	vm1 =	vmmov @!p1 $0xffff;
	s9 =	simm.s32 @!p1 $0x0;
	s14 =	simm.s32 @!p1 $0x12380;
	v7 =	vperm.xlane @!p1 v7, v9  }
0x11d: {  	[tilespmem:s14], [sflag:$0x4] =	stream.indirect_vreg.gather @!p1 [hbm4b:s1+s9], $0x80, v11, vm1, $0xb8;
	[tilespmem:$0x1A480] =	vst v63  }
0x11e: {  	v7 =	vadd.s32 @!p1 v10, v7;
	s14 =	simm.s32 @!p1 $0x12B80  }
0x11f: {  	[tilespmem:s14], [sflag:$0x4] =	stream.indirect_vreg.gather @!p1 [hbm4b:s6+s9], $0x80, v11, vm1, $0xb8;
	[tilespmem:$0x1A480] =	vst v63  }
0x120: {  	s14 =	simm.s32 @!p1 $0x13380  }
0x121: {  	[tilespmem:s14], [sflag:$0x4] =	stream.indirect_vreg.gather @!p1 [hbm4b:s7+s9], $0x80, v11, vm1, $0xb8;
	[tilespmem:$0x1A480] =	vst v63  }
0x122: {  	s14 =	simm.s32 @!p1 $0x13B80  }
0x123: {  	[tilespmem:s14], [sflag:$0x4] =	stream.indirect_vreg.gather @!p1 [hbm4b:s1+s9], $0x80, v7, vm1, $0xb8;
	[tilespmem:$0x1A480] =	vst v63  }
0x124: {  	s14 =	simm.s32 @!p1 $0x14380  }
0x125: {  	[tilespmem:s14], [sflag:$0x4] =	stream.indirect_vreg.gather @!p1 [hbm4b:s6+s9], $0x80, v7, vm1, $0xb8;
	[tilespmem:$0x1A480] =	vst v63  }
0x126: {  	s14 =	simm.s32 @!p1 $0x14B80  }
0x127: {  	[tilespmem:s14], [sflag:$0x4] =	stream.indirect_vreg.gather @!p1 [hbm4b:s7+s9], $0x80, v7, vm1, $0xb8;
	[tilespmem:$0x1A480] =	vst v63  }
0x128: {  	v7 =	vld @!p1 [tilespmem:$0x1F0];
	_ =	sdelay $0x4  }
0x129: {  	v11 =	vshrl.u32 @!p1 v7, $0x3  }
0x12a: {  	v11 =	vmul.u32 @!p1 $0x30, v11  }
0x12b: {  	v7 =	vand.u32 @!p1 $0x7, v7  }
0x12c: {  	v7 =	vor.u32 @!p1 v7, v11  }
0x12d: {  	v8 =	vperm.xlane @!p1 v7, v8;
	_ =	sdelay $0x1  }
0x12e: {  	v8 =	vadd.s32 @!p1 v10, v8;
	_ =	sdelay $0x3  }
0x12f: {  	s14 =	simm.s32 @!p1 $0x15380;
	v7 =	vperm.xlane @!p1 v7, v9  }
0x130: {  	[tilespmem:s14], [sflag:$0x4] =	stream.indirect_vreg.gather @!p1 [hbm4b:s1+s9], $0x80, v8, vm1, $0xb8;
	[tilespmem:$0x1A480] =	vst v63  }
0x131: {  	v7 =	vadd.s32 @!p1 v10, v7;
	s14 =	simm.s32 @!p1 $0x15B80  }
0x132: {  	[tilespmem:s14], [sflag:$0x4] =	stream.indirect_vreg.gather @!p1 [hbm4b:s6+s9], $0x80, v8, vm1, $0xb8;
	[tilespmem:$0x1A480] =	vst v63  }
0x133: {  	s14 =	simm.s32 @!p1 $0x16380  }
0x134: {  	[tilespmem:s14], [sflag:$0x4] =	stream.indirect_vreg.gather @!p1 [hbm4b:s7+s9], $0x80, v8, vm1, $0xb8;
	[tilespmem:$0x1A480] =	vst v63  }
0x135: {  	s14 =	simm.s32 @!p1 $0x16B80  }
0x136: {  	[tilespmem:s14], [sflag:$0x4] =	stream.indirect_vreg.gather @!p1 [hbm4b:s1+s9], $0x80, v7, vm1, $0xb8;
	[tilespmem:$0x1A480] =	vst v63  }
0x137: {  	s14 =	simm.s32 @!p1 $0x17380  }
0x138: {  	[tilespmem:s14], [sflag:$0x4] =	stream.indirect_vreg.gather @!p1 [hbm4b:s6+s9], $0x80, v7, vm1, $0xb8;
	[tilespmem:$0x1A480] =	vst v63  }
0x139: {  	s14 =	simm.s32 @!p1 $0x17B80  }
0x13a: {  	[tilespmem:s14], [sflag:$0x4] =	stream.indirect_vreg.gather @!p1 [hbm4b:s7+s9], $0x80, v7, vm1, $0xb8;
	[tilespmem:$0x1A480] =	vst v63  }
.LBB2_5:
0x13b: {  	s9 =	sadd.s32 $0x3, s21  }
0x13c: {  	s14 =	sand.u32 $0x3, s9  }
0x13d: {  	p1 =	slt.s32 s21, $0xFFFFFFFE;
	p2 =	sne.s32 s14, $0x0  }
0x13e: {  	s30 =	sshrl.u32 s9, $0x1E;
	p1 =	por !p1, !p2  }
0x13f: {  	s9 =	sadd.s32 s30, s9;
	s14 =	simm.s32 $0x1;
	p1 =	por !p1, !p1  }
0x140: {  	s9 =	sshra.s32 s9, $0x2;
	s14 =	simm.s32 @!p1 $0x0  }
0x141: {  	s22 =	ssub.s32 s9, s14  }
0x142: {  	p1 =	slt.s32 s22, $0x1  }
.Ltmp4:
0x143: {  	_ = 	snop;
	(pc) =	sbr.rel @p1 .LBB2_24-.Ltmp4, $1  }
0x144: {  	_ =	sdelay $0x3  }
.Ltmp5:
0x145: {  	(pc) =	sbr.rel .LBB2_7-.Ltmp5, $3  }
0x146: {  	_ =	sdelay $0x1  }
0x147: {  	s23 =	sadd.s32 $0xFFFFFFFF, s21  }
0x148: {  	s24 =	sadd.s32 $0xFFFFFFFE, s21;
	s25 =	sadd.s32 $0xFFFFFFFD, s21;
	s26 =	simm.s32 $0x0  }
.LBB2_23:
0x149: {  	s9 =	sadd.s32 $0x7, s28  }
0x14a: {  	p1 =	sge.s32 s9, s21  }
0x14b: {  	s9 =	sshll.u32 @!p1 s9, $0x7  }
0x14c: {  	s9 =	sshra.s32 @!p1 s9, $0x2  }
0x14d: {  	v7 =	vld @!p1 [tilespmem:s9+$0x180];
	_ =	sdelay $0x4  }
0x14e: {  	v8 =	vshrl.u32 @!p1 v7, $0x3  }
0x14f: {  	v8 =	vmul.u32 @!p1 $0x30, v8  }
0x150: {  	v9 =	vlaneseq.u32 @!p1;
	v7 =	vand.u32 @!p1 $0x7, v7  }
0x151: {  	v10 =	vshrl.u32 @!p1 v9, $0x3;
	v7 =	vor.u32 @!p1 v7, v8;
	v8 =	vand.u32 @!p1 $0x7, v9  }
0x152: {  	v10 =	vmul.u32 @!p1 $0x8, v10;
	v11 =	vperm.xlane @!p1 v7, v8;
	_ =	sdelay $0x1  }
0x153: {  	v11 =	vadd.s32 @!p1 v10, v11;
	_ =	sdelay $0x2  }
0x154: {  	v9 =	vor.u32 @!p1 $0x8, v9  }
0x155: {  	vm1 =	vmmov @!p1 $0xffff;
	s14 =	simm.s32 @!p1 $0x0;
	s15 =	simm.s32 @!p1 $0x12380;
	v7 =	vperm.xlane @!p1 v7, v9  }
0x156: {  	[tilespmem:s15], [sflag:$0x4] =	stream.indirect_vreg.gather @!p1 [hbm4b:s1+s14], $0x80, v11, vm1, $0xb8;
	[tilespmem:$0x1A480] =	vst v63  }
0x157: {  	v7 =	vadd.s32 @!p1 v10, v7;
	s15 =	simm.s32 @!p1 $0x12B80  }
0x158: {  	[tilespmem:s15], [sflag:$0x4] =	stream.indirect_vreg.gather @!p1 [hbm4b:s6+s14], $0x80, v11, vm1, $0xb8;
	[tilespmem:$0x1A480] =	vst v63  }
0x159: {  	s15 =	simm.s32 @!p1 $0x13380  }
0x15a: {  	[tilespmem:s15], [sflag:$0x4] =	stream.indirect_vreg.gather @!p1 [hbm4b:s7+s14], $0x80, v11, vm1, $0xb8;
	[tilespmem:$0x1A480] =	vst v63  }
0x15b: {  	s15 =	simm.s32 @!p1 $0x13B80  }
0x15c: {  	[tilespmem:s15], [sflag:$0x4] =	stream.indirect_vreg.gather @!p1 [hbm4b:s1+s14], $0x80, v7, vm1, $0xb8;
	[tilespmem:$0x1A480] =	vst v63  }
0x15d: {  	s15 =	simm.s32 @!p1 $0x14380  }
0x15e: {  	[tilespmem:s15], [sflag:$0x4] =	stream.indirect_vreg.gather @!p1 [hbm4b:s6+s14], $0x80, v7, vm1, $0xb8;
	[tilespmem:$0x1A480] =	vst v63  }
0x15f: {  	s15 =	simm.s32 @!p1 $0x14B80  }
0x160: {  	[tilespmem:s15], [sflag:$0x4] =	stream.indirect_vreg.gather @!p1 [hbm4b:s7+s14], $0x80, v7, vm1, $0xb8;
	[tilespmem:$0x1A480] =	vst v63  }
0x161: {  	v7 =	vld @!p1 [tilespmem:s9+$0x190];
	_ =	sdelay $0x4  }
0x162: {  	v11 =	vshrl.u32 @!p1 v7, $0x3  }
0x163: {  	v11 =	vmul.u32 @!p1 $0x30, v11  }
0x164: {  	v7 =	vand.u32 @!p1 $0x7, v7  }
0x165: {  	v7 =	vor.u32 @!p1 v7, v11  }
0x166: {  	v8 =	vperm.xlane @!p1 v7, v8;
	_ =	sdelay $0x1  }
0x167: {  	v8 =	vadd.s32 @!p1 v10, v8;
	_ =	sdelay $0x3  }
0x168: {  	s9 =	simm.s32 @!p1 $0x15380;
	v7 =	vperm.xlane @!p1 v7, v9  }
0x169: {  	[tilespmem:s9], [sflag:$0x4] =	stream.indirect_vreg.gather @!p1 [hbm4b:s1+s14], $0x80, v8, vm1, $0xb8;
	[tilespmem:$0x1A480] =	vst v63  }
0x16a: {  	v7 =	vadd.s32 @!p1 v10, v7;
	s9 =	simm.s32 @!p1 $0x15B80  }
0x16b: {  	[tilespmem:s9], [sflag:$0x4] =	stream.indirect_vreg.gather @!p1 [hbm4b:s6+s14], $0x80, v8, vm1, $0xb8;
	[tilespmem:$0x1A480] =	vst v63  }
0x16c: {  	s9 =	simm.s32 @!p1 $0x16380  }
0x16d: {  	[tilespmem:s9], [sflag:$0x4] =	stream.indirect_vreg.gather @!p1 [hbm4b:s7+s14], $0x80, v8, vm1, $0xb8;
	[tilespmem:$0x1A480] =	vst v63  }
0x16e: {  	s9 =	simm.s32 @!p1 $0x16B80  }
0x16f: {  	[tilespmem:s9], [sflag:$0x4] =	stream.indirect_vreg.gather @!p1 [hbm4b:s1+s14], $0x80, v7, vm1, $0xb8;
	[tilespmem:$0x1A480] =	vst v63  }
0x170: {  	s9 =	simm.s32 @!p1 $0x17380  }
0x171: {  	[tilespmem:s9], [sflag:$0x4] =	stream.indirect_vreg.gather @!p1 [hbm4b:s6+s14], $0x80, v7, vm1, $0xb8;
	[tilespmem:$0x1A480] =	vst v63  }
0x172: {  	s26 =	sadd.s32 $0x1, s26;
	s9 =	simm.s32 @!p1 $0x17B80  }
0x173: {  	[tilespmem:s9], [sflag:$0x4] =	stream.indirect_vreg.gather @!p1 [hbm4b:s7+s14], $0x80, v7, vm1, $0xb8;
	[tilespmem:$0x1A480] =	vst v63  }
0x174: {  	p1 =	sne.s32 s26, s22  }
.Ltmp6:
0x175: {  	_ = 	snop;
	(pc) =	sbr.rel @!p1 .LBB2_24-.Ltmp6, $1  }
0x176: {  	_ =	sdelay $0x3  }
.LBB2_7:
0x177: {  	s28 =	sshll.u32 s26, $0x2  }
0x178: {  	p1 =	sge.s32 s28, s21  }
.Ltmp7:
0x179: {  	_ = 	snop;
	(pc) =	sbr.rel @p1 .LBB2_11-.Ltmp7, $1  }
0x17a: {  	_ =	sdelay $0x3  }
0x17b: {  	_ =	swait.ge [sflag:s17], $0x6000;
	s9 =	simm.s32 $0x0  }
0x17c: {  	[sflag:s17] =	ssyncset.done $0x0;
	s14 =	sand.u32 $0x70, s9;
	s9 =	sand.u32 $0x1C00, s9  }
0x17d: {  	[sflag:s17] =	ssyncadd.s32 $0xFFFFA000;
	s9 =	sor.u32 s14, s9  }
0x17e: {  	v7 =	vld [tilespmem:s9+$0x4D80]  }
0x17f: {  	v8 =	vld [tilespmem:s9+$0x4E00]  }
0x180: {  	v9 =	vld [tilespmem:s9+$0x4B80]  }
0x181: {  	v10 =	vld [tilespmem:s9+$0x4C00]  }
0x182: {  	v11 =	vld [tilespmem:s9+$0x3580]  }
0x183: {  	v12 =	vld [tilespmem:s9+$0x3600]  }
0x184: {  	v13 =	vld [tilespmem:s9+$0x3380]  }
0x185: {  	v14 =	vld [tilespmem:s9+$0x3400]  }
0x186: {  	v15 =	vld [tilespmem:s9+$0x1D80]  }
0x187: {  	v16 =	vld [tilespmem:s9+$0x1E00]  }
0x188: {  	v17 =	vld [tilespmem:s9+$0x1B80]  }
0x189: {  	v18 =	vld [tilespmem:s9+$0x1C00]  }
0x18a: {  	v19 =	vld [tilespmem:s9+$0x580]  }
0x18b: {  	v20 =	vld [tilespmem:s9+$0x380]  }
0x18c: {  	v21 =	vld [tilespmem:s9+$0x400]  }
0x18d: {  	v22 =	vld [tilespmem:s9+$0x600]  }
0x18e: {  	v23 =	vld [tilespmem:s9+$0x480]  }
0x18f: {  	v24 =	vld [tilespmem:s9+$0x680]  }
0x190: {  	v25 =	vld [tilespmem:s9+$0x500]  }
0x191: {  	v26 =	vld [tilespmem:s9+$0x700]  }
0x192: {  	v27 =	vld [tilespmem:s9+$0x1C80]  }
0x193: {  	v28 =	vld [tilespmem:s9+$0x1D00]  }
0x194: {  	v29 =	vld [tilespmem:s9+$0x1E80]  }
0x195: {  	v19 =	vadd.f32 v19, v20;
	v20 =	vadd.f32 v22, v21;
	v21 =	vld [tilespmem:s9+$0x1F00]  }
0x196: {  	v22 =	vadd.f32 v24, v23;
	v23 =	vadd.f32 v26, v25;
	v24 =	vld [tilespmem:s9+$0x3480]  }
0x197: {  	v17 =	vadd.f32 v17, v19;
	v18 =	vadd.f32 v18, v20;
	v19 =	vld [tilespmem:s9+$0x3500]  }
0x198: {  	v20 =	vadd.f32 v27, v22;
	v22 =	vadd.f32 v28, v23;
	v23 =	vld [tilespmem:s9+$0x3680]  }
0x199: {  	v15 =	vadd.f32 v15, v17;
	v16 =	vadd.f32 v16, v18;
	v17 =	vld [tilespmem:s9+$0x3700]  }
0x19a: {  	v18 =	vadd.f32 v29, v20;
	v20 =	vadd.f32 v21, v22;
	v21 =	vld [tilespmem:s9+$0x4C80]  }
0x19b: {  	v13 =	vadd.f32 v13, v15;
	v14 =	vadd.f32 v14, v16;
	v15 =	vld [tilespmem:s9+$0x4D00]  }
0x19c: {  	v16 =	vadd.f32 v24, v18;
	v18 =	vadd.f32 v19, v20;
	v19 =	vld [tilespmem:s9+$0x4E80]  }
0x19d: {  	v11 =	vadd.f32 v11, v13;
	v12 =	vadd.f32 v12, v14;
	v13 =	vld [tilespmem:s9+$0x4F00]  }
0x19e: {  	v14 =	vadd.f32 v23, v16;
	v16 =	vadd.f32 v17, v18  }
0x19f: {  	v9 =	vadd.f32 v9, v11;
	v10 =	vadd.f32 v10, v12  }
0x1a0: {  	v11 =	vadd.f32 v21, v14;
	v12 =	vadd.f32 v15, v16  }
0x1a1: {  	v7 =	vadd.f32 v7, v9;
	v8 =	vadd.f32 v8, v10  }
0x1a2: {  	v9 =	vadd.f32 v19, v11;
	v10 =	vadd.f32 v13, v12;
	_ =	sdelay $0x1  }
0x1a3: {  	v7 =	vadd.f32 v8, v7;
	v8 =	vadd.f32 v10, v9;
	_ =	sdelay $0x1  }
0x1a4: {  	s30 =	simm.s32 $0x80;
	s14 =	simm.s32 $0x10;
	v7 =	vadd.f32 v8, v7  }
0x1a5: {  	s29 =	simm.s32 $0x18380;
	s15 =	sand.u32 $0x1C00, s30;
	s9 =	sand.u32 $0x70, s14  }
0x1a6: {  	s9 =	sor.u32 s9, s15;
	[tilespmem:s29+$0x0] =	vst.add.f32.msk $0xffff, v7  }
0x1a7: {  	v7 =	vld [tilespmem:s9+$0x4D80]  }
0x1a8: {  	v8 =	vld [tilespmem:s9+$0x4E00]  }
0x1a9: {  	v9 =	vld [tilespmem:s9+$0x4B80]  }
0x1aa: {  	v10 =	vld [tilespmem:s9+$0x4C00]  }
0x1ab: {  	v11 =	vld [tilespmem:s9+$0x3580]  }
0x1ac: {  	v12 =	vld [tilespmem:s9+$0x3600]  }
0x1ad: {  	v13 =	vld [tilespmem:s9+$0x3380]  }
0x1ae: {  	v14 =	vld [tilespmem:s9+$0x3400]  }
0x1af: {  	v15 =	vld [tilespmem:s9+$0x1D80]  }
0x1b0: {  	v16 =	vld [tilespmem:s9+$0x1E00]  }
0x1b1: {  	v17 =	vld [tilespmem:s9+$0x1B80]  }
0x1b2: {  	v18 =	vld [tilespmem:s9+$0x1C00]  }
0x1b3: {  	v19 =	vld [tilespmem:s9+$0x580]  }
0x1b4: {  	v20 =	vld [tilespmem:s9+$0x380]  }
0x1b5: {  	v21 =	vld [tilespmem:s9+$0x400]  }
0x1b6: {  	v23 =	vld [tilespmem:s9+$0x600]  }
0x1b7: {  	v22 =	vld [tilespmem:s9+$0x480]  }
0x1b8: {  	s14 =	simm.s32 $0x20;
	v24 =	vld [tilespmem:s9+$0x680]  }
.LBB2_9:
0x1b9: {  	p1 =	sne.s32 s14, $0x2F0;
	v25 =	vld [tilespmem:s9+$0x500]  }
0x1ba: {  	v26 =	vld [tilespmem:s9+$0x700]  }
0x1bb: {  	v27 =	vld [tilespmem:s9+$0x1C80]  }
0x1bc: {  	v28 =	vld [tilespmem:s9+$0x1D00]  }
0x1bd: {  	v29 =	vld [tilespmem:s9+$0x1E80]  }
0x1be: {  	v19 =	vadd.f32 v19, v20;
	v20 =	vadd.f32 v23, v21;
	v21 =	vld [tilespmem:s9+$0x1F00]  }
0x1bf: {  	v22 =	vadd.f32 v24, v22;
	v23 =	vadd.f32 v26, v25;
	v24 =	vld [tilespmem:s9+$0x3480]  }
0x1c0: {  	v17 =	vadd.f32 v17, v19;
	v18 =	vadd.f32 v18, v20;
	v19 =	vld [tilespmem:s9+$0x3500]  }
0x1c1: {  	v20 =	vadd.f32 v27, v22;
	v22 =	vadd.f32 v28, v23;
	v23 =	vld [tilespmem:s9+$0x3680]  }
0x1c2: {  	v15 =	vadd.f32 v15, v17;
	v16 =	vadd.f32 v16, v18;
	v17 =	vld [tilespmem:s9+$0x3700]  }
0x1c3: {  	v18 =	vadd.f32 v29, v20;
	v20 =	vadd.f32 v21, v22;
	v21 =	vld [tilespmem:s9+$0x4C80]  }
0x1c4: {  	v13 =	vadd.f32 v13, v15;
	v14 =	vadd.f32 v14, v16;
	v15 =	vld [tilespmem:s9+$0x4D00]  }
0x1c5: {  	v16 =	vadd.f32 v24, v18;
	v18 =	vadd.f32 v19, v20;
	v19 =	vld [tilespmem:s9+$0x4E80]  }
0x1c6: {  	v11 =	vadd.f32 v11, v13;
	v12 =	vadd.f32 v12, v14;
	v13 =	vld [tilespmem:s9+$0x4F00]  }
0x1c7: {  	v14 =	vadd.f32 v23, v16;
	v16 =	vadd.f32 v17, v18  }
0x1c8: {  	v9 =	vadd.f32 v9, v11;
	v10 =	vadd.f32 v10, v12  }
0x1c9: {  	v11 =	vadd.f32 v21, v14;
	v12 =	vadd.f32 v15, v16  }
0x1ca: {  	v7 =	vadd.f32 v7, v9;
	v8 =	vadd.f32 v8, v10  }
0x1cb: {  	v9 =	vadd.f32 v19, v11;
	v10 =	vadd.f32 v13, v12;
	_ =	sdelay $0x1  }
0x1cc: {  	v7 =	vadd.f32 v8, v7;
	v8 =	vadd.f32 v10, v9;
	_ =	sdelay $0x1  }
0x1cd: {  	s30 =	sadd.s32 $0x80, s30;
	v7 =	vadd.f32 v8, v7  }
0x1ce: {  	s29 =	sadd.s32 $0x10, s29;
	s15 =	sand.u32 $0x1C00, s30;
	s9 =	sand.u32 $0x70, s14  }
0x1cf: {  	s9 =	sor.u32 s9, s15;
	[tilespmem:s29+$0x0] =	vst.add.f32.msk $0xffff, v7  }
0x1d0: {  	v7 =	vld [tilespmem:s9+$0x4D80]  }
0x1d1: {  	v8 =	vld [tilespmem:s9+$0x4E00]  }
0x1d2: {  	v9 =	vld [tilespmem:s9+$0x4B80]  }
0x1d3: {  	v10 =	vld [tilespmem:s9+$0x4C00]  }
0x1d4: {  	v11 =	vld [tilespmem:s9+$0x3580]  }
0x1d5: {  	v12 =	vld [tilespmem:s9+$0x3600]  }
0x1d6: {  	v13 =	vld [tilespmem:s9+$0x3380]  }
0x1d7: {  	v14 =	vld [tilespmem:s9+$0x3400]  }
0x1d8: {  	v15 =	vld [tilespmem:s9+$0x1D80]  }
0x1d9: {  	v16 =	vld [tilespmem:s9+$0x1E00]  }
0x1da: {  	v17 =	vld [tilespmem:s9+$0x1B80]  }
0x1db: {  	v18 =	vld [tilespmem:s9+$0x1C00]  }
0x1dc: {  	v19 =	vld [tilespmem:s9+$0x580]  }
.Ltmp8:
0x1dd: {  	v20 =	vld [tilespmem:s9+$0x380];
	(pc) =	sbr.rel @p1 .LBB2_9-.Ltmp8, $4  }
0x1de: {  	v21 =	vld [tilespmem:s9+$0x400]  }
0x1df: {  	v23 =	vld [tilespmem:s9+$0x600]  }
0x1e0: {  	v22 =	vld [tilespmem:s9+$0x480]  }
0x1e1: {  	s14 =	sadd.s32 $0x10, s14;
	v24 =	vld [tilespmem:s9+$0x680]  }
0x1e2: {  	v25 =	vld [tilespmem:s9+$0x500]  }
0x1e3: {  	v26 =	vld [tilespmem:s9+$0x700]  }
0x1e4: {  	v27 =	vld [tilespmem:s9+$0x1C80]  }
0x1e5: {  	v28 =	vld [tilespmem:s9+$0x1D00]  }
0x1e6: {  	v29 =	vld [tilespmem:s9+$0x1E80]  }
0x1e7: {  	v19 =	vadd.f32 v19, v20;
	v42 =	vld [tilespmem:s9+$0x1F00];
	v41 =	vadd.f32 v23, v21  }
0x1e8: {  	v44 =	vld [tilespmem:s9+$0x3480];
	v22 =	vadd.f32 v24, v22;
	v43 =	vadd.f32 v26, v25  }
0x1e9: {  	v45 =	vld [tilespmem:s9+$0x3500];
	v17 =	vadd.f32 v17, v19;
	v18 =	vadd.f32 v18, v41  }
0x1ea: {  	v48 =	vld [tilespmem:s9+$0x3680];
	v46 =	vadd.f32 v27, v22;
	v47 =	vadd.f32 v28, v43  }
0x1eb: {  	v49 =	vld [tilespmem:s9+$0x3700];
	v15 =	vadd.f32 v15, v17;
	v16 =	vadd.f32 v16, v18  }
0x1ec: {  	v52 =	vld [tilespmem:s9+$0x4C80];
	v50 =	vadd.f32 v29, v46;
	v51 =	vadd.f32 v42, v47  }
0x1ed: {  	v53 =	vld [tilespmem:s9+$0x4D00];
	v13 =	vadd.f32 v13, v15;
	v14 =	vadd.f32 v14, v16  }
0x1ee: {  	v56 =	vld [tilespmem:s9+$0x4E80];
	v54 =	vadd.f32 v44, v50;
	v55 =	vadd.f32 v45, v51  }
0x1ef: {  	v57 =	vld [tilespmem:s9+$0x4F00];
	v11 =	vadd.f32 v11, v13;
	v12 =	vadd.f32 v12, v14  }
0x1f0: {  	v58 =	vadd.f32 v48, v54;
	v59 =	vadd.f32 v49, v55  }
0x1f1: {  	v9 =	vadd.f32 v9, v11;
	v10 =	vadd.f32 v10, v12  }
0x1f2: {  	v60 =	vadd.f32 v52, v58;
	v61 =	vadd.f32 v53, v59  }
0x1f3: {  	v7 =	vadd.f32 v7, v9;
	v8 =	vadd.f32 v8, v10  }
0x1f4: {  	v62 =	vadd.f32 v56, v60;
	v63 =	vadd.f32 v57, v61;
	_ =	sdelay $0x1  }
0x1f5: {  	v7 =	vadd.f32 v8, v7;
	v8 =	vadd.f32 v63, v62;
	_ =	sdelay $0x1  }
0x1f6: {  	v7 =	vadd.f32 v8, v7  }
0x1f7: {  	s30 =	sadd.s32 $0x10, s29  }
0x1f8: {  	[tilespmem:s30+$0x0] =	vst.add.f32.msk $0xffff, v7  }
.LBB2_11:
0x1f9: {  	s9 =	sadd.s32 $0x4, s28  }
0x1fa: {  	p1 =	sge.s32 s9, s21  }
0x1fb: {  	s9 =	sshll.u32 @!p1 s9, $0x7  }
0x1fc: {  	s9 =	sshra.s32 @!p1 s9, $0x2  }
0x1fd: {  	v7 =	vld @!p1 [tilespmem:s9+$0x180];
	_ =	sdelay $0x4  }
0x1fe: {  	v8 =	vshrl.u32 @!p1 v7, $0x3  }
0x1ff: {  	v8 =	vmul.u32 @!p1 $0x30, v8  }
0x200: {  	v9 =	vlaneseq.u32 @!p1;
	v7 =	vand.u32 @!p1 $0x7, v7  }
0x201: {  	v10 =	vshrl.u32 @!p1 v9, $0x3;
	v7 =	vor.u32 @!p1 v7, v8;
	v8 =	vand.u32 @!p1 $0x7, v9  }
0x202: {  	v10 =	vmul.u32 @!p1 $0x8, v10;
	v11 =	vperm.xlane @!p1 v7, v8;
	_ =	sdelay $0x1  }
0x203: {  	v11 =	vadd.s32 @!p1 v10, v11;
	_ =	sdelay $0x2  }
0x204: {  	v9 =	vor.u32 @!p1 $0x8, v9  }
0x205: {  	vm1 =	vmmov @!p1 $0xffff;
	s14 =	simm.s32 @!p1 $0x0;
	s15 =	simm.s32 @!p1 $0x380;
	v7 =	vperm.xlane @!p1 v7, v9  }
0x206: {  	[tilespmem:s15], [sflag:$0x1] =	stream.indirect_vreg.gather @!p1 [hbm4b:s1+s14], $0x80, v11, vm1, $0xb8;
	[tilespmem:$0x1A480] =	vst v63  }
0x207: {  	v7 =	vadd.s32 @!p1 v10, v7;
	s15 =	simm.s32 @!p1 $0xB80  }
0x208: {  	[tilespmem:s15], [sflag:$0x1] =	stream.indirect_vreg.gather @!p1 [hbm4b:s6+s14], $0x80, v11, vm1, $0xb8;
	[tilespmem:$0x1A480] =	vst v63  }
0x209: {  	s15 =	simm.s32 @!p1 $0x1380  }
0x20a: {  	[tilespmem:s15], [sflag:$0x1] =	stream.indirect_vreg.gather @!p1 [hbm4b:s7+s14], $0x80, v11, vm1, $0xb8;
	[tilespmem:$0x1A480] =	vst v63  }
0x20b: {  	s15 =	simm.s32 @!p1 $0x1B80  }
0x20c: {  	[tilespmem:s15], [sflag:$0x1] =	stream.indirect_vreg.gather @!p1 [hbm4b:s1+s14], $0x80, v7, vm1, $0xb8;
	[tilespmem:$0x1A480] =	vst v63  }
0x20d: {  	s15 =	simm.s32 @!p1 $0x2380  }
0x20e: {  	[tilespmem:s15], [sflag:$0x1] =	stream.indirect_vreg.gather @!p1 [hbm4b:s6+s14], $0x80, v7, vm1, $0xb8;
	[tilespmem:$0x1A480] =	vst v63  }
0x20f: {  	s15 =	simm.s32 @!p1 $0x2B80  }
0x210: {  	[tilespmem:s15], [sflag:$0x1] =	stream.indirect_vreg.gather @!p1 [hbm4b:s7+s14], $0x80, v7, vm1, $0xb8;
	[tilespmem:$0x1A480] =	vst v63  }
0x211: {  	v7 =	vld @!p1 [tilespmem:s9+$0x190];
	_ =	sdelay $0x4  }
0x212: {  	v11 =	vshrl.u32 @!p1 v7, $0x3  }
0x213: {  	v11 =	vmul.u32 @!p1 $0x30, v11  }
0x214: {  	v7 =	vand.u32 @!p1 $0x7, v7  }
0x215: {  	v7 =	vor.u32 @!p1 v7, v11  }
0x216: {  	v8 =	vperm.xlane @!p1 v7, v8;
	_ =	sdelay $0x1  }
0x217: {  	v8 =	vadd.s32 @!p1 v10, v8;
	_ =	sdelay $0x3  }
0x218: {  	s9 =	simm.s32 @!p1 $0x3380;
	v7 =	vperm.xlane @!p1 v7, v9  }
0x219: {  	[tilespmem:s9], [sflag:$0x1] =	stream.indirect_vreg.gather @!p1 [hbm4b:s1+s14], $0x80, v8, vm1, $0xb8;
	[tilespmem:$0x1A480] =	vst v63  }
0x21a: {  	v7 =	vadd.s32 @!p1 v10, v7;
	s9 =	simm.s32 @!p1 $0x3B80  }
0x21b: {  	[tilespmem:s9], [sflag:$0x1] =	stream.indirect_vreg.gather @!p1 [hbm4b:s6+s14], $0x80, v8, vm1, $0xb8;
	[tilespmem:$0x1A480] =	vst v63  }
0x21c: {  	s9 =	simm.s32 @!p1 $0x4380  }
0x21d: {  	[tilespmem:s9], [sflag:$0x1] =	stream.indirect_vreg.gather @!p1 [hbm4b:s7+s14], $0x80, v8, vm1, $0xb8;
	[tilespmem:$0x1A480] =	vst v63  }
0x21e: {  	s9 =	simm.s32 @!p1 $0x4B80  }
0x21f: {  	[tilespmem:s9], [sflag:$0x1] =	stream.indirect_vreg.gather @!p1 [hbm4b:s1+s14], $0x80, v7, vm1, $0xb8;
	[tilespmem:$0x1A480] =	vst v63  }
0x220: {  	s9 =	simm.s32 @!p1 $0x5380  }
0x221: {  	[tilespmem:s9], [sflag:$0x1] =	stream.indirect_vreg.gather @!p1 [hbm4b:s6+s14], $0x80, v7, vm1, $0xb8;
	[tilespmem:$0x1A480] =	vst v63  }
0x222: {  	s9 =	simm.s32 @!p1 $0x5B80  }
0x223: {  	[tilespmem:s9], [sflag:$0x1] =	stream.indirect_vreg.gather @!p1 [hbm4b:s7+s14], $0x80, v7, vm1, $0xb8;
	[tilespmem:$0x1A480] =	vst v63  }
0x224: {  	p1 =	sge.s32 s28, s23  }
.Ltmp9:
0x225: {  	_ = 	snop;
	(pc) =	sbr.rel @p1 .LBB2_15-.Ltmp9, $1  }
0x226: {  	_ =	sdelay $0x3  }
0x227: {  	_ =	swait.ge [sflag:s31], $0x6000;
	s9 =	simm.s32 $0x0  }
0x228: {  	[sflag:s31] =	ssyncset.done $0x0;
	s14 =	sand.u32 $0x70, s9;
	s9 =	sand.u32 $0x1C00, s9  }
0x229: {  	[sflag:s31] =	ssyncadd.s32 $0xFFFFA000;
	s9 =	sor.u32 s14, s9  }
0x22a: {  	v7 =	vld [tilespmem:s9+$0xAD80]  }
0x22b: {  	v8 =	vld [tilespmem:s9+$0xAE00]  }
0x22c: {  	v9 =	vld [tilespmem:s9+$0xAB80]  }
0x22d: {  	v10 =	vld [tilespmem:s9+$0xAC00]  }
0x22e: {  	v11 =	vld [tilespmem:s9+$0x9580]  }
0x22f: {  	v12 =	vld [tilespmem:s9+$0x9600]  }
0x230: {  	v13 =	vld [tilespmem:s9+$0x9380]  }
0x231: {  	v14 =	vld [tilespmem:s9+$0x9400]  }
0x232: {  	v15 =	vld [tilespmem:s9+$0x7D80]  }
0x233: {  	v16 =	vld [tilespmem:s9+$0x7E00]  }
0x234: {  	v17 =	vld [tilespmem:s9+$0x7B80]  }
0x235: {  	v18 =	vld [tilespmem:s9+$0x7C00]  }
0x236: {  	v19 =	vld [tilespmem:s9+$0x6580]  }
0x237: {  	v20 =	vld [tilespmem:s9+$0x6380]  }
0x238: {  	v21 =	vld [tilespmem:s9+$0x6400]  }
0x239: {  	v22 =	vld [tilespmem:s9+$0x6600]  }
0x23a: {  	v23 =	vld [tilespmem:s9+$0x6480]  }
0x23b: {  	v24 =	vld [tilespmem:s9+$0x6680]  }
0x23c: {  	v25 =	vld [tilespmem:s9+$0x6500]  }
0x23d: {  	v26 =	vld [tilespmem:s9+$0x6700]  }
0x23e: {  	v27 =	vld [tilespmem:s9+$0x7C80]  }
0x23f: {  	v28 =	vld [tilespmem:s9+$0x7D00]  }
0x240: {  	v29 =	vld [tilespmem:s9+$0x7E80]  }
0x241: {  	v19 =	vadd.f32 v19, v20;
	v20 =	vadd.f32 v22, v21;
	v21 =	vld [tilespmem:s9+$0x7F00]  }
0x242: {  	v22 =	vadd.f32 v24, v23;
	v23 =	vadd.f32 v26, v25;
	v24 =	vld [tilespmem:s9+$0x9480]  }
0x243: {  	v17 =	vadd.f32 v17, v19;
	v18 =	vadd.f32 v18, v20;
	v19 =	vld [tilespmem:s9+$0x9500]  }
0x244: {  	v20 =	vadd.f32 v27, v22;
	v22 =	vadd.f32 v28, v23;
	v23 =	vld [tilespmem:s9+$0x9680]  }
0x245: {  	v15 =	vadd.f32 v15, v17;
	v16 =	vadd.f32 v16, v18;
	v17 =	vld [tilespmem:s9+$0x9700]  }
0x246: {  	v18 =	vadd.f32 v29, v20;
	v20 =	vadd.f32 v21, v22;
	v21 =	vld [tilespmem:s9+$0xAC80]  }
0x247: {  	v13 =	vadd.f32 v13, v15;
	v14 =	vadd.f32 v14, v16;
	v15 =	vld [tilespmem:s9+$0xAD00]  }
0x248: {  	v16 =	vadd.f32 v24, v18;
	v18 =	vadd.f32 v19, v20;
	v19 =	vld [tilespmem:s9+$0xAE80]  }
0x249: {  	v11 =	vadd.f32 v11, v13;
	v12 =	vadd.f32 v12, v14;
	v13 =	vld [tilespmem:s9+$0xAF00]  }
0x24a: {  	v14 =	vadd.f32 v23, v16;
	v16 =	vadd.f32 v17, v18  }
0x24b: {  	v9 =	vadd.f32 v9, v11;
	v10 =	vadd.f32 v10, v12  }
0x24c: {  	v11 =	vadd.f32 v21, v14;
	v12 =	vadd.f32 v15, v16  }
0x24d: {  	v7 =	vadd.f32 v7, v9;
	v8 =	vadd.f32 v8, v10  }
0x24e: {  	v9 =	vadd.f32 v19, v11;
	v10 =	vadd.f32 v13, v12;
	_ =	sdelay $0x1  }
0x24f: {  	v7 =	vadd.f32 v8, v7;
	v8 =	vadd.f32 v10, v9;
	_ =	sdelay $0x1  }
0x250: {  	s30 =	simm.s32 $0x80;
	s14 =	simm.s32 $0x10;
	v7 =	vadd.f32 v8, v7  }
0x251: {  	s29 =	simm.s32 $0x18380;
	s15 =	sand.u32 $0x1C00, s30;
	s9 =	sand.u32 $0x70, s14  }
0x252: {  	s9 =	sor.u32 s9, s15;
	[tilespmem:s29+$0x0] =	vst.add.f32.msk $0xffff, v7  }
0x253: {  	v7 =	vld [tilespmem:s9+$0xAD80]  }
0x254: {  	v8 =	vld [tilespmem:s9+$0xAE00]  }
0x255: {  	v9 =	vld [tilespmem:s9+$0xAB80]  }
0x256: {  	v10 =	vld [tilespmem:s9+$0xAC00]  }
0x257: {  	v11 =	vld [tilespmem:s9+$0x9580]  }
0x258: {  	v12 =	vld [tilespmem:s9+$0x9600]  }
0x259: {  	v13 =	vld [tilespmem:s9+$0x9380]  }
0x25a: {  	v14 =	vld [tilespmem:s9+$0x9400]  }
0x25b: {  	v15 =	vld [tilespmem:s9+$0x7D80]  }
0x25c: {  	v16 =	vld [tilespmem:s9+$0x7E00]  }
0x25d: {  	v17 =	vld [tilespmem:s9+$0x7B80]  }
0x25e: {  	v18 =	vld [tilespmem:s9+$0x7C00]  }
0x25f: {  	v19 =	vld [tilespmem:s9+$0x6580]  }
0x260: {  	v20 =	vld [tilespmem:s9+$0x6380]  }
0x261: {  	v21 =	vld [tilespmem:s9+$0x6400]  }
0x262: {  	v23 =	vld [tilespmem:s9+$0x6600]  }
0x263: {  	v22 =	vld [tilespmem:s9+$0x6480]  }
0x264: {  	s14 =	simm.s32 $0x20;
	v24 =	vld [tilespmem:s9+$0x6680]  }
.LBB2_13:
0x265: {  	p1 =	sne.s32 s14, $0x2F0;
	v25 =	vld [tilespmem:s9+$0x6500]  }
0x266: {  	v26 =	vld [tilespmem:s9+$0x6700]  }
0x267: {  	v27 =	vld [tilespmem:s9+$0x7C80]  }
0x268: {  	v28 =	vld [tilespmem:s9+$0x7D00]  }
0x269: {  	v29 =	vld [tilespmem:s9+$0x7E80]  }
0x26a: {  	v19 =	vadd.f32 v19, v20;
	v20 =	vadd.f32 v23, v21;
	v21 =	vld [tilespmem:s9+$0x7F00]  }
0x26b: {  	v22 =	vadd.f32 v24, v22;
	v23 =	vadd.f32 v26, v25;
	v24 =	vld [tilespmem:s9+$0x9480]  }
0x26c: {  	v17 =	vadd.f32 v17, v19;
	v18 =	vadd.f32 v18, v20;
	v19 =	vld [tilespmem:s9+$0x9500]  }
0x26d: {  	v20 =	vadd.f32 v27, v22;
	v22 =	vadd.f32 v28, v23;
	v23 =	vld [tilespmem:s9+$0x9680]  }
0x26e: {  	v15 =	vadd.f32 v15, v17;
	v16 =	vadd.f32 v16, v18;
	v17 =	vld [tilespmem:s9+$0x9700]  }
0x26f: {  	v18 =	vadd.f32 v29, v20;
	v20 =	vadd.f32 v21, v22;
	v21 =	vld [tilespmem:s9+$0xAC80]  }
0x270: {  	v13 =	vadd.f32 v13, v15;
	v14 =	vadd.f32 v14, v16;
	v15 =	vld [tilespmem:s9+$0xAD00]  }
0x271: {  	v16 =	vadd.f32 v24, v18;
	v18 =	vadd.f32 v19, v20;
	v19 =	vld [tilespmem:s9+$0xAE80]  }
0x272: {  	v11 =	vadd.f32 v11, v13;
	v12 =	vadd.f32 v12, v14;
	v13 =	vld [tilespmem:s9+$0xAF00]  }
0x273: {  	v14 =	vadd.f32 v23, v16;
	v16 =	vadd.f32 v17, v18  }
0x274: {  	v9 =	vadd.f32 v9, v11;
	v10 =	vadd.f32 v10, v12  }
0x275: {  	v11 =	vadd.f32 v21, v14;
	v12 =	vadd.f32 v15, v16  }
0x276: {  	v7 =	vadd.f32 v7, v9;
	v8 =	vadd.f32 v8, v10  }
0x277: {  	v9 =	vadd.f32 v19, v11;
	v10 =	vadd.f32 v13, v12;
	_ =	sdelay $0x1  }
0x278: {  	v7 =	vadd.f32 v8, v7;
	v8 =	vadd.f32 v10, v9;
	_ =	sdelay $0x1  }
0x279: {  	s30 =	sadd.s32 $0x80, s30;
	v7 =	vadd.f32 v8, v7  }
0x27a: {  	s29 =	sadd.s32 $0x10, s29;
	s15 =	sand.u32 $0x1C00, s30;
	s9 =	sand.u32 $0x70, s14  }
0x27b: {  	s9 =	sor.u32 s9, s15;
	[tilespmem:s29+$0x0] =	vst.add.f32.msk $0xffff, v7  }
0x27c: {  	v7 =	vld [tilespmem:s9+$0xAD80]  }
0x27d: {  	v8 =	vld [tilespmem:s9+$0xAE00]  }
0x27e: {  	v9 =	vld [tilespmem:s9+$0xAB80]  }
0x27f: {  	v10 =	vld [tilespmem:s9+$0xAC00]  }
0x280: {  	v11 =	vld [tilespmem:s9+$0x9580]  }
0x281: {  	v12 =	vld [tilespmem:s9+$0x9600]  }
0x282: {  	v13 =	vld [tilespmem:s9+$0x9380]  }
0x283: {  	v14 =	vld [tilespmem:s9+$0x9400]  }
0x284: {  	v15 =	vld [tilespmem:s9+$0x7D80]  }
0x285: {  	v16 =	vld [tilespmem:s9+$0x7E00]  }
0x286: {  	v17 =	vld [tilespmem:s9+$0x7B80]  }
0x287: {  	v18 =	vld [tilespmem:s9+$0x7C00]  }
0x288: {  	v19 =	vld [tilespmem:s9+$0x6580]  }
.Ltmp10:
0x289: {  	v20 =	vld [tilespmem:s9+$0x6380];
	(pc) =	sbr.rel @p1 .LBB2_13-.Ltmp10, $4  }
0x28a: {  	v21 =	vld [tilespmem:s9+$0x6400]  }
0x28b: {  	v23 =	vld [tilespmem:s9+$0x6600]  }
0x28c: {  	v22 =	vld [tilespmem:s9+$0x6480]  }
0x28d: {  	s14 =	sadd.s32 $0x10, s14;
	v24 =	vld [tilespmem:s9+$0x6680]  }
0x28e: {  	v25 =	vld [tilespmem:s9+$0x6500]  }
0x28f: {  	v26 =	vld [tilespmem:s9+$0x6700]  }
0x290: {  	v27 =	vld [tilespmem:s9+$0x7C80]  }
0x291: {  	v28 =	vld [tilespmem:s9+$0x7D00]  }
0x292: {  	v29 =	vld [tilespmem:s9+$0x7E80]  }
0x293: {  	v19 =	vadd.f32 v19, v20;
	v42 =	vld [tilespmem:s9+$0x7F00];
	v41 =	vadd.f32 v23, v21  }
0x294: {  	v44 =	vld [tilespmem:s9+$0x9480];
	v22 =	vadd.f32 v24, v22;
	v43 =	vadd.f32 v26, v25  }
0x295: {  	v45 =	vld [tilespmem:s9+$0x9500];
	v17 =	vadd.f32 v17, v19;
	v18 =	vadd.f32 v18, v41  }
0x296: {  	v48 =	vld [tilespmem:s9+$0x9680];
	v46 =	vadd.f32 v27, v22;
	v47 =	vadd.f32 v28, v43  }
0x297: {  	v49 =	vld [tilespmem:s9+$0x9700];
	v15 =	vadd.f32 v15, v17;
	v16 =	vadd.f32 v16, v18  }
0x298: {  	v52 =	vld [tilespmem:s9+$0xAC80];
	v50 =	vadd.f32 v29, v46;
	v51 =	vadd.f32 v42, v47  }
0x299: {  	v53 =	vld [tilespmem:s9+$0xAD00];
	v13 =	vadd.f32 v13, v15;
	v14 =	vadd.f32 v14, v16  }
0x29a: {  	v56 =	vld [tilespmem:s9+$0xAE80];
	v54 =	vadd.f32 v44, v50;
	v55 =	vadd.f32 v45, v51  }
0x29b: {  	v57 =	vld [tilespmem:s9+$0xAF00];
	v11 =	vadd.f32 v11, v13;
	v12 =	vadd.f32 v12, v14  }
0x29c: {  	v58 =	vadd.f32 v48, v54;
	v59 =	vadd.f32 v49, v55  }
0x29d: {  	v9 =	vadd.f32 v9, v11;
	v10 =	vadd.f32 v10, v12  }
0x29e: {  	v60 =	vadd.f32 v52, v58;
	v61 =	vadd.f32 v53, v59  }
0x29f: {  	v7 =	vadd.f32 v7, v9;
	v8 =	vadd.f32 v8, v10  }
0x2a0: {  	v62 =	vadd.f32 v56, v60;
	v63 =	vadd.f32 v57, v61;
	_ =	sdelay $0x1  }
0x2a1: {  	v7 =	vadd.f32 v8, v7;
	v8 =	vadd.f32 v63, v62;
	_ =	sdelay $0x1  }
0x2a2: {  	v7 =	vadd.f32 v8, v7  }
0x2a3: {  	s30 =	sadd.s32 $0x10, s29  }
0x2a4: {  	[tilespmem:s30+$0x0] =	vst.add.f32.msk $0xffff, v7  }
.LBB2_15:
0x2a5: {  	s9 =	sadd.s32 $0x5, s28  }
0x2a6: {  	p1 =	sge.s32 s9, s21  }
0x2a7: {  	s9 =	sshll.u32 @!p1 s9, $0x7  }
0x2a8: {  	s9 =	sshra.s32 @!p1 s9, $0x2  }
0x2a9: {  	v7 =	vld @!p1 [tilespmem:s9+$0x180];
	_ =	sdelay $0x4  }
0x2aa: {  	v8 =	vshrl.u32 @!p1 v7, $0x3  }
0x2ab: {  	v8 =	vmul.u32 @!p1 $0x30, v8  }
0x2ac: {  	v9 =	vlaneseq.u32 @!p1;
	v7 =	vand.u32 @!p1 $0x7, v7  }
0x2ad: {  	v10 =	vshrl.u32 @!p1 v9, $0x3;
	v7 =	vor.u32 @!p1 v7, v8;
	v8 =	vand.u32 @!p1 $0x7, v9  }
0x2ae: {  	v10 =	vmul.u32 @!p1 $0x8, v10;
	v11 =	vperm.xlane @!p1 v7, v8;
	_ =	sdelay $0x1  }
0x2af: {  	v11 =	vadd.s32 @!p1 v10, v11;
	_ =	sdelay $0x2  }
0x2b0: {  	v9 =	vor.u32 @!p1 $0x8, v9  }
0x2b1: {  	vm1 =	vmmov @!p1 $0xffff;
	s14 =	simm.s32 @!p1 $0x0;
	s15 =	simm.s32 @!p1 $0x6380;
	v7 =	vperm.xlane @!p1 v7, v9  }
0x2b2: {  	[tilespmem:s15], [sflag:$0x2] =	stream.indirect_vreg.gather @!p1 [hbm4b:s1+s14], $0x80, v11, vm1, $0xb8;
	[tilespmem:$0x1A480] =	vst v63  }
0x2b3: {  	v7 =	vadd.s32 @!p1 v10, v7;
	s15 =	simm.s32 @!p1 $0x6B80  }
0x2b4: {  	[tilespmem:s15], [sflag:$0x2] =	stream.indirect_vreg.gather @!p1 [hbm4b:s6+s14], $0x80, v11, vm1, $0xb8;
	[tilespmem:$0x1A480] =	vst v63  }
0x2b5: {  	s15 =	simm.s32 @!p1 $0x7380  }
0x2b6: {  	[tilespmem:s15], [sflag:$0x2] =	stream.indirect_vreg.gather @!p1 [hbm4b:s7+s14], $0x80, v11, vm1, $0xb8;
	[tilespmem:$0x1A480] =	vst v63  }
0x2b7: {  	s15 =	simm.s32 @!p1 $0x7B80  }
0x2b8: {  	[tilespmem:s15], [sflag:$0x2] =	stream.indirect_vreg.gather @!p1 [hbm4b:s1+s14], $0x80, v7, vm1, $0xb8;
	[tilespmem:$0x1A480] =	vst v63  }
0x2b9: {  	s15 =	simm.s32 @!p1 $0x8380  }
0x2ba: {  	[tilespmem:s15], [sflag:$0x2] =	stream.indirect_vreg.gather @!p1 [hbm4b:s6+s14], $0x80, v7, vm1, $0xb8;
	[tilespmem:$0x1A480] =	vst v63  }
0x2bb: {  	s15 =	simm.s32 @!p1 $0x8B80  }
0x2bc: {  	[tilespmem:s15], [sflag:$0x2] =	stream.indirect_vreg.gather @!p1 [hbm4b:s7+s14], $0x80, v7, vm1, $0xb8;
	[tilespmem:$0x1A480] =	vst v63  }
0x2bd: {  	v7 =	vld @!p1 [tilespmem:s9+$0x190];
	_ =	sdelay $0x4  }
0x2be: {  	v11 =	vshrl.u32 @!p1 v7, $0x3  }
0x2bf: {  	v11 =	vmul.u32 @!p1 $0x30, v11  }
0x2c0: {  	v7 =	vand.u32 @!p1 $0x7, v7  }
0x2c1: {  	v7 =	vor.u32 @!p1 v7, v11  }
0x2c2: {  	v8 =	vperm.xlane @!p1 v7, v8;
	_ =	sdelay $0x1  }
0x2c3: {  	v8 =	vadd.s32 @!p1 v10, v8;
	_ =	sdelay $0x3  }
0x2c4: {  	s9 =	simm.s32 @!p1 $0x9380;
	v7 =	vperm.xlane @!p1 v7, v9  }
0x2c5: {  	[tilespmem:s9], [sflag:$0x2] =	stream.indirect_vreg.gather @!p1 [hbm4b:s1+s14], $0x80, v8, vm1, $0xb8;
	[tilespmem:$0x1A480] =	vst v63  }
0x2c6: {  	v7 =	vadd.s32 @!p1 v10, v7;
	s9 =	simm.s32 @!p1 $0x9B80  }
0x2c7: {  	[tilespmem:s9], [sflag:$0x2] =	stream.indirect_vreg.gather @!p1 [hbm4b:s6+s14], $0x80, v8, vm1, $0xb8;
	[tilespmem:$0x1A480] =	vst v63  }
0x2c8: {  	s9 =	simm.s32 @!p1 $0xA380  }
0x2c9: {  	[tilespmem:s9], [sflag:$0x2] =	stream.indirect_vreg.gather @!p1 [hbm4b:s7+s14], $0x80, v8, vm1, $0xb8;
	[tilespmem:$0x1A480] =	vst v63  }
0x2ca: {  	s9 =	simm.s32 @!p1 $0xAB80  }
0x2cb: {  	[tilespmem:s9], [sflag:$0x2] =	stream.indirect_vreg.gather @!p1 [hbm4b:s1+s14], $0x80, v7, vm1, $0xb8;
	[tilespmem:$0x1A480] =	vst v63  }
0x2cc: {  	s9 =	simm.s32 @!p1 $0xB380  }
0x2cd: {  	[tilespmem:s9], [sflag:$0x2] =	stream.indirect_vreg.gather @!p1 [hbm4b:s6+s14], $0x80, v7, vm1, $0xb8;
	[tilespmem:$0x1A480] =	vst v63  }
0x2ce: {  	s9 =	simm.s32 @!p1 $0xBB80  }
0x2cf: {  	[tilespmem:s9], [sflag:$0x2] =	stream.indirect_vreg.gather @!p1 [hbm4b:s7+s14], $0x80, v7, vm1, $0xb8;
	[tilespmem:$0x1A480] =	vst v63  }
0x2d0: {  	p1 =	sge.s32 s28, s24  }
.Ltmp11:
0x2d1: {  	_ = 	snop;
	(pc) =	sbr.rel @p1 .LBB2_19-.Ltmp11, $1  }
0x2d2: {  	_ =	sdelay $0x3  }
0x2d3: {  	_ =	swait.ge [sflag:s2], $0x6000;
	s9 =	simm.s32 $0x0  }
0x2d4: {  	[sflag:s2] =	ssyncset.done $0x0;
	s14 =	sand.u32 $0x70, s9;
	s9 =	sand.u32 $0x1C00, s9  }
0x2d5: {  	[sflag:s2] =	ssyncadd.s32 $0xFFFFA000;
	s9 =	sor.u32 s14, s9  }
0x2d6: {  	v7 =	vld [tilespmem:s9+$0x10D80]  }
0x2d7: {  	v8 =	vld [tilespmem:s9+$0x10E00]  }
0x2d8: {  	v9 =	vld [tilespmem:s9+$0x10B80]  }
0x2d9: {  	v10 =	vld [tilespmem:s9+$0x10C00]  }
0x2da: {  	v11 =	vld [tilespmem:s9+$0xF580]  }
0x2db: {  	v12 =	vld [tilespmem:s9+$0xF600]  }
0x2dc: {  	v13 =	vld [tilespmem:s9+$0xF380]  }
0x2dd: {  	v14 =	vld [tilespmem:s9+$0xF400]  }
0x2de: {  	v15 =	vld [tilespmem:s9+$0xDD80]  }
0x2df: {  	v16 =	vld [tilespmem:s9+$0xDE00]  }
0x2e0: {  	v17 =	vld [tilespmem:s9+$0xDB80]  }
0x2e1: {  	v18 =	vld [tilespmem:s9+$0xDC00]  }
0x2e2: {  	v19 =	vld [tilespmem:s9+$0xC580]  }
0x2e3: {  	v20 =	vld [tilespmem:s9+$0xC380]  }
0x2e4: {  	v21 =	vld [tilespmem:s9+$0xC400]  }
0x2e5: {  	v22 =	vld [tilespmem:s9+$0xC600]  }
0x2e6: {  	v23 =	vld [tilespmem:s9+$0xC480]  }
0x2e7: {  	v24 =	vld [tilespmem:s9+$0xC680]  }
0x2e8: {  	v25 =	vld [tilespmem:s9+$0xC500]  }
0x2e9: {  	v26 =	vld [tilespmem:s9+$0xC700]  }
0x2ea: {  	v27 =	vld [tilespmem:s9+$0xDC80]  }
0x2eb: {  	v28 =	vld [tilespmem:s9+$0xDD00]  }
0x2ec: {  	v29 =	vld [tilespmem:s9+$0xDE80]  }
0x2ed: {  	v19 =	vadd.f32 v19, v20;
	v20 =	vadd.f32 v22, v21;
	v21 =	vld [tilespmem:s9+$0xDF00]  }
0x2ee: {  	v22 =	vadd.f32 v24, v23;
	v23 =	vadd.f32 v26, v25;
	v24 =	vld [tilespmem:s9+$0xF480]  }
0x2ef: {  	v17 =	vadd.f32 v17, v19;
	v18 =	vadd.f32 v18, v20;
	v19 =	vld [tilespmem:s9+$0xF500]  }
0x2f0: {  	v20 =	vadd.f32 v27, v22;
	v22 =	vadd.f32 v28, v23;
	v23 =	vld [tilespmem:s9+$0xF680]  }
0x2f1: {  	v15 =	vadd.f32 v15, v17;
	v16 =	vadd.f32 v16, v18;
	v17 =	vld [tilespmem:s9+$0xF700]  }
0x2f2: {  	v18 =	vadd.f32 v29, v20;
	v20 =	vadd.f32 v21, v22;
	v21 =	vld [tilespmem:s9+$0x10C80]  }
0x2f3: {  	v13 =	vadd.f32 v13, v15;
	v14 =	vadd.f32 v14, v16;
	v15 =	vld [tilespmem:s9+$0x10D00]  }
0x2f4: {  	v16 =	vadd.f32 v24, v18;
	v18 =	vadd.f32 v19, v20;
	v19 =	vld [tilespmem:s9+$0x10E80]  }
0x2f5: {  	v11 =	vadd.f32 v11, v13;
	v12 =	vadd.f32 v12, v14;
	v13 =	vld [tilespmem:s9+$0x10F00]  }
0x2f6: {  	v14 =	vadd.f32 v23, v16;
	v16 =	vadd.f32 v17, v18  }
0x2f7: {  	v9 =	vadd.f32 v9, v11;
	v10 =	vadd.f32 v10, v12  }
0x2f8: {  	v11 =	vadd.f32 v21, v14;
	v12 =	vadd.f32 v15, v16  }
0x2f9: {  	v7 =	vadd.f32 v7, v9;
	v8 =	vadd.f32 v8, v10  }
0x2fa: {  	v9 =	vadd.f32 v19, v11;
	v10 =	vadd.f32 v13, v12;
	_ =	sdelay $0x1  }
0x2fb: {  	v7 =	vadd.f32 v8, v7;
	v8 =	vadd.f32 v10, v9;
	_ =	sdelay $0x1  }
0x2fc: {  	s30 =	simm.s32 $0x80;
	s14 =	simm.s32 $0x10;
	v7 =	vadd.f32 v8, v7  }
0x2fd: {  	s29 =	simm.s32 $0x18380;
	s15 =	sand.u32 $0x1C00, s30;
	s9 =	sand.u32 $0x70, s14  }
0x2fe: {  	s9 =	sor.u32 s9, s15;
	[tilespmem:s29+$0x0] =	vst.add.f32.msk $0xffff, v7  }
0x2ff: {  	v7 =	vld [tilespmem:s9+$0x10D80]  }
0x300: {  	v8 =	vld [tilespmem:s9+$0x10E00]  }
0x301: {  	v9 =	vld [tilespmem:s9+$0x10B80]  }
0x302: {  	v10 =	vld [tilespmem:s9+$0x10C00]  }
0x303: {  	v11 =	vld [tilespmem:s9+$0xF580]  }
0x304: {  	v12 =	vld [tilespmem:s9+$0xF600]  }
0x305: {  	v13 =	vld [tilespmem:s9+$0xF380]  }
0x306: {  	v14 =	vld [tilespmem:s9+$0xF400]  }
0x307: {  	v15 =	vld [tilespmem:s9+$0xDD80]  }
0x308: {  	v16 =	vld [tilespmem:s9+$0xDE00]  }
0x309: {  	v17 =	vld [tilespmem:s9+$0xDB80]  }
0x30a: {  	v18 =	vld [tilespmem:s9+$0xDC00]  }
0x30b: {  	v19 =	vld [tilespmem:s9+$0xC580]  }
0x30c: {  	v20 =	vld [tilespmem:s9+$0xC380]  }
0x30d: {  	v21 =	vld [tilespmem:s9+$0xC400]  }
0x30e: {  	v23 =	vld [tilespmem:s9+$0xC600]  }
0x30f: {  	v22 =	vld [tilespmem:s9+$0xC480]  }
0x310: {  	s14 =	simm.s32 $0x20;
	v24 =	vld [tilespmem:s9+$0xC680]  }
.LBB2_17:
0x311: {  	p1 =	sne.s32 s14, $0x2F0;
	v25 =	vld [tilespmem:s9+$0xC500]  }
0x312: {  	v26 =	vld [tilespmem:s9+$0xC700]  }
0x313: {  	v27 =	vld [tilespmem:s9+$0xDC80]  }
0x314: {  	v28 =	vld [tilespmem:s9+$0xDD00]  }
0x315: {  	v29 =	vld [tilespmem:s9+$0xDE80]  }
0x316: {  	v19 =	vadd.f32 v19, v20;
	v20 =	vadd.f32 v23, v21;
	v21 =	vld [tilespmem:s9+$0xDF00]  }
0x317: {  	v22 =	vadd.f32 v24, v22;
	v23 =	vadd.f32 v26, v25;
	v24 =	vld [tilespmem:s9+$0xF480]  }
0x318: {  	v17 =	vadd.f32 v17, v19;
	v18 =	vadd.f32 v18, v20;
	v19 =	vld [tilespmem:s9+$0xF500]  }
0x319: {  	v20 =	vadd.f32 v27, v22;
	v22 =	vadd.f32 v28, v23;
	v23 =	vld [tilespmem:s9+$0xF680]  }
0x31a: {  	v15 =	vadd.f32 v15, v17;
	v16 =	vadd.f32 v16, v18;
	v17 =	vld [tilespmem:s9+$0xF700]  }
0x31b: {  	v18 =	vadd.f32 v29, v20;
	v20 =	vadd.f32 v21, v22;
	v21 =	vld [tilespmem:s9+$0x10C80]  }
0x31c: {  	v13 =	vadd.f32 v13, v15;
	v14 =	vadd.f32 v14, v16;
	v15 =	vld [tilespmem:s9+$0x10D00]  }
0x31d: {  	v16 =	vadd.f32 v24, v18;
	v18 =	vadd.f32 v19, v20;
	v19 =	vld [tilespmem:s9+$0x10E80]  }
0x31e: {  	v11 =	vadd.f32 v11, v13;
	v12 =	vadd.f32 v12, v14;
	v13 =	vld [tilespmem:s9+$0x10F00]  }
0x31f: {  	v14 =	vadd.f32 v23, v16;
	v16 =	vadd.f32 v17, v18  }
0x320: {  	v9 =	vadd.f32 v9, v11;
	v10 =	vadd.f32 v10, v12  }
0x321: {  	v11 =	vadd.f32 v21, v14;
	v12 =	vadd.f32 v15, v16  }
0x322: {  	v7 =	vadd.f32 v7, v9;
	v8 =	vadd.f32 v8, v10  }
0x323: {  	v9 =	vadd.f32 v19, v11;
	v10 =	vadd.f32 v13, v12;
	_ =	sdelay $0x1  }
0x324: {  	v7 =	vadd.f32 v8, v7;
	v8 =	vadd.f32 v10, v9;
	_ =	sdelay $0x1  }
0x325: {  	s30 =	sadd.s32 $0x80, s30;
	v7 =	vadd.f32 v8, v7  }
0x326: {  	s29 =	sadd.s32 $0x10, s29;
	s15 =	sand.u32 $0x1C00, s30;
	s9 =	sand.u32 $0x70, s14  }
0x327: {  	s9 =	sor.u32 s9, s15;
	[tilespmem:s29+$0x0] =	vst.add.f32.msk $0xffff, v7  }
0x328: {  	v7 =	vld [tilespmem:s9+$0x10D80]  }
0x329: {  	v8 =	vld [tilespmem:s9+$0x10E00]  }
0x32a: {  	v9 =	vld [tilespmem:s9+$0x10B80]  }
0x32b: {  	v10 =	vld [tilespmem:s9+$0x10C00]  }
0x32c: {  	v11 =	vld [tilespmem:s9+$0xF580]  }
0x32d: {  	v12 =	vld [tilespmem:s9+$0xF600]  }
0x32e: {  	v13 =	vld [tilespmem:s9+$0xF380]  }
0x32f: {  	v14 =	vld [tilespmem:s9+$0xF400]  }
0x330: {  	v15 =	vld [tilespmem:s9+$0xDD80]  }
0x331: {  	v16 =	vld [tilespmem:s9+$0xDE00]  }
0x332: {  	v17 =	vld [tilespmem:s9+$0xDB80]  }
0x333: {  	v18 =	vld [tilespmem:s9+$0xDC00]  }
0x334: {  	v19 =	vld [tilespmem:s9+$0xC580]  }
.Ltmp12:
0x335: {  	v20 =	vld [tilespmem:s9+$0xC380];
	(pc) =	sbr.rel @p1 .LBB2_17-.Ltmp12, $4  }
0x336: {  	v21 =	vld [tilespmem:s9+$0xC400]  }
0x337: {  	v23 =	vld [tilespmem:s9+$0xC600]  }
0x338: {  	v22 =	vld [tilespmem:s9+$0xC480]  }
0x339: {  	s14 =	sadd.s32 $0x10, s14;
	v24 =	vld [tilespmem:s9+$0xC680]  }
0x33a: {  	v25 =	vld [tilespmem:s9+$0xC500]  }
0x33b: {  	v26 =	vld [tilespmem:s9+$0xC700]  }
0x33c: {  	v27 =	vld [tilespmem:s9+$0xDC80]  }
0x33d: {  	v28 =	vld [tilespmem:s9+$0xDD00]  }
0x33e: {  	v29 =	vld [tilespmem:s9+$0xDE80]  }
0x33f: {  	v19 =	vadd.f32 v19, v20;
	v42 =	vld [tilespmem:s9+$0xDF00];
	v41 =	vadd.f32 v23, v21  }
0x340: {  	v44 =	vld [tilespmem:s9+$0xF480];
	v22 =	vadd.f32 v24, v22;
	v43 =	vadd.f32 v26, v25  }
0x341: {  	v45 =	vld [tilespmem:s9+$0xF500];
	v17 =	vadd.f32 v17, v19;
	v18 =	vadd.f32 v18, v41  }
0x342: {  	v48 =	vld [tilespmem:s9+$0xF680];
	v46 =	vadd.f32 v27, v22;
	v47 =	vadd.f32 v28, v43  }
0x343: {  	v49 =	vld [tilespmem:s9+$0xF700];
	v15 =	vadd.f32 v15, v17;
	v16 =	vadd.f32 v16, v18  }
0x344: {  	v52 =	vld [tilespmem:s9+$0x10C80];
	v50 =	vadd.f32 v29, v46;
	v51 =	vadd.f32 v42, v47  }
0x345: {  	v53 =	vld [tilespmem:s9+$0x10D00];
	v13 =	vadd.f32 v13, v15;
	v14 =	vadd.f32 v14, v16  }
0x346: {  	v56 =	vld [tilespmem:s9+$0x10E80];
	v54 =	vadd.f32 v44, v50;
	v55 =	vadd.f32 v45, v51  }
0x347: {  	v57 =	vld [tilespmem:s9+$0x10F00];
	v11 =	vadd.f32 v11, v13;
	v12 =	vadd.f32 v12, v14  }
0x348: {  	v58 =	vadd.f32 v48, v54;
	v59 =	vadd.f32 v49, v55  }
0x349: {  	v9 =	vadd.f32 v9, v11;
	v10 =	vadd.f32 v10, v12  }
0x34a: {  	v60 =	vadd.f32 v52, v58;
	v61 =	vadd.f32 v53, v59  }
0x34b: {  	v7 =	vadd.f32 v7, v9;
	v8 =	vadd.f32 v8, v10  }
0x34c: {  	v62 =	vadd.f32 v56, v60;
	v63 =	vadd.f32 v57, v61;
	_ =	sdelay $0x1  }
0x34d: {  	v7 =	vadd.f32 v8, v7;
	v8 =	vadd.f32 v63, v62;
	_ =	sdelay $0x1  }
0x34e: {  	v7 =	vadd.f32 v8, v7  }
0x34f: {  	s30 =	sadd.s32 $0x10, s29  }
0x350: {  	[tilespmem:s30+$0x0] =	vst.add.f32.msk $0xffff, v7  }
.LBB2_19:
0x351: {  	s9 =	sadd.s32 $0x6, s28  }
0x352: {  	p1 =	sge.s32 s9, s21  }
0x353: {  	s9 =	sshll.u32 @!p1 s9, $0x7  }
0x354: {  	s9 =	sshra.s32 @!p1 s9, $0x2  }
0x355: {  	v7 =	vld @!p1 [tilespmem:s9+$0x180];
	_ =	sdelay $0x4  }
0x356: {  	v8 =	vshrl.u32 @!p1 v7, $0x3  }
0x357: {  	v8 =	vmul.u32 @!p1 $0x30, v8  }
0x358: {  	v9 =	vlaneseq.u32 @!p1;
	v7 =	vand.u32 @!p1 $0x7, v7  }
0x359: {  	v10 =	vshrl.u32 @!p1 v9, $0x3;
	v7 =	vor.u32 @!p1 v7, v8;
	v8 =	vand.u32 @!p1 $0x7, v9  }
0x35a: {  	v10 =	vmul.u32 @!p1 $0x8, v10;
	v11 =	vperm.xlane @!p1 v7, v8;
	_ =	sdelay $0x1  }
0x35b: {  	v11 =	vadd.s32 @!p1 v10, v11;
	_ =	sdelay $0x2  }
0x35c: {  	v9 =	vor.u32 @!p1 $0x8, v9  }
0x35d: {  	vm1 =	vmmov @!p1 $0xffff;
	s14 =	simm.s32 @!p1 $0x0;
	s15 =	simm.s32 @!p1 $0xC380;
	v7 =	vperm.xlane @!p1 v7, v9  }
0x35e: {  	[tilespmem:s15], [sflag:$0x3] =	stream.indirect_vreg.gather @!p1 [hbm4b:s1+s14], $0x80, v11, vm1, $0xb8;
	[tilespmem:$0x1A480] =	vst v63  }
0x35f: {  	v7 =	vadd.s32 @!p1 v10, v7;
	s15 =	simm.s32 @!p1 $0xCB80  }
0x360: {  	[tilespmem:s15], [sflag:$0x3] =	stream.indirect_vreg.gather @!p1 [hbm4b:s6+s14], $0x80, v11, vm1, $0xb8;
	[tilespmem:$0x1A480] =	vst v63  }
0x361: {  	s15 =	simm.s32 @!p1 $0xD380  }
0x362: {  	[tilespmem:s15], [sflag:$0x3] =	stream.indirect_vreg.gather @!p1 [hbm4b:s7+s14], $0x80, v11, vm1, $0xb8;
	[tilespmem:$0x1A480] =	vst v63  }
0x363: {  	s15 =	simm.s32 @!p1 $0xDB80  }
0x364: {  	[tilespmem:s15], [sflag:$0x3] =	stream.indirect_vreg.gather @!p1 [hbm4b:s1+s14], $0x80, v7, vm1, $0xb8;
	[tilespmem:$0x1A480] =	vst v63  }
0x365: {  	s15 =	simm.s32 @!p1 $0xE380  }
0x366: {  	[tilespmem:s15], [sflag:$0x3] =	stream.indirect_vreg.gather @!p1 [hbm4b:s6+s14], $0x80, v7, vm1, $0xb8;
	[tilespmem:$0x1A480] =	vst v63  }
0x367: {  	s15 =	simm.s32 @!p1 $0xEB80  }
0x368: {  	[tilespmem:s15], [sflag:$0x3] =	stream.indirect_vreg.gather @!p1 [hbm4b:s7+s14], $0x80, v7, vm1, $0xb8;
	[tilespmem:$0x1A480] =	vst v63  }
0x369: {  	v7 =	vld @!p1 [tilespmem:s9+$0x190];
	_ =	sdelay $0x4  }
0x36a: {  	v11 =	vshrl.u32 @!p1 v7, $0x3  }
0x36b: {  	v11 =	vmul.u32 @!p1 $0x30, v11  }
0x36c: {  	v7 =	vand.u32 @!p1 $0x7, v7  }
0x36d: {  	v7 =	vor.u32 @!p1 v7, v11  }
0x36e: {  	v8 =	vperm.xlane @!p1 v7, v8;
	_ =	sdelay $0x1  }
0x36f: {  	v8 =	vadd.s32 @!p1 v10, v8;
	_ =	sdelay $0x3  }
0x370: {  	s9 =	simm.s32 @!p1 $0xF380;
	v7 =	vperm.xlane @!p1 v7, v9  }
0x371: {  	[tilespmem:s9], [sflag:$0x3] =	stream.indirect_vreg.gather @!p1 [hbm4b:s1+s14], $0x80, v8, vm1, $0xb8;
	[tilespmem:$0x1A480] =	vst v63  }
0x372: {  	v7 =	vadd.s32 @!p1 v10, v7;
	s9 =	simm.s32 @!p1 $0xFB80  }
0x373: {  	[tilespmem:s9], [sflag:$0x3] =	stream.indirect_vreg.gather @!p1 [hbm4b:s6+s14], $0x80, v8, vm1, $0xb8;
	[tilespmem:$0x1A480] =	vst v63  }
0x374: {  	s9 =	simm.s32 @!p1 $0x10380  }
0x375: {  	[tilespmem:s9], [sflag:$0x3] =	stream.indirect_vreg.gather @!p1 [hbm4b:s7+s14], $0x80, v8, vm1, $0xb8;
	[tilespmem:$0x1A480] =	vst v63  }
0x376: {  	s9 =	simm.s32 @!p1 $0x10B80  }
0x377: {  	[tilespmem:s9], [sflag:$0x3] =	stream.indirect_vreg.gather @!p1 [hbm4b:s1+s14], $0x80, v7, vm1, $0xb8;
	[tilespmem:$0x1A480] =	vst v63  }
0x378: {  	s9 =	simm.s32 @!p1 $0x11380  }
0x379: {  	[tilespmem:s9], [sflag:$0x3] =	stream.indirect_vreg.gather @!p1 [hbm4b:s6+s14], $0x80, v7, vm1, $0xb8;
	[tilespmem:$0x1A480] =	vst v63  }
0x37a: {  	s9 =	simm.s32 @!p1 $0x11B80  }
0x37b: {  	[tilespmem:s9], [sflag:$0x3] =	stream.indirect_vreg.gather @!p1 [hbm4b:s7+s14], $0x80, v7, vm1, $0xb8;
	[tilespmem:$0x1A480] =	vst v63  }
0x37c: {  	p1 =	sge.s32 s28, s25  }
.Ltmp13:
0x37d: {  	_ = 	snop;
	(pc) =	sbr.rel @p1 .LBB2_23-.Ltmp13, $1  }
0x37e: {  	_ =	sdelay $0x3  }
0x37f: {  	_ =	swait.ge [sflag:s0], $0x6000;
	s9 =	simm.s32 $0x0  }
0x380: {  	[sflag:s0] =	ssyncset.done $0x0;
	s14 =	sand.u32 $0x70, s9;
	s9 =	sand.u32 $0x1C00, s9  }
0x381: {  	[sflag:s0] =	ssyncadd.s32 $0xFFFFA000;
	s9 =	sor.u32 s14, s9  }
0x382: {  	v7 =	vld [tilespmem:s9+$0x16D80]  }
0x383: {  	v8 =	vld [tilespmem:s9+$0x16E00]  }
0x384: {  	v9 =	vld [tilespmem:s9+$0x16B80]  }
0x385: {  	v10 =	vld [tilespmem:s9+$0x16C00]  }
0x386: {  	v11 =	vld [tilespmem:s9+$0x15580]  }
0x387: {  	v12 =	vld [tilespmem:s9+$0x15600]  }
0x388: {  	v13 =	vld [tilespmem:s9+$0x15380]  }
0x389: {  	v14 =	vld [tilespmem:s9+$0x15400]  }
0x38a: {  	v15 =	vld [tilespmem:s9+$0x13D80]  }
0x38b: {  	v16 =	vld [tilespmem:s9+$0x13E00]  }
0x38c: {  	v17 =	vld [tilespmem:s9+$0x13B80]  }
0x38d: {  	v18 =	vld [tilespmem:s9+$0x13C00]  }
0x38e: {  	v19 =	vld [tilespmem:s9+$0x12580]  }
0x38f: {  	v20 =	vld [tilespmem:s9+$0x12380]  }
0x390: {  	v21 =	vld [tilespmem:s9+$0x12400]  }
0x391: {  	v22 =	vld [tilespmem:s9+$0x12600]  }
0x392: {  	v23 =	vld [tilespmem:s9+$0x12480]  }
0x393: {  	v24 =	vld [tilespmem:s9+$0x12680]  }
0x394: {  	v25 =	vld [tilespmem:s9+$0x12500]  }
0x395: {  	v26 =	vld [tilespmem:s9+$0x12700]  }
0x396: {  	v27 =	vld [tilespmem:s9+$0x13C80]  }
0x397: {  	v28 =	vld [tilespmem:s9+$0x13D00]  }
0x398: {  	v29 =	vld [tilespmem:s9+$0x13E80]  }
0x399: {  	v19 =	vadd.f32 v19, v20;
	v20 =	vadd.f32 v22, v21;
	v21 =	vld [tilespmem:s9+$0x13F00]  }
0x39a: {  	v22 =	vadd.f32 v24, v23;
	v23 =	vadd.f32 v26, v25;
	v24 =	vld [tilespmem:s9+$0x15480]  }
0x39b: {  	v17 =	vadd.f32 v17, v19;
	v18 =	vadd.f32 v18, v20;
	v19 =	vld [tilespmem:s9+$0x15500]  }
0x39c: {  	v20 =	vadd.f32 v27, v22;
	v22 =	vadd.f32 v28, v23;
	v23 =	vld [tilespmem:s9+$0x15680]  }
0x39d: {  	v15 =	vadd.f32 v15, v17;
	v16 =	vadd.f32 v16, v18;
	v17 =	vld [tilespmem:s9+$0x15700]  }
0x39e: {  	v18 =	vadd.f32 v29, v20;
	v20 =	vadd.f32 v21, v22;
	v21 =	vld [tilespmem:s9+$0x16C80]  }
0x39f: {  	v13 =	vadd.f32 v13, v15;
	v14 =	vadd.f32 v14, v16;
	v15 =	vld [tilespmem:s9+$0x16D00]  }
0x3a0: {  	v16 =	vadd.f32 v24, v18;
	v18 =	vadd.f32 v19, v20;
	v19 =	vld [tilespmem:s9+$0x16E80]  }
0x3a1: {  	v11 =	vadd.f32 v11, v13;
	v12 =	vadd.f32 v12, v14;
	v13 =	vld [tilespmem:s9+$0x16F00]  }
0x3a2: {  	v14 =	vadd.f32 v23, v16;
	v16 =	vadd.f32 v17, v18  }
0x3a3: {  	v9 =	vadd.f32 v9, v11;
	v10 =	vadd.f32 v10, v12  }
0x3a4: {  	v11 =	vadd.f32 v21, v14;
	v12 =	vadd.f32 v15, v16  }
0x3a5: {  	v7 =	vadd.f32 v7, v9;
	v8 =	vadd.f32 v8, v10  }
0x3a6: {  	v9 =	vadd.f32 v19, v11;
	v10 =	vadd.f32 v13, v12;
	_ =	sdelay $0x1  }
0x3a7: {  	v7 =	vadd.f32 v8, v7;
	v8 =	vadd.f32 v10, v9;
	_ =	sdelay $0x1  }
0x3a8: {  	s30 =	simm.s32 $0x80;
	s14 =	simm.s32 $0x10;
	v7 =	vadd.f32 v8, v7  }
0x3a9: {  	s29 =	simm.s32 $0x18380;
	s15 =	sand.u32 $0x1C00, s30;
	s9 =	sand.u32 $0x70, s14  }
0x3aa: {  	s9 =	sor.u32 s9, s15;
	[tilespmem:s29+$0x0] =	vst.add.f32.msk $0xffff, v7  }
0x3ab: {  	v7 =	vld [tilespmem:s9+$0x16D80]  }
0x3ac: {  	v8 =	vld [tilespmem:s9+$0x16E00]  }
0x3ad: {  	v9 =	vld [tilespmem:s9+$0x16B80]  }
0x3ae: {  	v10 =	vld [tilespmem:s9+$0x16C00]  }
0x3af: {  	v11 =	vld [tilespmem:s9+$0x15580]  }
0x3b0: {  	v12 =	vld [tilespmem:s9+$0x15600]  }
0x3b1: {  	v13 =	vld [tilespmem:s9+$0x15380]  }
0x3b2: {  	v14 =	vld [tilespmem:s9+$0x15400]  }
0x3b3: {  	v15 =	vld [tilespmem:s9+$0x13D80]  }
0x3b4: {  	v16 =	vld [tilespmem:s9+$0x13E00]  }
0x3b5: {  	v17 =	vld [tilespmem:s9+$0x13B80]  }
0x3b6: {  	v18 =	vld [tilespmem:s9+$0x13C00]  }
0x3b7: {  	v19 =	vld [tilespmem:s9+$0x12580]  }
0x3b8: {  	v20 =	vld [tilespmem:s9+$0x12380]  }
0x3b9: {  	v21 =	vld [tilespmem:s9+$0x12400]  }
0x3ba: {  	v23 =	vld [tilespmem:s9+$0x12600]  }
0x3bb: {  	v22 =	vld [tilespmem:s9+$0x12480]  }
0x3bc: {  	s14 =	simm.s32 $0x20;
	v24 =	vld [tilespmem:s9+$0x12680]  }
.LBB2_21:
0x3bd: {  	p1 =	sne.s32 s14, $0x2F0;
	v25 =	vld [tilespmem:s9+$0x12500]  }
0x3be: {  	v26 =	vld [tilespmem:s9+$0x12700]  }
0x3bf: {  	v27 =	vld [tilespmem:s9+$0x13C80]  }
0x3c0: {  	v28 =	vld [tilespmem:s9+$0x13D00]  }
0x3c1: {  	v29 =	vld [tilespmem:s9+$0x13E80]  }
0x3c2: {  	v19 =	vadd.f32 v19, v20;
	v20 =	vadd.f32 v23, v21;
	v21 =	vld [tilespmem:s9+$0x13F00]  }
0x3c3: {  	v22 =	vadd.f32 v24, v22;
	v23 =	vadd.f32 v26, v25;
	v24 =	vld [tilespmem:s9+$0x15480]  }
0x3c4: {  	v17 =	vadd.f32 v17, v19;
	v18 =	vadd.f32 v18, v20;
	v19 =	vld [tilespmem:s9+$0x15500]  }
0x3c5: {  	v20 =	vadd.f32 v27, v22;
	v22 =	vadd.f32 v28, v23;
	v23 =	vld [tilespmem:s9+$0x15680]  }
0x3c6: {  	v15 =	vadd.f32 v15, v17;
	v16 =	vadd.f32 v16, v18;
	v17 =	vld [tilespmem:s9+$0x15700]  }
0x3c7: {  	v18 =	vadd.f32 v29, v20;
	v20 =	vadd.f32 v21, v22;
	v21 =	vld [tilespmem:s9+$0x16C80]  }
0x3c8: {  	v13 =	vadd.f32 v13, v15;
	v14 =	vadd.f32 v14, v16;
	v15 =	vld [tilespmem:s9+$0x16D00]  }
0x3c9: {  	v16 =	vadd.f32 v24, v18;
	v18 =	vadd.f32 v19, v20;
	v19 =	vld [tilespmem:s9+$0x16E80]  }
0x3ca: {  	v11 =	vadd.f32 v11, v13;
	v12 =	vadd.f32 v12, v14;
	v13 =	vld [tilespmem:s9+$0x16F00]  }
0x3cb: {  	v14 =	vadd.f32 v23, v16;
	v16 =	vadd.f32 v17, v18  }
0x3cc: {  	v9 =	vadd.f32 v9, v11;
	v10 =	vadd.f32 v10, v12  }
0x3cd: {  	v11 =	vadd.f32 v21, v14;
	v12 =	vadd.f32 v15, v16  }
0x3ce: {  	v7 =	vadd.f32 v7, v9;
	v8 =	vadd.f32 v8, v10  }
0x3cf: {  	v9 =	vadd.f32 v19, v11;
	v10 =	vadd.f32 v13, v12;
	_ =	sdelay $0x1  }
0x3d0: {  	v7 =	vadd.f32 v8, v7;
	v8 =	vadd.f32 v10, v9;
	_ =	sdelay $0x1  }
0x3d1: {  	s30 =	sadd.s32 $0x80, s30;
	v7 =	vadd.f32 v8, v7  }
0x3d2: {  	s29 =	sadd.s32 $0x10, s29;
	s15 =	sand.u32 $0x1C00, s30;
	s9 =	sand.u32 $0x70, s14  }
0x3d3: {  	s9 =	sor.u32 s9, s15;
	[tilespmem:s29+$0x0] =	vst.add.f32.msk $0xffff, v7  }
0x3d4: {  	v7 =	vld [tilespmem:s9+$0x16D80]  }
0x3d5: {  	v8 =	vld [tilespmem:s9+$0x16E00]  }
0x3d6: {  	v9 =	vld [tilespmem:s9+$0x16B80]  }
0x3d7: {  	v10 =	vld [tilespmem:s9+$0x16C00]  }
0x3d8: {  	v11 =	vld [tilespmem:s9+$0x15580]  }
0x3d9: {  	v12 =	vld [tilespmem:s9+$0x15600]  }
0x3da: {  	v13 =	vld [tilespmem:s9+$0x15380]  }
0x3db: {  	v14 =	vld [tilespmem:s9+$0x15400]  }
0x3dc: {  	v15 =	vld [tilespmem:s9+$0x13D80]  }
0x3dd: {  	v16 =	vld [tilespmem:s9+$0x13E00]  }
0x3de: {  	v17 =	vld [tilespmem:s9+$0x13B80]  }
0x3df: {  	v18 =	vld [tilespmem:s9+$0x13C00]  }
0x3e0: {  	v19 =	vld [tilespmem:s9+$0x12580]  }
.Ltmp14:
0x3e1: {  	v20 =	vld [tilespmem:s9+$0x12380];
	(pc) =	sbr.rel @p1 .LBB2_21-.Ltmp14, $4  }
0x3e2: {  	v21 =	vld [tilespmem:s9+$0x12400]  }
0x3e3: {  	v23 =	vld [tilespmem:s9+$0x12600]  }
0x3e4: {  	v22 =	vld [tilespmem:s9+$0x12480]  }
0x3e5: {  	s14 =	sadd.s32 $0x10, s14;
	v24 =	vld [tilespmem:s9+$0x12680]  }
0x3e6: {  	v25 =	vld [tilespmem:s9+$0x12500]  }
0x3e7: {  	v26 =	vld [tilespmem:s9+$0x12700]  }
0x3e8: {  	v27 =	vld [tilespmem:s9+$0x13C80]  }
0x3e9: {  	v28 =	vld [tilespmem:s9+$0x13D00]  }
0x3ea: {  	v29 =	vld [tilespmem:s9+$0x13E80]  }
0x3eb: {  	v19 =	vadd.f32 v19, v20;
	v42 =	vld [tilespmem:s9+$0x13F00];
	v41 =	vadd.f32 v23, v21  }
0x3ec: {  	v44 =	vld [tilespmem:s9+$0x15480];
	v22 =	vadd.f32 v24, v22;
	v43 =	vadd.f32 v26, v25  }
0x3ed: {  	v45 =	vld [tilespmem:s9+$0x15500];
	v17 =	vadd.f32 v17, v19;
	v18 =	vadd.f32 v18, v41  }
0x3ee: {  	v48 =	vld [tilespmem:s9+$0x15680];
	v46 =	vadd.f32 v27, v22;
	v47 =	vadd.f32 v28, v43  }
0x3ef: {  	v49 =	vld [tilespmem:s9+$0x15700];
	v15 =	vadd.f32 v15, v17;
	v16 =	vadd.f32 v16, v18  }
0x3f0: {  	v52 =	vld [tilespmem:s9+$0x16C80];
	v50 =	vadd.f32 v29, v46;
	v51 =	vadd.f32 v42, v47  }
0x3f1: {  	v53 =	vld [tilespmem:s9+$0x16D00];
	v13 =	vadd.f32 v13, v15;
	v14 =	vadd.f32 v14, v16  }
0x3f2: {  	v56 =	vld [tilespmem:s9+$0x16E80];
	v54 =	vadd.f32 v44, v50;
	v55 =	vadd.f32 v45, v51  }
0x3f3: {  	v57 =	vld [tilespmem:s9+$0x16F00];
	v11 =	vadd.f32 v11, v13;
	v12 =	vadd.f32 v12, v14  }
0x3f4: {  	v58 =	vadd.f32 v48, v54;
	v59 =	vadd.f32 v49, v55  }
0x3f5: {  	v9 =	vadd.f32 v9, v11;
	v10 =	vadd.f32 v10, v12  }
0x3f6: {  	v60 =	vadd.f32 v52, v58;
	v61 =	vadd.f32 v53, v59  }
0x3f7: {  	v7 =	vadd.f32 v7, v9;
	v8 =	vadd.f32 v8, v10  }
0x3f8: {  	v62 =	vadd.f32 v56, v60;
	v63 =	vadd.f32 v57, v61;
	_ =	sdelay $0x1  }
.Ltmp15:
0x3f9: {  	v7 =	vadd.f32 v8, v7;
	v8 =	vadd.f32 v63, v62;
	(pc) =	sbr.rel .LBB2_23-.Ltmp15, $4  }
0x3fa: {  	_ = 	snop  }
0x3fb: {  	v7 =	vadd.f32 v8, v7  }
0x3fc: {  	s30 =	sadd.s32 $0x10, s29  }
0x3fd: {  	[tilespmem:s30+$0x0] =	vst.add.f32.msk $0xffff, v7  }
.LBB2_24:
0x3fe: {  	s9 =	simm.s32 $0x0  }
0x3ff: {  	s14 =	sshll.u32 s21, $0x5;
	v8 =	vld [tilespmem:s9+$0x18680]  }
0x400: {  	s14 =	ssub.s32 s14, s20  }
0x401: {  	v9 =	vld [tilespmem:s9+$0x18380];
	s14 =	scvt.s32.f32 s14;
	_ =	sdelay $0x1  }
0x402: {  	v7 =	vmov s14  }
0x403: {  	v8 =	vmul.f32 v8, v7;
	_ =	sdelay $0x1  }
0x404: {  	s20 =	simm.s32 $0x10;
	s14 =	simm.s32 $0x80;
	v8 =	vsub.f32 v9, v8  }
.LBB2_25:
0x405: {  	p1 =	sne.s32 s14, $0xBC0;
	v9 =	vld [tilespmem:s20+$0x18680]  }
0x406: {  	[tilespmem:s9+$0x18380] =	vst v8;
	s9 =	smov.u32 s20  }
0x407: {  	v8 =	vld [tilespmem:s9+$0x18380]  }
.Ltmp16:
0x408: {  	(pc) =	sbr.rel @p1 .LBB2_25-.Ltmp16, $3  }
0x409: {  	_ = 	snop  }
0x40a: {  	v9 =	vmul.f32 v9, v7;
	_ =	sdelay $0x1  }
0x40b: {  	s20 =	sshra.s32 s14, $0x2;
	s14 =	sadd.s32 $0x40, s14;
	v8 =	vsub.f32 v8, v9  }
0x40c: {  	v9 =	vld [tilespmem:s20+$0x18680]  }
0x40d: {  	[tilespmem:s9+$0x18380] =	vst v8  }
0x40e: {  	v8 =	vld [tilespmem:s20+$0x18380];
	_ =	sdelay $0x2  }
0x40f: {  	v7 =	vmul.f32 v9, v7;
	_ =	sdelay $0x1  }
0x410: {  	v7 =	vsub.f32 v8, v7;
	_ =	sdelay $0x1  }
0x411: {  	[tilespmem:s20+$0x18380] =	vst v7  }
0x412: {  	[spmem:s8] =	stream.linear.scatter [tilespmem:s18], [sflag:$0x5], $0x300, $0x38;
	[tilespmem:$0x1A480] =	vst v63  }
.Ltmp17:
0x413: {  	_ =	swait.ge [sflag:s12], $0x300;
	(pc) =	sbr.rel @p0 .LBB2_30-.Ltmp17, $3  }
0x414: {  	[sflag:s12] =	ssyncset.done $0x0  }
0x415: {  	[sflag:s12] =	ssyncadd.s32 $0xFFFFFD00  }
0x416: {  	[bflag:$0x0] =	sbarrier.arrive $0xFFFF;
	_ =	sdelay $0x1  }
0x417: {  	s9 =	simm.s32 $0x18980  }
0x418: {  	[tilespmem:s9], [sflag:$0x5] =	stream.linear.gather [spmem:s8], $0x1800, $0x38;
	[tilespmem:$0x1A480] =	vst v63  }
0x419: {  	_ =	swait.ge [sflag:s12], $0x1800  }
0x41a: {  	s14 =	simm.s32 $0x0;
	[sflag:s12] =	ssyncset.done $0x0  }
0x41b: {  	s14 =	sand.u32 $0x3F0, s14;
	[sflag:s12] =	ssyncadd.s32 $0xFFFFE800  }
0x41c: {  	v7 =	vld [tilespmem:s14+$0x18C80]  }
0x41d: {  	v8 =	vld [tilespmem:s9+$0x0];
	_ =	sdelay $0x1  }
0x41e: {  	v9 =	vld [tilespmem:s14+$0x18F80];
	_ =	sdelay $0x1  }
0x41f: {  	v10 =	vld [tilespmem:s14+$0x19280]  }
0x420: {  	v7 =	vadd.f32 v7, v8  }
0x421: {  	v8 =	vld [tilespmem:s14+$0x19580]  }
0x422: {  	v7 =	vadd.f32 v9, v7  }
0x423: {  	v62 =	vld [tilespmem:s14+$0x19880]  }
0x424: {  	v7 =	vadd.f32 v10, v7  }
0x425: {  	v63 =	vld [tilespmem:s14+$0x19B80]  }
0x426: {  	v7 =	vadd.f32 v8, v7  }
0x427: {  	v8 =	vld [tilespmem:s14+$0x19E80]  }
0x428: {  	v7 =	vadd.f32 v62, v7;
	_ =	sdelay $0x1  }
0x429: {  	v7 =	vadd.f32 v63, v7;
	_ =	sdelay $0x1  }
0x42a: {  	v7 =	vadd.f32 v8, v7  }
0x42b: {  	s30 =	simm.s32 $0x10;
	s9 =	simm.s32 $0x18380  }
0x42c: {  	s14 =	sand.u32 $0x3F0, s30;
	[tilespmem:s9+$0x0] =	vst v7  }
0x42d: {  	s21 =	simm.s32 $0x20;
	s20 =	simm.s32 $0x18990;
	v7 =	vld [tilespmem:s14+$0x18C80]  }
.LBB2_28:
0x42e: {  	p1 =	sne.s32 s21, $0x2F0;
	v8 =	vld [tilespmem:s20+$0x0];
	_ =	sdelay $0x1  }
0x42f: {  	v9 =	vld [tilespmem:s14+$0x18F80];
	_ =	sdelay $0x1  }
0x430: {  	v10 =	vld [tilespmem:s14+$0x19280]  }
0x431: {  	v7 =	vadd.f32 v7, v8  }
0x432: {  	v8 =	vld [tilespmem:s14+$0x19580]  }
0x433: {  	v7 =	vadd.f32 v9, v7  }
0x434: {  	v9 =	vld [tilespmem:s14+$0x19880]  }
0x435: {  	v7 =	vadd.f32 v10, v7  }
0x436: {  	v10 =	vld [tilespmem:s14+$0x19B80]  }
0x437: {  	v7 =	vadd.f32 v8, v7  }
0x438: {  	v8 =	vld [tilespmem:s14+$0x19E80]  }
0x439: {  	v7 =	vadd.f32 v9, v7;
	_ =	sdelay $0x1  }
0x43a: {  	v7 =	vadd.f32 v10, v7  }
.Ltmp18:
0x43b: {  	(pc) =	sbr.rel @p1 .LBB2_28-.Ltmp18, $4  }
0x43c: {  	v7 =	vadd.f32 v8, v7  }
0x43d: {  	s9 =	sadd.s32 $0x10, s9  }
0x43e: {  	s14 =	sand.u32 $0x3F0, s21;
	[tilespmem:s9+$0x0] =	vst v7  }
0x43f: {  	s20 =	sadd.s32 $0x10, s20;
	s21 =	sadd.s32 $0x10, s21;
	v7 =	vld [tilespmem:s14+$0x18C80]  }
0x440: {  	v8 =	vld [tilespmem:s20+$0x0];
	_ =	sdelay $0x1  }
0x441: {  	v9 =	vld [tilespmem:s14+$0x18F80];
	_ =	sdelay $0x1  }
0x442: {  	v10 =	vld [tilespmem:s14+$0x19280]  }
0x443: {  	v7 =	vadd.f32 v7, v8  }
0x444: {  	v8 =	vld [tilespmem:s14+$0x19580]  }
0x445: {  	v7 =	vadd.f32 v9, v7  }
0x446: {  	v62 =	vld [tilespmem:s14+$0x19880]  }
0x447: {  	v7 =	vadd.f32 v10, v7  }
0x448: {  	v63 =	vld [tilespmem:s14+$0x19B80]  }
0x449: {  	v7 =	vadd.f32 v8, v7  }
0x44a: {  	v8 =	vld [tilespmem:s14+$0x19E80]  }
0x44b: {  	v7 =	vadd.f32 v62, v7;
	_ =	sdelay $0x1  }
0x44c: {  	v7 =	vadd.f32 v63, v7;
	_ =	sdelay $0x1  }
0x44d: {  	v7 =	vadd.f32 v8, v7  }
0x44e: {  	s9 =	sadd.s32 $0x10, s9  }
.Ltmp19:
0x44f: {  	s30 =	rddreg [dreg:$0x5];
	[tilespmem:s9+$0x0] =	vst v7;
	(pc) =	sbr.rel .LBB2_30-.Ltmp19, $4  }
0x450: {  	[hbm4b:s30+s3] =	stream.linear.scatter [tilespmem:s18], [sflag:$0x5], $0x300, $0x38;
	[tilespmem:$0x1A480] =	vst v63  }
0x451: {  	_ =	swait.ge [sflag:s12], $0x300  }
0x452: {  	[sflag:s12] =	ssyncset.done $0x0  }
0x453: {  	[sflag:s12] =	ssyncadd.s32 $0xFFFFFD00  }
.LBB2_31:
0x454: {  	_ =	sfence.sel $0x180000  }
0x455: {  	[bflag:$0x0] =	sbarrier.arrive $0xFFFF  }
0x456: {  	_ =	strace $0x90000047  }
0x457: {  	s0 =	stileid.u32;
	[bflag:$0x2] =	sbarrier.arrive $0xFFFF  }
0x458: {  	p0 =	sne.s32 s0, $0x0;
	s0 =	rddreg [dreg:$0x4]  }
0x459: {  	s0 =	sadd.s32 @!p0 $0x100000, s0  }
0x45a: {  	[sflag:s0] =	ssyncadd.tile.s32 @!p0 $0x1;
	_ =	shalt  }
.Lfunc_end2:
_tile_overlayer_lowered:
.L_overlay_start_2:
0x45b: {  	(tag) =	ssettag $0x2  }
0x45c: {  	s0 =	rddreg [dreg:$0x0];
	s2 =	stileid.u32  }
0x45d: {  	s1 =	rddreg [dreg:$0x1];
	p0 =	sne.s32 s2, $0x0  }
0x45e: {  	s3 =	rddreg [dreg:$0x2];
	[bflag:$0x3] =	sbarrier.arrive $0xFFFF;
	s2 =	simm.s32 @!p0 $0x1C05  }
0x45f: {  	[timem:s3], [sflag:s2] =	dma.local @!p0 [hbm:s0], s1  }
0x460: {  	s0 =	simm.s32 @!p0 $0x5  }
0x461: {  	_ =	swait.ge @!p0 [sflag:s0], s1  }
0x462: {  	s1 =	ssub.s32 @!p0 $0x0, s1;
	[sflag:s0] =	ssyncset.done @!p0 $0x0  }
0x463: {  	[sflag:s0] =	ssyncadd.s32 @!p0 s1  }
0x464: {  	[bflag:$0x3] =	sbarrier.arrive $0xFFFF  }
0x465: {  	_ =	shalt  }

</sc_bundles>
